<compile_context>
chip_gen: v7x
topology: tpu7x:2x2x1
jax: 0.10.2.dev20260603
libtpu: 0.0.44.dev20260713+nightly
codegen_flags: <defaults>
</compile_context>

<pallas_src>
import functools

import jax
import jax.numpy as jnp
from jax.experimental import pallas as pl
from jax.experimental.pallas import tpu as pltpu
from jax.experimental.pallas import tpu_sc as plsc

_GATHER_WINDOW = 128


def _sc_gather(emb_table, idx2d):
    n_chunks, w = idx2d.shape
    d = emb_table.shape[1]
    mesh = plsc.VectorSubcoreMesh(core_axis_name="c", subcore_axis_name="s")

    @functools.partial(
        pl.kernel,
        out_type=jax.ShapeDtypeStruct((n_chunks * w, d), emb_table.dtype),
        mesh=mesh,
        scratch_types=[pltpu.SemaphoreType.DMA, pltpu.SemaphoreType.DMA],
    )
    def gather_kernel(table_hbm, idx_hbm, out_hbm, sem0, sem1):
        def body(i_vmem, o_vmem):
            c0 = pltpu.async_copy(
                table_hbm.at[i_vmem.at[0]], o_vmem.at[pl.ds(0, w)], sem0)
            c1 = pltpu.async_copy(
                table_hbm.at[i_vmem.at[1]], o_vmem.at[pl.ds(w, w)], sem1)
            c0.wait()
            c1.wait()

        pltpu.emit_pipeline(
            body,
            grid=(n_chunks // 2,),
            in_specs=[pl.BlockSpec((2, w), index_map=lambda i: (i, 0))],
            out_specs=[pl.BlockSpec((2 * w, d), index_map=lambda i: (i, 0))],
            core_axis_name=("c", "s"),
            dimension_semantics=(pltpu.PARALLEL,),
        )(idx_hbm, out_hbm)

    return gather_kernel(emb_table, idx2d)


def _dense_body(ea_ref, eb_ref, eps_ref, wh_ref, bh_ref, wm_ref, bm_ref,
                wl_ref, bl_ref, z_ref):
    ea = ea_ref[...]
    eb = eb_ref[...]
    sum_e = jnp.sum(ea, axis=0) + jnp.sum(eb, axis=0)
    sum_sq = jnp.sum(ea * ea, axis=0) + jnp.sum(eb * eb, axis=0)
    bi = 0.5 * (sum_e * sum_e - sum_sq)
    h = jax.nn.sigmoid(
        jnp.dot(bi, wh_ref[...], preferred_element_type=jnp.float32)
        + bh_ref[...]
    )
    m = jnp.dot(h, wm_ref[...], preferred_element_type=jnp.float32) + bm_ref[...]
    lv = jnp.dot(h, wl_ref[...], preferred_element_type=jnp.float32) + bl_ref[...]
    z_ref[...] = m + jnp.exp(0.5 * lv) * eps_ref[...]


def _dense(e3, eps, w_h, b_h, w_mean, b_mean, w_logvar, b_logvar):
    f, b, d = e3.shape
    h = w_h.shape[1]
    l = w_mean.shape[1]
    bb = 512
    fh = f // 2
    return pl.pallas_call(
        _dense_body,
        grid=(b // bb,),
        in_specs=[
            pl.BlockSpec((fh, bb, d), lambda i: (0, i, 0)),
            pl.BlockSpec((f - fh, bb, d), lambda i: (1, i, 0)),
            pl.BlockSpec((bb, l), lambda i: (i, 0)),
            pl.BlockSpec((d, h), lambda i: (0, 0)),
            pl.BlockSpec((1, h), lambda i: (0, 0)),
            pl.BlockSpec((h, l), lambda i: (0, 0)),
            pl.BlockSpec((1, l), lambda i: (0, 0)),
            pl.BlockSpec((h, l), lambda i: (0, 0)),
            pl.BlockSpec((1, l), lambda i: (0, 0)),
        ],
        out_specs=pl.BlockSpec((bb, l), lambda i: (i, 0)),
        out_shape=jax.ShapeDtypeStruct((b, l), jnp.float32),
    )(e3, e3, eps, w_h, b_h, w_mean, b_mean, w_logvar, b_logvar)


def _dense_last_body(ea_ref, eb_ref, eps_ref, wh_ref, bh_ref, wm_ref, bm_ref,
                     wl_ref, bl_ref, z0_ref, z_ref, *, nb):
    i = pl.program_id(0)

    @pl.when(i < nb)
    def _copy():
        z_ref[...] = z0_ref[...]

    @pl.when(i >= nb)
    def _compute():
        _dense_body(ea_ref, eb_ref, eps_ref, wh_ref, bh_ref, wm_ref, bm_ref,
                    wl_ref, bl_ref, z_ref)


def _dense_last(e3, eps, w_h, b_h, w_mean, b_mean, w_logvar, b_logvar, z0):
    f, bc, d = e3.shape
    h = w_h.shape[1]
    l = w_mean.shape[1]
    bb = 512
    fh = f // 2
    nb = z0.shape[0] // bb
    nc = bc // bb
    return pl.pallas_call(
        functools.partial(_dense_last_body, nb=nb),
        grid=(nb + nc,),
        in_specs=[
            pl.BlockSpec((fh, bb, d), lambda i: (0, jnp.maximum(i - nb, 0), 0)),
            pl.BlockSpec((f - fh, bb, d),
                         lambda i: (1, jnp.maximum(i - nb, 0), 0)),
            pl.BlockSpec((bb, l), lambda i: (jnp.maximum(i - nb, 0), 0)),
            pl.BlockSpec((d, h), lambda i: (0, 0)),
            pl.BlockSpec((1, h), lambda i: (0, 0)),
            pl.BlockSpec((h, l), lambda i: (0, 0)),
            pl.BlockSpec((1, l), lambda i: (0, 0)),
            pl.BlockSpec((h, l), lambda i: (0, 0)),
            pl.BlockSpec((1, l), lambda i: (0, 0)),
            pl.BlockSpec((bb, l), lambda i: (jnp.minimum(i, nb - 1), 0)),
        ],
        out_specs=pl.BlockSpec((bb, l), lambda i: (i, 0)),
        out_shape=jax.ShapeDtypeStruct((z0.shape[0] + bc, l), jnp.float32),
    )(e3, e3, eps, w_h, b_h, w_mean, b_mean, w_logvar, b_logvar, z0)


def kernel(indices, eps, emb_table, W_h, b_h, W_mean, b_mean, W_logvar,
           b_logvar):
    b, f = indices.shape
    d = emb_table.shape[1]
    wh = W_h
    wm = W_mean
    wl = W_logvar
    chunks = (2048, 2048)
    starts = [sum(chunks[:i]) for i in range(len(chunks))]
    zs = []
    for c, (s0, bc) in enumerate(zip(starts, chunks)):
        idx2d = (indices[s0:s0 + bc].astype(jnp.int32).T
                 .reshape(-1, _GATHER_WINDOW))
        e_flat = _sc_gather(emb_table, idx2d)
        e3 = e_flat.reshape(f, bc, d)
        args = (
            e3,
            eps[s0:s0 + bc],
            wh,
            b_h.reshape(1, -1),
            wm,
            b_mean.reshape(1, -1),
            wl,
            b_logvar.reshape(1, -1),
        )
        if c < len(chunks) - 1:
            zs.append(_dense(*args))
        else:
            zs = [_dense_last(*args, jnp.concatenate(zs, axis=0)
                              if len(zs) > 1 else zs[0])]
    return zs[0]

# --- scband reference (transcript-rebuilt; emitter-appended) ---
"""Pipeline reference for scband-sve-76270029242800 (READ-ONLY COPY).

The authoritative reference and input builder live on the scoring server;
editing this copy changes nothing except your own understanding.
"""

import jax, jax.numpy as jnp
import numpy as np

VOCAB = 100000
EMBED = 128
FIELDS = 26
HIDDEN = 2048
LATENT = 256
BATCH = 4096


def setup_inputs(seed: int = 0) -> dict:
    key = jax.random.key(seed)
    ks = jax.random.split(key, 9)
    indices = jax.random.randint(ks[0], (BATCH, FIELDS), 0, VOCAB, dtype=jnp.int64)
    eps = jax.random.normal(ks[1], (BATCH, LATENT), dtype=jnp.float32)
    emb_table = jax.random.normal(ks[2], (VOCAB, EMBED), dtype=jnp.float32) * 0.02
    W_h = jax.random.normal(ks[3], (EMBED, HIDDEN), dtype=jnp.float32) * 0.02
    b_h = jnp.zeros((HIDDEN,), dtype=jnp.float32)
    W_mean = jax.random.normal(ks[4], (HIDDEN, LATENT), dtype=jnp.float32) * 0.02
    b_mean = jnp.zeros((LATENT,), dtype=jnp.float32)
    W_logvar = jax.random.normal(ks[5], (HIDDEN, LATENT), dtype=jnp.float32) * 0.02
    b_logvar = jnp.zeros((LATENT,), dtype=jnp.float32)
    return {
        "indices": indices,
        "eps": eps,
        "emb_table": emb_table,
        "W_h": W_h,
        "b_h": b_h,
        "W_mean": W_mean,
        "b_mean": b_mean,
        "W_logvar": W_logvar,
        "b_logvar": b_logvar,
    }


def reference(indices, eps, emb_table, W_h, b_h, W_mean, b_mean, W_logvar, b_logvar):
    # 1) Embedding layer: gather per-field embeddings
    e = jnp.take(emb_table, indices, axis=0)  # [B, F, D]
    # 2) Bi-Interaction pooling: 0.5 * ((sum_f e)^2 - sum_f e^2)
    sum_e = jnp.sum(e, axis=1)            # [B, D]
    sum_sq = jnp.sum(e * e, axis=1)       # [B, D]
    bi = 0.5 * (sum_e * sum_e - sum_sq)   # [B, D]
    # 3) Hidden dense layer with sigmoid
    h = jax.nn.sigmoid(bi @ W_h + b_h)    # [B, H]
    # 4) Mean and log-variance heads
    x_mean = h @ W_mean + b_mean          # [B, L]
    x_logvar = h @ W_logvar + b_logvar    # [B, L]
    # 5) Sampling layer (reparameterization trick with externally supplied eps)
    z = x_mean + jnp.exp(0.5 * x_logvar) * eps
    return z

if __name__ == "__main__":
    import jax
    _d = setup_inputs()
    print(jax.jit(kernel)(*tuple(_d.values())))

</pallas_src>

<mosaic_0001>
#map = affine_map<(d0, d1) -> (0, 0)>
module attributes {stable_mosaic.version = 14 : i64} {
  func.func @gather_kernel(%arg0: i32, %arg1: i32, %arg2: memref<100000x128xf32, #tpu.memory_space<hbm>>, %arg3: memref<416x128xi32, #tpu.memory_space<hbm>>, %arg4: memref<53248x128xf32, #tpu.memory_space<hbm>>, %arg5: memref<!tpu.dma_semaphore, #tpu.memory_space<semaphore_mem>>, %arg6: memref<!tpu.dma_semaphore, #tpu.memory_space<semaphore_mem>>) attributes {dimension_semantics = [#tpu.dimension_semantics<core_parallel>, #tpu.dimension_semantics<subcore_parallel>], iteration_bounds = array<i64: 2, 16>, scalar_prefetch = 0 : i64, scratch_operands = 2 : i64, tpu.core_type = #tpu.core_type<sc_vector_subcore>, window_params = [{transform_indices = #map}, {transform_indices = #map}, {transform_indices = #map}]} {
    %mul3A = arith.constant 1 : i32
    %mul3A_0 = arith.muli %arg1, %mul3A : i32
    %add3A = arith.constant 0 : i32
    %add3A_1 = arith.addi %add3A, %mul3A_0 : i32
    %mul3A_2 = arith.constant 16 : i32
    %mul3A_3 = arith.muli %arg0, %mul3A_2 : i32
    %add3A_4 = arith.addi %add3A_1, %mul3A_3 : i32
    %lt3A = arith.constant 16 : i32
    %lt3A_5 = arith.cmpi slt, %add3A_4, %lt3A : i32
    %jit3A = arith.constant 7 : i32
    %jit3A_6 = arith.constant 6 : i32
    %select_n3A = arith.select %lt3A_5, %jit3A, %jit3A_6 : i32
    %lt3A_7 = arith.constant 16 : i32
    %lt3A_8 = arith.cmpi slt, %add3A_4, %lt3A_7 : i32
    %mul3A_9 = arith.muli %add3A_4, %select_n3A : i32
    %mul3A_10 = arith.constant 6 : i32
    %mul3A_11 = arith.muli %add3A_4, %mul3A_10 : i32
    %add3A_12 = arith.constant 16 : i32
    %add3A_13 = arith.addi %mul3A_11, %add3A_12 : i32
    %select_n3A_14 = arith.select %lt3A_8, %mul3A_9, %add3A_13 : i32
    %mul3A_15 = arith.constant 1 : i32
    %mul3A_16 = arith.muli %mul3A_15, %select_n3A : i32
    "tpu.region"() ({
      %run_scoped3A = memref.alloca() : memref<2x2x128xi32, #tpu.memory_space<vmem>>
      %run_scoped3A_17 = tpu.sem_alloc : memref<2x!tpu.dma_semaphore, #tpu.memory_space<semaphore_mem>>
      %run_scoped3A_18 = memref.alloca() : memref<2x256x128xf32, #tpu.memory_space<vmem>>
      %run_scoped3A_19 = tpu.sem_alloc : memref<2x!tpu.dma_semaphore, #tpu.memory_space<semaphore_mem>>
      %gt3A = arith.constant 0 : i32
      %gt3A_20 = arith.cmpi sgt, %mul3A_16, %gt3A : i32
      %convert_element_type3A = arith.extui %gt3A_20 : i1 to i32
      %cond3A = arith.constant 0 : i32
      %cond3A_21 = arith.cmpi ne, %convert_element_type3A, %cond3A : i32
      scf.if %cond3A_21 {
        %mul3A_22 = arith.constant 1 : i32
        %mul3A_23 = arith.muli %mul3A_22, %select_n3A : i32
        %sub3A = arith.constant 1 : i32
        %sub3A_24 = arith.subi %mul3A_23, %sub3A : i32
        %eq3A = arith.constant 0 : i32
        %eq3A_25 = arith.cmpi eq, %sub3A_24, %eq3A : i32
        %add3A_26 = arith.constant 0 : i32
        %add3A_27 = arith.addi %add3A_26, %select_n3A_14 : i32
        %select_n3A_28 = arith.constant true
        %select_n3A_29 = arith.constant 0 : i32
        %select_n3A_30 = arith.constant -1 : i32
        %select_n3A_31 = arith.select %select_n3A_28, %select_n3A_30, %select_n3A_29 : i32
        %eq3A_32 = arith.constant -1 : i32
        %eq3A_33 = arith.cmpi eq, %select_n3A_31, %eq3A_32 : i32
        %sub3A_34 = arith.constant 1 : i32
        %sub3A_35 = arith.subi %select_n3A, %sub3A_34 : i32
        %select_n3A_36 = arith.select %eq3A_33, %sub3A_35, %select_n3A_31 : i32
        %add3A_37 = arith.addi %select_n3A_36, %select_n3A_14 : i32
        %select_n3A_38 = arith.constant true
        %select_n3A_39 = arith.constant 0 : i32
        %select_n3A_40 = arith.constant 1 : i32
        %select_n3A_41 = arith.select %select_n3A_38, %select_n3A_40, %select_n3A_39 : i32
        %eq3A_42 = arith.cmpi eq, %select_n3A_41, %select_n3A : i32
        %select_n3A_43 = arith.constant 0 : i32
        %select_n3A_44 = arith.select %eq3A_42, %select_n3A_43, %select_n3A_41 : i32
        %add3A_45 = arith.addi %select_n3A_44, %select_n3A_14 : i32
        %add3A_46 = arith.constant 1 : i32
        %add3A_47 = arith.addi %select_n3A_44, %add3A_46 : i32
        %select_n3A_48 = arith.constant true
        %select_n3A_49 = arith.select %select_n3A_48, %add3A_47, %select_n3A_44 : i32
        %eq3A_50 = arith.cmpi eq, %select_n3A_49, %select_n3A : i32
        %select_n3A_51 = arith.constant 0 : i32
        %select_n3A_52 = arith.select %eq3A_50, %select_n3A_51, %select_n3A_49 : i32
        %add3A_53 = arith.addi %select_n3A_52, %select_n3A_14 : i32
        "tpu.trace_start"() <{level = 10 : i32, message = "ep_initialize_0"}> : () -> ()
        %rem3A = arith.constant 0 : i32
        %rem3A_54 = arith.constant 2 : i32
        %rem3A_55 = arith.remui %rem3A, %rem3A_54 : i32
        %mul3A_56 = arith.constant 2 : i32
        %mul3A_57 = arith.muli %mul3A_56, %add3A_27 : i32
        %dma_start3A = arith.constant 0 : i32
        %dma_start3A_58 = arith.constant 0 : i32
        %dma_start3A_59 = tpu.memref_slice %run_scoped3A[%rem3A_55, %dma_start3A, %dma_start3A_58] : memref<2x2x128xi32, #tpu.memory_space<vmem>> -> memref<1x2x128xi32, #tpu.memory_space<vmem>>
        %dma_start3A_60 = tpu.memref_squeeze %dma_start3A_59 : memref<1x2x128xi32, #tpu.memory_space<vmem>> -> memref<2x128xi32, #tpu.memory_space<vmem>>
        %dma_start3A_61 = arith.constant 0 : i32
        %dma_start3A_62 = tpu.memref_slice %arg3[%mul3A_57, %dma_start3A_61] : memref<416x128xi32, #tpu.memory_space<hbm>> -> memref<2x128xi32, #tpu.memory_space<hbm>>
        %dma_start3A_63 = tpu.memref_slice %run_scoped3A_17[%rem3A_55] : memref<2x!tpu.dma_semaphore, #tpu.memory_space<semaphore_mem>> -> memref<1x!tpu.dma_semaphore, #tpu.memory_space<semaphore_mem>>
        %dma_start3A_64 = tpu.memref_squeeze %dma_start3A_63 : memref<1x!tpu.dma_semaphore, #tpu.memory_space<semaphore_mem>> -> memref<!tpu.dma_semaphore, #tpu.memory_space<semaphore_mem>>
        %dma_start3A_65 = arith.constant 0 : i32
        %dma_start3A_66 = arith.constant 0 : i32
        %dma_start3A_67 = tpu.memref_slice %run_scoped3A[%rem3A_55, %dma_start3A_65, %dma_start3A_66] : memref<2x2x128xi32, #tpu.memory_space<vmem>> -> memref<1x2x128xi32, #tpu.memory_space<vmem>>
        %dma_start3A_68 = tpu.memref_squeeze %dma_start3A_67 : memref<1x2x128xi32, #tpu.memory_space<vmem>> -> memref<2x128xi32, #tpu.memory_space<vmem>>
        %dma_start3A_69 = arith.constant 0 : i32
        %dma_start3A_70 = tpu.memref_slice %arg3[%mul3A_57, %dma_start3A_69] : memref<416x128xi32, #tpu.memory_space<hbm>> -> memref<2x128xi32, #tpu.memory_space<hbm>>
        tpu.enqueue_dma source(%dma_start3A_70 : memref<2x128xi32, #tpu.memory_space<hbm>>) target(%dma_start3A_68 : memref<2x128xi32, #tpu.memory_space<vmem>>) target_semaphore(%dma_start3A_64 : memref<!tpu.dma_semaphore, #tpu.memory_space<semaphore_mem>>)
        %add3A_71 = arith.constant 0 : i32
        %add3A_72 = arith.constant 1 : i32
        %add3A_73 = arith.addi %add3A_71, %add3A_72 : i32
        %select_n3A_74 = arith.constant true
        %select_n3A_75 = arith.constant 0 : i32
        %select_n3A_76 = arith.select %select_n3A_74, %add3A_73, %select_n3A_75 : i32
        %while3A = arith.constant 0 : i32
        %while3A_77 = arith.constant 0 : i32
        %while3A_78 = arith.constant 0 : i32
        %while3A_79 = arith.constant 0 : i32
        %while3A_80 = arith.constant 0 : i32
        "tpu.trace_stop"() : () -> ()
        %while3A_81 = arith.subi %mul3A_16, %while3A : i32
        %while3A_82 = arith.addi %while3A, %while3A_81 : i32
        %while3A_83 = arith.constant 1 : i32
        %while3A_84 = arith.divsi %while3A_81, %while3A_83 : i32
        %while3A_85 = arith.muli %while3A_84, %while3A_83 : i32
        %while3A_86 = arith.addi %while3A, %while3A_85 : i32
        %while3A_87 = arith.constant 1 : i32
        %while3A_88:5 = scf.for %while3A_142 = %while3A to %while3A_86 step %while3A_87 iter_args(%while3A_143 = %select_n3A_76, %while3A_144 = %while3A_77, %while3A_145 = %while3A_78, %while3A_146 = %while3A_79, %while3A_147 = %while3A_80) -> (i32, i32, i32, i32, i32)  : i32 {
          %mul3A_148 = arith.constant 1 : i32
          %mul3A_149 = arith.muli %mul3A_148, %select_n3A : i32
          %eq3A_150 = arith.constant 0 : i32
          %eq3A_151 = arith.cmpi eq, %while3A_142, %eq3A_150 : i32
          %sub3A_152 = arith.constant 1 : i32
          %sub3A_153 = arith.subi %mul3A_149, %sub3A_152 : i32
          %eq3A_154 = arith.cmpi eq, %while3A_142, %sub3A_153 : i32
          %add3A_155 = arith.addi %while3A_147, %select_n3A_14 : i32
          %sub3A_156 = arith.constant 1 : i32
          %sub3A_157 = arith.subi %while3A_147, %sub3A_156 : i32
          %select_n3A_158 = arith.constant true
          %select_n3A_159 = arith.select %select_n3A_158, %sub3A_157, %while3A_147 : i32
          %eq3A_160 = arith.constant -1 : i32
          %eq3A_161 = arith.cmpi eq, %select_n3A_159, %eq3A_160 : i32
          %sub3A_162 = arith.constant 1 : i32
          %sub3A_163 = arith.subi %select_n3A, %sub3A_162 : i32
          %select_n3A_164 = arith.select %eq3A_161, %sub3A_163, %select_n3A_159 : i32
          %add3A_165 = arith.addi %select_n3A_164, %select_n3A_14 : i32
          %add3A_166 = arith.constant 1 : i32
          %add3A_167 = arith.addi %while3A_147, %add3A_166 : i32
          %select_n3A_168 = arith.constant true
          %select_n3A_169 = arith.select %select_n3A_168, %add3A_167, %while3A_147 : i32
          %eq3A_170 = arith.cmpi eq, %select_n3A_169, %select_n3A : i32
          %select_n3A_171 = arith.constant 0 : i32
          %select_n3A_172 = arith.select %eq3A_170, %select_n3A_171, %select_n3A_169 : i32
          %add3A_173 = arith.addi %select_n3A_172, %select_n3A_14 : i32
          %add3A_174 = arith.constant 1 : i32
          %add3A_175 = arith.addi %select_n3A_172, %add3A_174 : i32
          %select_n3A_176 = arith.constant true
          %select_n3A_177 = arith.select %select_n3A_176, %add3A_175, %select_n3A_172 : i32
          %eq3A_178 = arith.cmpi eq, %select_n3A_177, %select_n3A : i32
          %select_n3A_179 = arith.constant 0 : i32
          %select_n3A_180 = arith.select %eq3A_178, %select_n3A_179, %select_n3A_177 : i32
          %add3A_181 = arith.addi %select_n3A_180, %select_n3A_14 : i32
          %ne3A = arith.cmpi ne, %add3A_155, %add3A_173 : i32
          %or3A = arith.constant false
          %or3A_182 = arith.ori %or3A, %ne3A : i1
          %or3A_183 = arith.constant false
          %or3A_184 = arith.ori %or3A_182, %or3A_183 : i1
          %sub3A_185 = arith.constant 2 : i32
          %sub3A_186 = arith.subi %mul3A_149, %sub3A_185 : i32
          %add3A_187 = arith.constant 1 : i32
          %add3A_188 = arith.addi %sub3A_186, %add3A_187 : i32
          %ge3A = arith.cmpi sge, %while3A_142, %add3A_188 : i32
          %not3A = arith.constant true
          %not3A_189 = arith.xori %ge3A, %not3A : i1
          %and3A = arith.andi %or3A_184, %not3A_189 : i1
          %convert_element_type3A_190 = arith.extui %and3A : i1 to i32
          %cond3A_191 = arith.constant 0 : i32
          %cond3A_192 = arith.cmpi ne, %convert_element_type3A_190, %cond3A_191 : i32
          scf.if %cond3A_192 {
            "tpu.trace_start"() <{level = 10 : i32, message = "ep_copy_in"}> : () -> ()
            %rem3A_374 = arith.constant 2 : i32
            %rem3A_375 = arith.remui %while3A_143, %rem3A_374 : i32
            %mul3A_376 = arith.constant 2 : i32
            %mul3A_377 = arith.muli %mul3A_376, %add3A_173 : i32
            %dma_start3A_378 = arith.constant 0 : i32
            %dma_start3A_379 = arith.constant 0 : i32
            %dma_start3A_380 = tpu.memref_slice %run_scoped3A[%rem3A_375, %dma_start3A_378, %dma_start3A_379] : memref<2x2x128xi32, #tpu.memory_space<vmem>> -> memref<1x2x128xi32, #tpu.memory_space<vmem>>
            %dma_start3A_381 = tpu.memref_squeeze %dma_start3A_380 : memref<1x2x128xi32, #tpu.memory_space<vmem>> -> memref<2x128xi32, #tpu.memory_space<vmem>>
            %dma_start3A_382 = arith.constant 0 : i32
            %dma_start3A_383 = tpu.memref_slice %arg3[%mul3A_377, %dma_start3A_382] : memref<416x128xi32, #tpu.memory_space<hbm>> -> memref<2x128xi32, #tpu.memory_space<hbm>>
            %dma_start3A_384 = tpu.memref_slice %run_scoped3A_17[%rem3A_375] : memref<2x!tpu.dma_semaphore, #tpu.memory_space<semaphore_mem>> -> memref<1x!tpu.dma_semaphore, #tpu.memory_space<semaphore_mem>>
            %dma_start3A_385 = tpu.memref_squeeze %dma_start3A_384 : memref<1x!tpu.dma_semaphore, #tpu.memory_space<semaphore_mem>> -> memref<!tpu.dma_semaphore, #tpu.memory_space<semaphore_mem>>
            %dma_start3A_386 = arith.constant 0 : i32
            %dma_start3A_387 = arith.constant 0 : i32
            %dma_start3A_388 = tpu.memref_slice %run_scoped3A[%rem3A_375, %dma_start3A_386, %dma_start3A_387] : memref<2x2x128xi32, #tpu.memory_space<vmem>> -> memref<1x2x128xi32, #tpu.memory_space<vmem>>
            %dma_start3A_389 = tpu.memref_squeeze %dma_start3A_388 : memref<1x2x128xi32, #tpu.memory_space<vmem>> -> memref<2x128xi32, #tpu.memory_space<vmem>>
            %dma_start3A_390 = arith.constant 0 : i32
            %dma_start3A_391 = tpu.memref_slice %arg3[%mul3A_377, %dma_start3A_390] : memref<416x128xi32, #tpu.memory_space<hbm>> -> memref<2x128xi32, #tpu.memory_space<hbm>>
            tpu.enqueue_dma source(%dma_start3A_391 : memref<2x128xi32, #tpu.memory_space<hbm>>) target(%dma_start3A_389 : memref<2x128xi32, #tpu.memory_space<vmem>>) target_semaphore(%dma_start3A_385 : memref<!tpu.dma_semaphore, #tpu.memory_space<semaphore_mem>>)
            "tpu.trace_stop"() : () -> ()
          } else {
          }
          %and3A_193 = arith.constant true
          %and3A_194 = arith.andi %and3A, %and3A_193 : i1
          %add3A_195 = arith.constant 1 : i32
          %add3A_196 = arith.addi %while3A_143, %add3A_195 : i32
          %select_n3A_197 = arith.select %and3A_194, %add3A_196, %while3A_143 : i32
          %ne3A_198 = arith.cmpi ne, %add3A_155, %add3A_173 : i32
          %or3A_199 = arith.constant false
          %or3A_200 = arith.ori %or3A_199, %ne3A_198 : i1
          %or3A_201 = arith.constant false
          %or3A_202 = arith.ori %or3A_200, %or3A_201 : i1
          %sub3A_203 = arith.constant 2 : i32
          %sub3A_204 = arith.subi %mul3A_149, %sub3A_203 : i32
          %add3A_205 = arith.constant 1 : i32
          %add3A_206 = arith.addi %sub3A_204, %add3A_205 : i32
          %ge3A_207 = arith.cmpi sge, %while3A_142, %add3A_206 : i32
          %not3A_208 = arith.constant true
          %not3A_209 = arith.xori %ge3A_207, %not3A_208 : i1
          %and3A_210 = arith.andi %or3A_202, %not3A_209 : i1
          %ne3A_211 = arith.cmpi ne, %add3A_155, %add3A_165 : i32
          %or3A_212 = arith.constant false
          %or3A_213 = arith.ori %or3A_212, %ne3A_211 : i1
          %or3A_214 = arith.constant false
          %or3A_215 = arith.ori %or3A_213, %or3A_214 : i1
          %or3A_216 = arith.ori %or3A_215, %eq3A_151 : i1
          %convert_element_type3A_217 = arith.extui %or3A_216 : i1 to i32
          %cond3A_218 = arith.constant 0 : i32
          %cond3A_219 = arith.cmpi ne, %convert_element_type3A_217, %cond3A_218 : i32
          scf.if %cond3A_219 {
            "tpu.trace_start"() <{level = 10 : i32, message = "ep_wait_in"}> : () -> ()
            %mul3A_374 = arith.constant 2 : i32
            %mul3A_375 = arith.muli %mul3A_374, %add3A_155 : i32
            %rem3A_376 = arith.constant 2 : i32
            %rem3A_377 = arith.remui %while3A_144, %rem3A_376 : i32
            %dma_wait3A_378 = arith.constant 0 : i32
            %dma_wait3A_379 = arith.constant 0 : i32
            %dma_wait3A_380 = tpu.memref_slice %run_scoped3A[%rem3A_377, %dma_wait3A_378, %dma_wait3A_379] : memref<2x2x128xi32, #tpu.memory_space<vmem>> -> memref<1x2x128xi32, #tpu.memory_space<vmem>>
            %dma_wait3A_381 = tpu.memref_squeeze %dma_wait3A_380 : memref<1x2x128xi32, #tpu.memory_space<vmem>> -> memref<2x128xi32, #tpu.memory_space<vmem>>
            %dma_wait3A_382 = arith.constant 0 : i32
            %dma_wait3A_383 = tpu.memref_slice %arg3[%mul3A_375, %dma_wait3A_382] : memref<416x128xi32, #tpu.memory_space<hbm>> -> memref<2x128xi32, #tpu.memory_space<hbm>>
            %dma_wait3A_384 = tpu.memref_slice %run_scoped3A_17[%rem3A_377] : memref<2x!tpu.dma_semaphore, #tpu.memory_space<semaphore_mem>> -> memref<1x!tpu.dma_semaphore, #tpu.memory_space<semaphore_mem>>
            %dma_wait3A_385 = tpu.memref_squeeze %dma_wait3A_384 : memref<1x!tpu.dma_semaphore, #tpu.memory_space<semaphore_mem>> -> memref<!tpu.dma_semaphore, #tpu.memory_space<semaphore_mem>>
            %dma_wait3A_386 = arith.constant 0 : i32
            %dma_wait3A_387 = arith.constant 0 : i32
            %dma_wait3A_388 = tpu.memref_slice %run_scoped3A[%rem3A_377, %dma_wait3A_386, %dma_wait3A_387] : memref<2x2x128xi32, #tpu.memory_space<vmem>> -> memref<1x2x128xi32, #tpu.memory_space<vmem>>
            %dma_wait3A_389 = tpu.memref_squeeze %dma_wait3A_388 : memref<1x2x128xi32, #tpu.memory_space<vmem>> -> memref<2x128xi32, #tpu.memory_space<vmem>>
            %dma_wait3A_390 = arith.constant 0 : i32
            %dma_wait3A_391 = tpu.memref_slice %arg3[%mul3A_375, %dma_wait3A_390] : memref<416x128xi32, #tpu.memory_space<hbm>> -> memref<2x128xi32, #tpu.memory_space<hbm>>
            tpu.wait_dma2 semaphore(%dma_wait3A_385 : memref<!tpu.dma_semaphore, #tpu.memory_space<semaphore_mem>>) src(%dma_wait3A_391 : memref<2x128xi32, #tpu.memory_space<hbm>>) dst(%dma_wait3A_389 : memref<2x128xi32, #tpu.memory_space<vmem>>)
            "tpu.trace_stop"() : () -> ()
          } else {
          }
          %ne3A_220 = arith.cmpi ne, %add3A_155, %add3A_165 : i32
          %or3A_221 = arith.constant false
          %or3A_222 = arith.ori %or3A_221, %ne3A_220 : i1
          %or3A_223 = arith.constant false
          %or3A_224 = arith.ori %or3A_222, %or3A_223 : i1
          %or3A_225 = arith.ori %or3A_224, %eq3A_151 : i1
          %convert_element_type3A_226 = arith.extui %or3A_225 : i1 to i32
          %cond3A_227 = arith.constant 0 : i32
          %cond3A_228 = arith.cmpi ne, %convert_element_type3A_226, %cond3A_227 : i32
          scf.if %cond3A_228 {
          } else {
          }
          %rem3A_229 = arith.constant 2 : i32
          %rem3A_230 = arith.remui %while3A_144, %rem3A_229 : i32
          %rem3A_231 = arith.constant 2 : i32
          %rem3A_232 = arith.remui %while3A_145, %rem3A_231 : i32
          %dma_start3A_233 = arith.constant 0 : i32
          "tpu.trace_start"() <{level = 10 : i32, message = "ep_run_kernel"}> : () -> ()
          %dma_start3A_234 = arith.constant 0 : i32
          %dma_start3A_235 = arith.constant 0 : i32
          %dma_start3A_236 = tpu.memref_slice %run_scoped3A_18[%rem3A_232, %dma_start3A_234, %dma_start3A_235] : memref<2x256x128xf32, #tpu.memory_space<vmem>> -> memref<1x256x128xf32, #tpu.memory_space<vmem>>
          %dma_start3A_237 = tpu.memref_squeeze %dma_start3A_236 : memref<1x256x128xf32, #tpu.memory_space<vmem>> -> memref<256x128xf32, #tpu.memory_space<vmem>>
          %dma_start3A_238 = arith.constant 0 : i32
          %dma_start3A_239 = arith.constant 0 : i32
          %dma_start3A_240 = tpu.memref_slice %dma_start3A_237[%dma_start3A_238, %dma_start3A_239] : memref<256x128xf32, #tpu.memory_space<vmem>> -> memref<128x128xf32, #tpu.memory_space<vmem>>
          %dma_start3A_241 = arith.constant 0 : i32
          %dma_start3A_242 = arith.constant 0 : i32
          %dma_start3A_243 = tpu.memref_slice %run_scoped3A[%rem3A_230, %dma_start3A_241, %dma_start3A_242] : memref<2x2x128xi32, #tpu.memory_space<vmem>> -> memref<1x2x128xi32, #tpu.memory_space<vmem>>
          %dma_start3A_244 = tpu.memref_squeeze %dma_start3A_243 : memref<1x2x128xi32, #tpu.memory_space<vmem>> -> memref<2x128xi32, #tpu.memory_space<vmem>>
          %dma_start3A_245 = arith.constant 0 : i32
          %dma_start3A_246 = tpu.memref_slice %dma_start3A_244[%dma_start3A_233, %dma_start3A_245] : memref<2x128xi32, #tpu.memory_space<vmem>> -> memref<1x128xi32, #tpu.memory_space<vmem>>
          %dma_start3A_247 = tpu.memref_squeeze %dma_start3A_246 : memref<1x128xi32, #tpu.memory_space<vmem>> -> memref<128xi32, #tpu.memory_space<vmem>>
          %dma_start3A_248 = arith.constant 0 : i32
          %dma_start3A_249 = arith.constant 0 : i32
          %dma_start3A_250 = tpu.memref_slice %arg2[%dma_start3A_248, %dma_start3A_249] : memref<100000x128xf32, #tpu.memory_space<hbm>> -> memref<100000x128xf32, #tpu.memory_space<hbm>>
          tpu.enqueue_indirect_dma source(%dma_start3A_250 : memref<100000x128xf32, #tpu.memory_space<hbm>>) target(%dma_start3A_240 : memref<128x128xf32, #tpu.memory_space<vmem>>) offsets(%dma_start3A_247 : memref<128xi32, #tpu.memory_space<vmem>>) semaphore(%arg5 : memref<!tpu.dma_semaphore, #tpu.memory_space<semaphore_mem>>)
          %dma_start3A_251 = arith.constant 1 : i32
          %dma_start3A_252 = arith.constant 0 : i32
          %dma_start3A_253 = arith.constant 0 : i32
          %dma_start3A_254 = tpu.memref_slice %run_scoped3A_18[%rem3A_232, %dma_start3A_252, %dma_start3A_253] : memref<2x256x128xf32, #tpu.memory_space<vmem>> -> memref<1x256x128xf32, #tpu.memory_space<vmem>>
          %dma_start3A_255 = tpu.memref_squeeze %dma_start3A_254 : memref<1x256x128xf32, #tpu.memory_space<vmem>> -> memref<256x128xf32, #tpu.memory_space<vmem>>
          %dma_start3A_256 = arith.constant 128 : i32
          %dma_start3A_257 = arith.constant 0 : i32
          %dma_start3A_258 = tpu.memref_slice %dma_start3A_255[%dma_start3A_256, %dma_start3A_257] : memref<256x128xf32, #tpu.memory_space<vmem>> -> memref<128x128xf32, #tpu.memory_space<vmem>>
          %dma_start3A_259 = arith.constant 0 : i32
          %dma_start3A_260 = arith.constant 0 : i32
          %dma_start3A_261 = tpu.memref_slice %run_scoped3A[%rem3A_230, %dma_start3A_259, %dma_start3A_260] : memref<2x2x128xi32, #tpu.memory_space<vmem>> -> memref<1x2x128xi32, #tpu.memory_space<vmem>>
          %dma_start3A_262 = tpu.memref_squeeze %dma_start3A_261 : memref<1x2x128xi32, #tpu.memory_space<vmem>> -> memref<2x128xi32, #tpu.memory_space<vmem>>
          %dma_start3A_263 = arith.constant 0 : i32
          %dma_start3A_264 = tpu.memref_slice %dma_start3A_262[%dma_start3A_251, %dma_start3A_263] : memref<2x128xi32, #tpu.memory_space<vmem>> -> memref<1x128xi32, #tpu.memory_space<vmem>>
          %dma_start3A_265 = tpu.memref_squeeze %dma_start3A_264 : memref<1x128xi32, #tpu.memory_space<vmem>> -> memref<128xi32, #tpu.memory_space<vmem>>
          %dma_start3A_266 = arith.constant 0 : i32
          %dma_start3A_267 = arith.constant 0 : i32
          %dma_start3A_268 = tpu.memref_slice %arg2[%dma_start3A_266, %dma_start3A_267] : memref<100000x128xf32, #tpu.memory_space<hbm>> -> memref<100000x128xf32, #tpu.memory_space<hbm>>
          tpu.enqueue_indirect_dma source(%dma_start3A_268 : memref<100000x128xf32, #tpu.memory_space<hbm>>) target(%dma_start3A_258 : memref<128x128xf32, #tpu.memory_space<vmem>>) offsets(%dma_start3A_265 : memref<128xi32, #tpu.memory_space<vmem>>) semaphore(%arg6 : memref<!tpu.dma_semaphore, #tpu.memory_space<semaphore_mem>>)
          %dma_wait3A = arith.constant 0 : i32
          %dma_wait3A_269 = arith.constant 0 : i32
          %dma_wait3A_270 = arith.constant 0 : i32
          %dma_wait3A_271 = tpu.memref_slice %run_scoped3A_18[%rem3A_232, %dma_wait3A_269, %dma_wait3A_270] : memref<2x256x128xf32, #tpu.memory_space<vmem>> -> memref<1x256x128xf32, #tpu.memory_space<vmem>>
          %dma_wait3A_272 = tpu.memref_squeeze %dma_wait3A_271 : memref<1x256x128xf32, #tpu.memory_space<vmem>> -> memref<256x128xf32, #tpu.memory_space<vmem>>
          %dma_wait3A_273 = arith.constant 0 : i32
          %dma_wait3A_274 = arith.constant 0 : i32
          %dma_wait3A_275 = tpu.memref_slice %dma_wait3A_272[%dma_wait3A_273, %dma_wait3A_274] : memref<256x128xf32, #tpu.memory_space<vmem>> -> memref<128x128xf32, #tpu.memory_space<vmem>>
          %dma_wait3A_276 = arith.constant 0 : i32
          %dma_wait3A_277 = arith.constant 0 : i32
          %dma_wait3A_278 = tpu.memref_slice %run_scoped3A[%rem3A_230, %dma_wait3A_276, %dma_wait3A_277] : memref<2x2x128xi32, #tpu.memory_space<vmem>> -> memref<1x2x128xi32, #tpu.memory_space<vmem>>
          %dma_wait3A_279 = tpu.memref_squeeze %dma_wait3A_278 : memref<1x2x128xi32, #tpu.memory_space<vmem>> -> memref<2x128xi32, #tpu.memory_space<vmem>>
          %dma_wait3A_280 = arith.constant 0 : i32
          %dma_wait3A_281 = tpu.memref_slice %dma_wait3A_279[%dma_wait3A, %dma_wait3A_280] : memref<2x128xi32, #tpu.memory_space<vmem>> -> memref<1x128xi32, #tpu.memory_space<vmem>>
          %dma_wait3A_282 = tpu.memref_squeeze %dma_wait3A_281 : memref<1x128xi32, #tpu.memory_space<vmem>> -> memref<128xi32, #tpu.memory_space<vmem>>
          %dma_wait3A_283 = arith.constant 0 : i32
          %dma_wait3A_284 = arith.constant 0 : i32
          %dma_wait3A_285 = tpu.memref_slice %arg2[%dma_wait3A_283, %dma_wait3A_284] : memref<100000x128xf32, #tpu.memory_space<hbm>> -> memref<100000x128xf32, #tpu.memory_space<hbm>>
          tpu.wait_indirect_dma semaphore(%arg5 : memref<!tpu.dma_semaphore, #tpu.memory_space<semaphore_mem>>) src(%dma_wait3A_285 : memref<100000x128xf32, #tpu.memory_space<hbm>>) dst(%dma_wait3A_275 : memref<128x128xf32, #tpu.memory_space<vmem>>)
          %dma_wait3A_286 = arith.constant 1 : i32
          %dma_wait3A_287 = arith.constant 0 : i32
          %dma_wait3A_288 = arith.constant 0 : i32
          %dma_wait3A_289 = tpu.memref_slice %run_scoped3A_18[%rem3A_232, %dma_wait3A_287, %dma_wait3A_288] : memref<2x256x128xf32, #tpu.memory_space<vmem>> -> memref<1x256x128xf32, #tpu.memory_space<vmem>>
          %dma_wait3A_290 = tpu.memref_squeeze %dma_wait3A_289 : memref<1x256x128xf32, #tpu.memory_space<vmem>> -> memref<256x128xf32, #tpu.memory_space<vmem>>
          %dma_wait3A_291 = arith.constant 128 : i32
          %dma_wait3A_292 = arith.constant 0 : i32
          %dma_wait3A_293 = tpu.memref_slice %dma_wait3A_290[%dma_wait3A_291, %dma_wait3A_292] : memref<256x128xf32, #tpu.memory_space<vmem>> -> memref<128x128xf32, #tpu.memory_space<vmem>>
          %dma_wait3A_294 = arith.constant 0 : i32
          %dma_wait3A_295 = arith.constant 0 : i32
          %dma_wait3A_296 = tpu.memref_slice %run_scoped3A[%rem3A_230, %dma_wait3A_294, %dma_wait3A_295] : memref<2x2x128xi32, #tpu.memory_space<vmem>> -> memref<1x2x128xi32, #tpu.memory_space<vmem>>
          %dma_wait3A_297 = tpu.memref_squeeze %dma_wait3A_296 : memref<1x2x128xi32, #tpu.memory_space<vmem>> -> memref<2x128xi32, #tpu.memory_space<vmem>>
          %dma_wait3A_298 = arith.constant 0 : i32
          %dma_wait3A_299 = tpu.memref_slice %dma_wait3A_297[%dma_wait3A_286, %dma_wait3A_298] : memref<2x128xi32, #tpu.memory_space<vmem>> -> memref<1x128xi32, #tpu.memory_space<vmem>>
          %dma_wait3A_300 = tpu.memref_squeeze %dma_wait3A_299 : memref<1x128xi32, #tpu.memory_space<vmem>> -> memref<128xi32, #tpu.memory_space<vmem>>
          %dma_wait3A_301 = arith.constant 0 : i32
          %dma_wait3A_302 = arith.constant 0 : i32
          %dma_wait3A_303 = tpu.memref_slice %arg2[%dma_wait3A_301, %dma_wait3A_302] : memref<100000x128xf32, #tpu.memory_space<hbm>> -> memref<100000x128xf32, #tpu.memory_space<hbm>>
          tpu.wait_indirect_dma semaphore(%arg6 : memref<!tpu.dma_semaphore, #tpu.memory_space<semaphore_mem>>) src(%dma_wait3A_303 : memref<100000x128xf32, #tpu.memory_space<hbm>>) dst(%dma_wait3A_293 : memref<128x128xf32, #tpu.memory_space<vmem>>)
          "tpu.trace_stop"() : () -> ()
          %ne3A_304 = arith.cmpi ne, %add3A_155, %add3A_173 : i32
          %or3A_305 = arith.constant false
          %or3A_306 = arith.ori %or3A_305, %ne3A_304 : i1
          %or3A_307 = arith.constant false
          %or3A_308 = arith.ori %or3A_306, %or3A_307 : i1
          %or3A_309 = arith.ori %or3A_308, %eq3A_154 : i1
          %convert_element_type3A_310 = arith.extui %or3A_309 : i1 to i32
          %cond3A_311 = arith.constant 0 : i32
          %cond3A_312 = arith.cmpi ne, %convert_element_type3A_310, %cond3A_311 : i32
          scf.if %cond3A_312 {
          } else {
          }
          %and3A_313 = arith.constant false
          %and3A_314 = arith.andi %or3A_309, %and3A_313 : i1
          %ne3A_315 = arith.cmpi ne, %add3A_155, %add3A_173 : i32
          %or3A_316 = arith.constant false
          %or3A_317 = arith.ori %or3A_316, %ne3A_315 : i1
          %or3A_318 = arith.constant false
          %or3A_319 = arith.ori %or3A_317, %or3A_318 : i1
          %or3A_320 = arith.ori %or3A_319, %eq3A_154 : i1
          %convert_element_type3A_321 = arith.extui %or3A_320 : i1 to i32
          %cond3A_322 = arith.constant 0 : i32
          %cond3A_323 = arith.cmpi ne, %convert_element_type3A_321, %cond3A_322 : i32
          scf.if %cond3A_323 {
            "tpu.trace_start"() <{level = 10 : i32, message = "ep_copy_out"}> : () -> ()
            %rem3A_374 = arith.constant 2 : i32
            %rem3A_375 = arith.remui %while3A_145, %rem3A_374 : i32
            %mul3A_376 = arith.constant 256 : i32
            %mul3A_377 = arith.muli %mul3A_376, %add3A_155 : i32
            %dma_start3A_378 = arith.constant 0 : i32
            %dma_start3A_379 = arith.constant 0 : i32
            %dma_start3A_380 = tpu.memref_slice %run_scoped3A_18[%rem3A_375, %dma_start3A_378, %dma_start3A_379] : memref<2x256x128xf32, #tpu.memory_space<vmem>> -> memref<1x256x128xf32, #tpu.memory_space<vmem>>
            %dma_start3A_381 = tpu.memref_squeeze %dma_start3A_380 : memref<1x256x128xf32, #tpu.memory_space<vmem>> -> memref<256x128xf32, #tpu.memory_space<vmem>>
            %dma_start3A_382 = arith.constant 0 : i32
            %dma_start3A_383 = tpu.memref_slice %arg4[%mul3A_377, %dma_start3A_382] : memref<53248x128xf32, #tpu.memory_space<hbm>> -> memref<256x128xf32, #tpu.memory_space<hbm>>
            %dma_start3A_384 = tpu.memref_slice %run_scoped3A_19[%rem3A_375] : memref<2x!tpu.dma_semaphore, #tpu.memory_space<semaphore_mem>> -> memref<1x!tpu.dma_semaphore, #tpu.memory_space<semaphore_mem>>
            %dma_start3A_385 = tpu.memref_squeeze %dma_start3A_384 : memref<1x!tpu.dma_semaphore, #tpu.memory_space<semaphore_mem>> -> memref<!tpu.dma_semaphore, #tpu.memory_space<semaphore_mem>>
            %dma_start3A_386 = arith.constant 0 : i32
            %dma_start3A_387 = tpu.memref_slice %arg4[%mul3A_377, %dma_start3A_386] : memref<53248x128xf32, #tpu.memory_space<hbm>> -> memref<256x128xf32, #tpu.memory_space<hbm>>
            %dma_start3A_388 = arith.constant 0 : i32
            %dma_start3A_389 = arith.constant 0 : i32
            %dma_start3A_390 = tpu.memref_slice %run_scoped3A_18[%rem3A_375, %dma_start3A_388, %dma_start3A_389] : memref<2x256x128xf32, #tpu.memory_space<vmem>> -> memref<1x256x128xf32, #tpu.memory_space<vmem>>
            %dma_start3A_391 = tpu.memref_squeeze %dma_start3A_390 : memref<1x256x128xf32, #tpu.memory_space<vmem>> -> memref<256x128xf32, #tpu.memory_space<vmem>>
            tpu.enqueue_dma source(%dma_start3A_391 : memref<256x128xf32, #tpu.memory_space<vmem>>) target(%dma_start3A_387 : memref<256x128xf32, #tpu.memory_space<hbm>>) target_semaphore(%dma_start3A_385 : memref<!tpu.dma_semaphore, #tpu.memory_space<semaphore_mem>>)
            "tpu.trace_stop"() : () -> ()
          } else {
          }
          %and3A_324 = arith.constant true
          %and3A_325 = arith.andi %or3A_320, %and3A_324 : i1
          %add3A_326 = arith.constant 1 : i32
          %add3A_327 = arith.addi %while3A_145, %add3A_326 : i32
          %select_n3A_328 = arith.select %and3A_325, %add3A_327, %while3A_145 : i32
          %ne3A_329 = arith.cmpi ne, %add3A_155, %add3A_165 : i32
          %or3A_330 = arith.constant false
          %or3A_331 = arith.ori %or3A_330, %ne3A_329 : i1
          %or3A_332 = arith.constant false
          %or3A_333 = arith.ori %or3A_331, %or3A_332 : i1
          %not3A_334 = arith.constant true
          %not3A_335 = arith.xori %eq3A_151, %not3A_334 : i1
          %and3A_336 = arith.andi %or3A_333, %not3A_335 : i1
          %convert_element_type3A_337 = arith.extui %and3A_336 : i1 to i32
          %cond3A_338 = arith.constant 0 : i32
          %cond3A_339 = arith.cmpi ne, %convert_element_type3A_337, %cond3A_338 : i32
          scf.if %cond3A_339 {
          } else {
          }
          %and3A_340 = arith.constant false
          %and3A_341 = arith.andi %and3A_336, %and3A_340 : i1
          %ne3A_342 = arith.cmpi ne, %add3A_155, %add3A_165 : i32
          %or3A_343 = arith.constant false
          %or3A_344 = arith.ori %or3A_343, %ne3A_342 : i1
          %or3A_345 = arith.constant false
          %or3A_346 = arith.ori %or3A_344, %or3A_345 : i1
          %not3A_347 = arith.constant true
          %not3A_348 = arith.xori %eq3A_151, %not3A_347 : i1
          %and3A_349 = arith.andi %or3A_346, %not3A_348 : i1
          %convert_element_type3A_350 = arith.extui %and3A_349 : i1 to i32
          %cond3A_351 = arith.constant 0 : i32
          %cond3A_352 = arith.cmpi ne, %convert_element_type3A_350, %cond3A_351 : i32
          scf.if %cond3A_352 {
            "tpu.trace_start"() <{level = 10 : i32, message = "ep_wait_out"}> : () -> ()
            %rem3A_374 = arith.constant 2 : i32
            %rem3A_375 = arith.remui %while3A_146, %rem3A_374 : i32
            %mul3A_376 = arith.constant 256 : i32
            %mul3A_377 = arith.muli %mul3A_376, %add3A_165 : i32
            %dma_wait3A_378 = arith.constant 0 : i32
            %dma_wait3A_379 = arith.constant 0 : i32
            %dma_wait3A_380 = tpu.memref_slice %run_scoped3A_18[%rem3A_375, %dma_wait3A_378, %dma_wait3A_379] : memref<2x256x128xf32, #tpu.memory_space<vmem>> -> memref<1x256x128xf32, #tpu.memory_space<vmem>>
            %dma_wait3A_381 = tpu.memref_squeeze %dma_wait3A_380 : memref<1x256x128xf32, #tpu.memory_space<vmem>> -> memref<256x128xf32, #tpu.memory_space<vmem>>
            %dma_wait3A_382 = arith.constant 0 : i32
            %dma_wait3A_383 = tpu.memref_slice %arg4[%mul3A_377, %dma_wait3A_382] : memref<53248x128xf32, #tpu.memory_space<hbm>> -> memref<256x128xf32, #tpu.memory_space<hbm>>
            %dma_wait3A_384 = tpu.memref_slice %run_scoped3A_19[%rem3A_375] : memref<2x!tpu.dma_semaphore, #tpu.memory_space<semaphore_mem>> -> memref<1x!tpu.dma_semaphore, #tpu.memory_space<semaphore_mem>>
            %dma_wait3A_385 = tpu.memref_squeeze %dma_wait3A_384 : memref<1x!tpu.dma_semaphore, #tpu.memory_space<semaphore_mem>> -> memref<!tpu.dma_semaphore, #tpu.memory_space<semaphore_mem>>
            %dma_wait3A_386 = arith.constant 0 : i32
            %dma_wait3A_387 = tpu.memref_slice %arg4[%mul3A_377, %dma_wait3A_386] : memref<53248x128xf32, #tpu.memory_space<hbm>> -> memref<256x128xf32, #tpu.memory_space<hbm>>
            %dma_wait3A_388 = arith.constant 0 : i32
            %dma_wait3A_389 = arith.constant 0 : i32
            %dma_wait3A_390 = tpu.memref_slice %run_scoped3A_18[%rem3A_375, %dma_wait3A_388, %dma_wait3A_389] : memref<2x256x128xf32, #tpu.memory_space<vmem>> -> memref<1x256x128xf32, #tpu.memory_space<vmem>>
            %dma_wait3A_391 = tpu.memref_squeeze %dma_wait3A_390 : memref<1x256x128xf32, #tpu.memory_space<vmem>> -> memref<256x128xf32, #tpu.memory_space<vmem>>
            tpu.wait_dma2 semaphore(%dma_wait3A_385 : memref<!tpu.dma_semaphore, #tpu.memory_space<semaphore_mem>>) src(%dma_wait3A_391 : memref<256x128xf32, #tpu.memory_space<vmem>>) dst(%dma_wait3A_387 : memref<256x128xf32, #tpu.memory_space<hbm>>)
            "tpu.trace_stop"() : () -> ()
          } else {
          }
          %and3A_353 = arith.constant true
          %and3A_354 = arith.andi %and3A_349, %and3A_353 : i1
          %add3A_355 = arith.constant 1 : i32
          %add3A_356 = arith.addi %while3A_146, %add3A_355 : i32
          %select_n3A_357 = arith.select %and3A_354, %add3A_356, %while3A_146 : i32
          %ne3A_358 = arith.cmpi ne, %add3A_155, %add3A_173 : i32
          %or3A_359 = arith.constant false
          %or3A_360 = arith.ori %or3A_359, %ne3A_358 : i1
          %or3A_361 = arith.constant false
          %or3A_362 = arith.ori %or3A_360, %or3A_361 : i1
          %or3A_363 = arith.ori %or3A_362, %eq3A_154 : i1
          %add3A_364 = arith.constant 1 : i32
          %add3A_365 = arith.addi %while3A_144, %add3A_364 : i32
          %select_n3A_366 = arith.select %or3A_363, %add3A_365, %while3A_144 : i32
          %add3A_367 = arith.constant 1 : i32
          %add3A_368 = arith.addi %while3A_147, %add3A_367 : i32
          %select_n3A_369 = arith.constant true
          %select_n3A_370 = arith.select %select_n3A_369, %add3A_368, %while3A_147 : i32
          %eq3A_371 = arith.cmpi eq, %select_n3A_370, %select_n3A : i32
          %select_n3A_372 = arith.constant 0 : i32
          %select_n3A_373 = arith.select %eq3A_371, %select_n3A_372, %select_n3A_370 : i32
          scf.yield %select_n3A_197, %select_n3A_366, %select_n3A_328, %select_n3A_357, %select_n3A_373 : i32, i32, i32, i32, i32
        }
        %while3A_89 = arith.constant 1 : i32
        %while3A_90:5 = scf.for %while3A_142 = %while3A_86 to %while3A_82 step %while3A_89 iter_args(%while3A_143 = %while3A_88#0, %while3A_144 = %while3A_88#1, %while3A_145 = %while3A_88#2, %while3A_146 = %while3A_88#3, %while3A_147 = %while3A_88#4) -> (i32, i32, i32, i32, i32)  : i32 {
          %mul3A_148 = arith.constant 1 : i32
          %mul3A_149 = arith.muli %mul3A_148, %select_n3A : i32
          %eq3A_150 = arith.constant 0 : i32
          %eq3A_151 = arith.cmpi eq, %while3A_142, %eq3A_150 : i32
          %sub3A_152 = arith.constant 1 : i32
          %sub3A_153 = arith.subi %mul3A_149, %sub3A_152 : i32
          %eq3A_154 = arith.cmpi eq, %while3A_142, %sub3A_153 : i32
          %add3A_155 = arith.addi %while3A_147, %select_n3A_14 : i32
          %sub3A_156 = arith.constant 1 : i32
          %sub3A_157 = arith.subi %while3A_147, %sub3A_156 : i32
          %select_n3A_158 = arith.constant true
          %select_n3A_159 = arith.select %select_n3A_158, %sub3A_157, %while3A_147 : i32
          %eq3A_160 = arith.constant -1 : i32
          %eq3A_161 = arith.cmpi eq, %select_n3A_159, %eq3A_160 : i32
          %sub3A_162 = arith.constant 1 : i32
          %sub3A_163 = arith.subi %select_n3A, %sub3A_162 : i32
          %select_n3A_164 = arith.select %eq3A_161, %sub3A_163, %select_n3A_159 : i32
          %add3A_165 = arith.addi %select_n3A_164, %select_n3A_14 : i32
          %add3A_166 = arith.constant 1 : i32
          %add3A_167 = arith.addi %while3A_147, %add3A_166 : i32
          %select_n3A_168 = arith.constant true
          %select_n3A_169 = arith.select %select_n3A_168, %add3A_167, %while3A_147 : i32
          %eq3A_170 = arith.cmpi eq, %select_n3A_169, %select_n3A : i32
          %select_n3A_171 = arith.constant 0 : i32
          %select_n3A_172 = arith.select %eq3A_170, %select_n3A_171, %select_n3A_169 : i32
          %add3A_173 = arith.addi %select_n3A_172, %select_n3A_14 : i32
          %add3A_174 = arith.constant 1 : i32
          %add3A_175 = arith.addi %select_n3A_172, %add3A_174 : i32
          %select_n3A_176 = arith.constant true
          %select_n3A_177 = arith.select %select_n3A_176, %add3A_175, %select_n3A_172 : i32
          %eq3A_178 = arith.cmpi eq, %select_n3A_177, %select_n3A : i32
          %select_n3A_179 = arith.constant 0 : i32
          %select_n3A_180 = arith.select %eq3A_178, %select_n3A_179, %select_n3A_177 : i32
          %add3A_181 = arith.addi %select_n3A_180, %select_n3A_14 : i32
          %ne3A = arith.cmpi ne, %add3A_155, %add3A_173 : i32
          %or3A = arith.constant false
          %or3A_182 = arith.ori %or3A, %ne3A : i1
          %or3A_183 = arith.constant false
          %or3A_184 = arith.ori %or3A_182, %or3A_183 : i1
          %sub3A_185 = arith.constant 2 : i32
          %sub3A_186 = arith.subi %mul3A_149, %sub3A_185 : i32
          %add3A_187 = arith.constant 1 : i32
          %add3A_188 = arith.addi %sub3A_186, %add3A_187 : i32
          %ge3A = arith.cmpi sge, %while3A_142, %add3A_188 : i32
          %not3A = arith.constant true
          %not3A_189 = arith.xori %ge3A, %not3A : i1
          %and3A = arith.andi %or3A_184, %not3A_189 : i1
          %convert_element_type3A_190 = arith.extui %and3A : i1 to i32
          %cond3A_191 = arith.constant 0 : i32
          %cond3A_192 = arith.cmpi ne, %convert_element_type3A_190, %cond3A_191 : i32
          scf.if %cond3A_192 {
            "tpu.trace_start"() <{level = 10 : i32, message = "ep_copy_in"}> : () -> ()
            %rem3A_374 = arith.constant 2 : i32
            %rem3A_375 = arith.remui %while3A_143, %rem3A_374 : i32
            %mul3A_376 = arith.constant 2 : i32
            %mul3A_377 = arith.muli %mul3A_376, %add3A_173 : i32
            %dma_start3A_378 = arith.constant 0 : i32
            %dma_start3A_379 = arith.constant 0 : i32
            %dma_start3A_380 = tpu.memref_slice %run_scoped3A[%rem3A_375, %dma_start3A_378, %dma_start3A_379] : memref<2x2x128xi32, #tpu.memory_space<vmem>> -> memref<1x2x128xi32, #tpu.memory_space<vmem>>
            %dma_start3A_381 = tpu.memref_squeeze %dma_start3A_380 : memref<1x2x128xi32, #tpu.memory_space<vmem>> -> memref<2x128xi32, #tpu.memory_space<vmem>>
            %dma_start3A_382 = arith.constant 0 : i32
            %dma_start3A_383 = tpu.memref_slice %arg3[%mul3A_377, %dma_start3A_382] : memref<416x128xi32, #tpu.memory_space<hbm>> -> memref<2x128xi32, #tpu.memory_space<hbm>>
            %dma_start3A_384 = tpu.memref_slice %run_scoped3A_17[%rem3A_375] : memref<2x!tpu.dma_semaphore, #tpu.memory_space<semaphore_mem>> -> memref<1x!tpu.dma_semaphore, #tpu.memory_space<semaphore_mem>>
            %dma_start3A_385 = tpu.memref_squeeze %dma_start3A_384 : memref<1x!tpu.dma_semaphore, #tpu.memory_space<semaphore_mem>> -> memref<!tpu.dma_semaphore, #tpu.memory_space<semaphore_mem>>
            %dma_start3A_386 = arith.constant 0 : i32
            %dma_start3A_387 = arith.constant 0 : i32
            %dma_start3A_388 = tpu.memref_slice %run_scoped3A[%rem3A_375, %dma_start3A_386, %dma_start3A_387] : memref<2x2x128xi32, #tpu.memory_space<vmem>> -> memref<1x2x128xi32, #tpu.memory_space<vmem>>
            %dma_start3A_389 = tpu.memref_squeeze %dma_start3A_388 : memref<1x2x128xi32, #tpu.memory_space<vmem>> -> memref<2x128xi32, #tpu.memory_space<vmem>>
            %dma_start3A_390 = arith.constant 0 : i32
            %dma_start3A_391 = tpu.memref_slice %arg3[%mul3A_377, %dma_start3A_390] : memref<416x128xi32, #tpu.memory_space<hbm>> -> memref<2x128xi32, #tpu.memory_space<hbm>>
            tpu.enqueue_dma source(%dma_start3A_391 : memref<2x128xi32, #tpu.memory_space<hbm>>) target(%dma_start3A_389 : memref<2x128xi32, #tpu.memory_space<vmem>>) target_semaphore(%dma_start3A_385 : memref<!tpu.dma_semaphore, #tpu.memory_space<semaphore_mem>>)
            "tpu.trace_stop"() : () -> ()
          } else {
          }
          %and3A_193 = arith.constant true
          %and3A_194 = arith.andi %and3A, %and3A_193 : i1
          %add3A_195 = arith.constant 1 : i32
          %add3A_196 = arith.addi %while3A_143, %add3A_195 : i32
          %select_n3A_197 = arith.select %and3A_194, %add3A_196, %while3A_143 : i32
          %ne3A_198 = arith.cmpi ne, %add3A_155, %add3A_173 : i32
          %or3A_199 = arith.constant false
          %or3A_200 = arith.ori %or3A_199, %ne3A_198 : i1
          %or3A_201 = arith.constant false
          %or3A_202 = arith.ori %or3A_200, %or3A_201 : i1
          %sub3A_203 = arith.constant 2 : i32
          %sub3A_204 = arith.subi %mul3A_149, %sub3A_203 : i32
          %add3A_205 = arith.constant 1 : i32
          %add3A_206 = arith.addi %sub3A_204, %add3A_205 : i32
          %ge3A_207 = arith.cmpi sge, %while3A_142, %add3A_206 : i32
          %not3A_208 = arith.constant true
          %not3A_209 = arith.xori %ge3A_207, %not3A_208 : i1
          %and3A_210 = arith.andi %or3A_202, %not3A_209 : i1
          %ne3A_211 = arith.cmpi ne, %add3A_155, %add3A_165 : i32
          %or3A_212 = arith.constant false
          %or3A_213 = arith.ori %or3A_212, %ne3A_211 : i1
          %or3A_214 = arith.constant false
          %or3A_215 = arith.ori %or3A_213, %or3A_214 : i1
          %or3A_216 = arith.ori %or3A_215, %eq3A_151 : i1
          %convert_element_type3A_217 = arith.extui %or3A_216 : i1 to i32
          %cond3A_218 = arith.constant 0 : i32
          %cond3A_219 = arith.cmpi ne, %convert_element_type3A_217, %cond3A_218 : i32
          scf.if %cond3A_219 {
            "tpu.trace_start"() <{level = 10 : i32, message = "ep_wait_in"}> : () -> ()
            %mul3A_374 = arith.constant 2 : i32
            %mul3A_375 = arith.muli %mul3A_374, %add3A_155 : i32
            %rem3A_376 = arith.constant 2 : i32
            %rem3A_377 = arith.remui %while3A_144, %rem3A_376 : i32
            %dma_wait3A_378 = arith.constant 0 : i32
            %dma_wait3A_379 = arith.constant 0 : i32
            %dma_wait3A_380 = tpu.memref_slice %run_scoped3A[%rem3A_377, %dma_wait3A_378, %dma_wait3A_379] : memref<2x2x128xi32, #tpu.memory_space<vmem>> -> memref<1x2x128xi32, #tpu.memory_space<vmem>>
            %dma_wait3A_381 = tpu.memref_squeeze %dma_wait3A_380 : memref<1x2x128xi32, #tpu.memory_space<vmem>> -> memref<2x128xi32, #tpu.memory_space<vmem>>
            %dma_wait3A_382 = arith.constant 0 : i32
            %dma_wait3A_383 = tpu.memref_slice %arg3[%mul3A_375, %dma_wait3A_382] : memref<416x128xi32, #tpu.memory_space<hbm>> -> memref<2x128xi32, #tpu.memory_space<hbm>>
            %dma_wait3A_384 = tpu.memref_slice %run_scoped3A_17[%rem3A_377] : memref<2x!tpu.dma_semaphore, #tpu.memory_space<semaphore_mem>> -> memref<1x!tpu.dma_semaphore, #tpu.memory_space<semaphore_mem>>
            %dma_wait3A_385 = tpu.memref_squeeze %dma_wait3A_384 : memref<1x!tpu.dma_semaphore, #tpu.memory_space<semaphore_mem>> -> memref<!tpu.dma_semaphore, #tpu.memory_space<semaphore_mem>>
            %dma_wait3A_386 = arith.constant 0 : i32
            %dma_wait3A_387 = arith.constant 0 : i32
            %dma_wait3A_388 = tpu.memref_slice %run_scoped3A[%rem3A_377, %dma_wait3A_386, %dma_wait3A_387] : memref<2x2x128xi32, #tpu.memory_space<vmem>> -> memref<1x2x128xi32, #tpu.memory_space<vmem>>
            %dma_wait3A_389 = tpu.memref_squeeze %dma_wait3A_388 : memref<1x2x128xi32, #tpu.memory_space<vmem>> -> memref<2x128xi32, #tpu.memory_space<vmem>>
            %dma_wait3A_390 = arith.constant 0 : i32
            %dma_wait3A_391 = tpu.memref_slice %arg3[%mul3A_375, %dma_wait3A_390] : memref<416x128xi32, #tpu.memory_space<hbm>> -> memref<2x128xi32, #tpu.memory_space<hbm>>
            tpu.wait_dma2 semaphore(%dma_wait3A_385 : memref<!tpu.dma_semaphore, #tpu.memory_space<semaphore_mem>>) src(%dma_wait3A_391 : memref<2x128xi32, #tpu.memory_space<hbm>>) dst(%dma_wait3A_389 : memref<2x128xi32, #tpu.memory_space<vmem>>)
            "tpu.trace_stop"() : () -> ()
          } else {
          }
          %ne3A_220 = arith.cmpi ne, %add3A_155, %add3A_165 : i32
          %or3A_221 = arith.constant false
          %or3A_222 = arith.ori %or3A_221, %ne3A_220 : i1
          %or3A_223 = arith.constant false
          %or3A_224 = arith.ori %or3A_222, %or3A_223 : i1
          %or3A_225 = arith.ori %or3A_224, %eq3A_151 : i1
          %convert_element_type3A_226 = arith.extui %or3A_225 : i1 to i32
          %cond3A_227 = arith.constant 0 : i32
          %cond3A_228 = arith.cmpi ne, %convert_element_type3A_226, %cond3A_227 : i32
          scf.if %cond3A_228 {
          } else {
          }
          %rem3A_229 = arith.constant 2 : i32
          %rem3A_230 = arith.remui %while3A_144, %rem3A_229 : i32
          %rem3A_231 = arith.constant 2 : i32
          %rem3A_232 = arith.remui %while3A_145, %rem3A_231 : i32
          %dma_start3A_233 = arith.constant 0 : i32
          "tpu.trace_start"() <{level = 10 : i32, message = "ep_run_kernel"}> : () -> ()
          %dma_start3A_234 = arith.constant 0 : i32
          %dma_start3A_235 = arith.constant 0 : i32
          %dma_start3A_236 = tpu.memref_slice %run_scoped3A_18[%rem3A_232, %dma_start3A_234, %dma_start3A_235] : memref<2x256x128xf32, #tpu.memory_space<vmem>> -> memref<1x256x128xf32, #tpu.memory_space<vmem>>
          %dma_start3A_237 = tpu.memref_squeeze %dma_start3A_236 : memref<1x256x128xf32, #tpu.memory_space<vmem>> -> memref<256x128xf32, #tpu.memory_space<vmem>>
          %dma_start3A_238 = arith.constant 0 : i32
          %dma_start3A_239 = arith.constant 0 : i32
          %dma_start3A_240 = tpu.memref_slice %dma_start3A_237[%dma_start3A_238, %dma_start3A_239] : memref<256x128xf32, #tpu.memory_space<vmem>> -> memref<128x128xf32, #tpu.memory_space<vmem>>
          %dma_start3A_241 = arith.constant 0 : i32
          %dma_start3A_242 = arith.constant 0 : i32
          %dma_start3A_243 = tpu.memref_slice %run_scoped3A[%rem3A_230, %dma_start3A_241, %dma_start3A_242] : memref<2x2x128xi32, #tpu.memory_space<vmem>> -> memref<1x2x128xi32, #tpu.memory_space<vmem>>
          %dma_start3A_244 = tpu.memref_squeeze %dma_start3A_243 : memref<1x2x128xi32, #tpu.memory_space<vmem>> -> memref<2x128xi32, #tpu.memory_space<vmem>>
          %dma_start3A_245 = arith.constant 0 : i32
          %dma_start3A_246 = tpu.memref_slice %dma_start3A_244[%dma_start3A_233, %dma_start3A_245] : memref<2x128xi32, #tpu.memory_space<vmem>> -> memref<1x128xi32, #tpu.memory_space<vmem>>
          %dma_start3A_247 = tpu.memref_squeeze %dma_start3A_246 : memref<1x128xi32, #tpu.memory_space<vmem>> -> memref<128xi32, #tpu.memory_space<vmem>>
          %dma_start3A_248 = arith.constant 0 : i32
          %dma_start3A_249 = arith.constant 0 : i32
          %dma_start3A_250 = tpu.memref_slice %arg2[%dma_start3A_248, %dma_start3A_249] : memref<100000x128xf32, #tpu.memory_space<hbm>> -> memref<100000x128xf32, #tpu.memory_space<hbm>>
          tpu.enqueue_indirect_dma source(%dma_start3A_250 : memref<100000x128xf32, #tpu.memory_space<hbm>>) target(%dma_start3A_240 : memref<128x128xf32, #tpu.memory_space<vmem>>) offsets(%dma_start3A_247 : memref<128xi32, #tpu.memory_space<vmem>>) semaphore(%arg5 : memref<!tpu.dma_semaphore, #tpu.memory_space<semaphore_mem>>)
          %dma_start3A_251 = arith.constant 1 : i32
          %dma_start3A_252 = arith.constant 0 : i32
          %dma_start3A_253 = arith.constant 0 : i32
          %dma_start3A_254 = tpu.memref_slice %run_scoped3A_18[%rem3A_232, %dma_start3A_252, %dma_start3A_253] : memref<2x256x128xf32, #tpu.memory_space<vmem>> -> memref<1x256x128xf32, #tpu.memory_space<vmem>>
          %dma_start3A_255 = tpu.memref_squeeze %dma_start3A_254 : memref<1x256x128xf32, #tpu.memory_space<vmem>> -> memref<256x128xf32, #tpu.memory_space<vmem>>
          %dma_start3A_256 = arith.constant 128 : i32
          %dma_start3A_257 = arith.constant 0 : i32
          %dma_start3A_258 = tpu.memref_slice %dma_start3A_255[%dma_start3A_256, %dma_start3A_257] : memref<256x128xf32, #tpu.memory_space<vmem>> -> memref<128x128xf32, #tpu.memory_space<vmem>>
          %dma_start3A_259 = arith.constant 0 : i32
          %dma_start3A_260 = arith.constant 0 : i32
          %dma_start3A_261 = tpu.memref_slice %run_scoped3A[%rem3A_230, %dma_start3A_259, %dma_start3A_260] : memref<2x2x128xi32, #tpu.memory_space<vmem>> -> memref<1x2x128xi32, #tpu.memory_space<vmem>>
          %dma_start3A_262 = tpu.memref_squeeze %dma_start3A_261 : memref<1x2x128xi32, #tpu.memory_space<vmem>> -> memref<2x128xi32, #tpu.memory_space<vmem>>
          %dma_start3A_263 = arith.constant 0 : i32
          %dma_start3A_264 = tpu.memref_slice %dma_start3A_262[%dma_start3A_251, %dma_start3A_263] : memref<2x128xi32, #tpu.memory_space<vmem>> -> memref<1x128xi32, #tpu.memory_space<vmem>>
          %dma_start3A_265 = tpu.memref_squeeze %dma_start3A_264 : memref<1x128xi32, #tpu.memory_space<vmem>> -> memref<128xi32, #tpu.memory_space<vmem>>
          %dma_start3A_266 = arith.constant 0 : i32
          %dma_start3A_267 = arith.constant 0 : i32
          %dma_start3A_268 = tpu.memref_slice %arg2[%dma_start3A_266, %dma_start3A_267] : memref<100000x128xf32, #tpu.memory_space<hbm>> -> memref<100000x128xf32, #tpu.memory_space<hbm>>
          tpu.enqueue_indirect_dma source(%dma_start3A_268 : memref<100000x128xf32, #tpu.memory_space<hbm>>) target(%dma_start3A_258 : memref<128x128xf32, #tpu.memory_space<vmem>>) offsets(%dma_start3A_265 : memref<128xi32, #tpu.memory_space<vmem>>) semaphore(%arg6 : memref<!tpu.dma_semaphore, #tpu.memory_space<semaphore_mem>>)
          %dma_wait3A = arith.constant 0 : i32
          %dma_wait3A_269 = arith.constant 0 : i32
          %dma_wait3A_270 = arith.constant 0 : i32
          %dma_wait3A_271 = tpu.memref_slice %run_scoped3A_18[%rem3A_232, %dma_wait3A_269, %dma_wait3A_270] : memref<2x256x128xf32, #tpu.memory_space<vmem>> -> memref<1x256x128xf32, #tpu.memory_space<vmem>>
          %dma_wait3A_272 = tpu.memref_squeeze %dma_wait3A_271 : memref<1x256x128xf32, #tpu.memory_space<vmem>> -> memref<256x128xf32, #tpu.memory_space<vmem>>
          %dma_wait3A_273 = arith.constant 0 : i32
          %dma_wait3A_274 = arith.constant 0 : i32
          %dma_wait3A_275 = tpu.memref_slice %dma_wait3A_272[%dma_wait3A_273, %dma_wait3A_274] : memref<256x128xf32, #tpu.memory_space<vmem>> -> memref<128x128xf32, #tpu.memory_space<vmem>>
          %dma_wait3A_276 = arith.constant 0 : i32
          %dma_wait3A_277 = arith.constant 0 : i32
          %dma_wait3A_278 = tpu.memref_slice %run_scoped3A[%rem3A_230, %dma_wait3A_276, %dma_wait3A_277] : memref<2x2x128xi32, #tpu.memory_space<vmem>> -> memref<1x2x128xi32, #tpu.memory_space<vmem>>
          %dma_wait3A_279 = tpu.memref_squeeze %dma_wait3A_278 : memref<1x2x128xi32, #tpu.memory_space<vmem>> -> memref<2x128xi32, #tpu.memory_space<vmem>>
          %dma_wait3A_280 = arith.constant 0 : i32
          %dma_wait3A_281 = tpu.memref_slice %dma_wait3A_279[%dma_wait3A, %dma_wait3A_280] : memref<2x128xi32, #tpu.memory_space<vmem>> -> memref<1x128xi32, #tpu.memory_space<vmem>>
          %dma_wait3A_282 = tpu.memref_squeeze %dma_wait3A_281 : memref<1x128xi32, #tpu.memory_space<vmem>> -> memref<128xi32, #tpu.memory_space<vmem>>
          %dma_wait3A_283 = arith.constant 0 : i32
          %dma_wait3A_284 = arith.constant 0 : i32
          %dma_wait3A_285 = tpu.memref_slice %arg2[%dma_wait3A_283, %dma_wait3A_284] : memref<100000x128xf32, #tpu.memory_space<hbm>> -> memref<100000x128xf32, #tpu.memory_space<hbm>>
          tpu.wait_indirect_dma semaphore(%arg5 : memref<!tpu.dma_semaphore, #tpu.memory_space<semaphore_mem>>) src(%dma_wait3A_285 : memref<100000x128xf32, #tpu.memory_space<hbm>>) dst(%dma_wait3A_275 : memref<128x128xf32, #tpu.memory_space<vmem>>)
          %dma_wait3A_286 = arith.constant 1 : i32
          %dma_wait3A_287 = arith.constant 0 : i32
          %dma_wait3A_288 = arith.constant 0 : i32
          %dma_wait3A_289 = tpu.memref_slice %run_scoped3A_18[%rem3A_232, %dma_wait3A_287, %dma_wait3A_288] : memref<2x256x128xf32, #tpu.memory_space<vmem>> -> memref<1x256x128xf32, #tpu.memory_space<vmem>>
          %dma_wait3A_290 = tpu.memref_squeeze %dma_wait3A_289 : memref<1x256x128xf32, #tpu.memory_space<vmem>> -> memref<256x128xf32, #tpu.memory_space<vmem>>
          %dma_wait3A_291 = arith.constant 128 : i32
          %dma_wait3A_292 = arith.constant 0 : i32
          %dma_wait3A_293 = tpu.memref_slice %dma_wait3A_290[%dma_wait3A_291, %dma_wait3A_292] : memref<256x128xf32, #tpu.memory_space<vmem>> -> memref<128x128xf32, #tpu.memory_space<vmem>>
          %dma_wait3A_294 = arith.constant 0 : i32
          %dma_wait3A_295 = arith.constant 0 : i32
          %dma_wait3A_296 = tpu.memref_slice %run_scoped3A[%rem3A_230, %dma_wait3A_294, %dma_wait3A_295] : memref<2x2x128xi32, #tpu.memory_space<vmem>> -> memref<1x2x128xi32, #tpu.memory_space<vmem>>
          %dma_wait3A_297 = tpu.memref_squeeze %dma_wait3A_296 : memref<1x2x128xi32, #tpu.memory_space<vmem>> -> memref<2x128xi32, #tpu.memory_space<vmem>>
          %dma_wait3A_298 = arith.constant 0 : i32
          %dma_wait3A_299 = tpu.memref_slice %dma_wait3A_297[%dma_wait3A_286, %dma_wait3A_298] : memref<2x128xi32, #tpu.memory_space<vmem>> -> memref<1x128xi32, #tpu.memory_space<vmem>>
          %dma_wait3A_300 = tpu.memref_squeeze %dma_wait3A_299 : memref<1x128xi32, #tpu.memory_space<vmem>> -> memref<128xi32, #tpu.memory_space<vmem>>
          %dma_wait3A_301 = arith.constant 0 : i32
          %dma_wait3A_302 = arith.constant 0 : i32
          %dma_wait3A_303 = tpu.memref_slice %arg2[%dma_wait3A_301, %dma_wait3A_302] : memref<100000x128xf32, #tpu.memory_space<hbm>> -> memref<100000x128xf32, #tpu.memory_space<hbm>>
          tpu.wait_indirect_dma semaphore(%arg6 : memref<!tpu.dma_semaphore, #tpu.memory_space<semaphore_mem>>) src(%dma_wait3A_303 : memref<100000x128xf32, #tpu.memory_space<hbm>>) dst(%dma_wait3A_293 : memref<128x128xf32, #tpu.memory_space<vmem>>)
          "tpu.trace_stop"() : () -> ()
          %ne3A_304 = arith.cmpi ne, %add3A_155, %add3A_173 : i32
          %or3A_305 = arith.constant false
          %or3A_306 = arith.ori %or3A_305, %ne3A_304 : i1
          %or3A_307 = arith.constant false
          %or3A_308 = arith.ori %or3A_306, %or3A_307 : i1
          %or3A_309 = arith.ori %or3A_308, %eq3A_154 : i1
          %convert_element_type3A_310 = arith.extui %or3A_309 : i1 to i32
          %cond3A_311 = arith.constant 0 : i32
          %cond3A_312 = arith.cmpi ne, %convert_element_type3A_310, %cond3A_311 : i32
          scf.if %cond3A_312 {
          } else {
          }
          %and3A_313 = arith.constant false
          %and3A_314 = arith.andi %or3A_309, %and3A_313 : i1
          %ne3A_315 = arith.cmpi ne, %add3A_155, %add3A_173 : i32
          %or3A_316 = arith.constant false
          %or3A_317 = arith.ori %or3A_316, %ne3A_315 : i1
          %or3A_318 = arith.constant false
          %or3A_319 = arith.ori %or3A_317, %or3A_318 : i1
          %or3A_320 = arith.ori %or3A_319, %eq3A_154 : i1
          %convert_element_type3A_321 = arith.extui %or3A_320 : i1 to i32
          %cond3A_322 = arith.constant 0 : i32
          %cond3A_323 = arith.cmpi ne, %convert_element_type3A_321, %cond3A_322 : i32
          scf.if %cond3A_323 {
            "tpu.trace_start"() <{level = 10 : i32, message = "ep_copy_out"}> : () -> ()
            %rem3A_374 = arith.constant 2 : i32
            %rem3A_375 = arith.remui %while3A_145, %rem3A_374 : i32
            %mul3A_376 = arith.constant 256 : i32
            %mul3A_377 = arith.muli %mul3A_376, %add3A_155 : i32
            %dma_start3A_378 = arith.constant 0 : i32
            %dma_start3A_379 = arith.constant 0 : i32
            %dma_start3A_380 = tpu.memref_slice %run_scoped3A_18[%rem3A_375, %dma_start3A_378, %dma_start3A_379] : memref<2x256x128xf32, #tpu.memory_space<vmem>> -> memref<1x256x128xf32, #tpu.memory_space<vmem>>
            %dma_start3A_381 = tpu.memref_squeeze %dma_start3A_380 : memref<1x256x128xf32, #tpu.memory_space<vmem>> -> memref<256x128xf32, #tpu.memory_space<vmem>>
            %dma_start3A_382 = arith.constant 0 : i32
            %dma_start3A_383 = tpu.memref_slice %arg4[%mul3A_377, %dma_start3A_382] : memref<53248x128xf32, #tpu.memory_space<hbm>> -> memref<256x128xf32, #tpu.memory_space<hbm>>
            %dma_start3A_384 = tpu.memref_slice %run_scoped3A_19[%rem3A_375] : memref<2x!tpu.dma_semaphore, #tpu.memory_space<semaphore_mem>> -> memref<1x!tpu.dma_semaphore, #tpu.memory_space<semaphore_mem>>
            %dma_start3A_385 = tpu.memref_squeeze %dma_start3A_384 : memref<1x!tpu.dma_semaphore, #tpu.memory_space<semaphore_mem>> -> memref<!tpu.dma_semaphore, #tpu.memory_space<semaphore_mem>>
            %dma_start3A_386 = arith.constant 0 : i32
            %dma_start3A_387 = tpu.memref_slice %arg4[%mul3A_377, %dma_start3A_386] : memref<53248x128xf32, #tpu.memory_space<hbm>> -> memref<256x128xf32, #tpu.memory_space<hbm>>
            %dma_start3A_388 = arith.constant 0 : i32
            %dma_start3A_389 = arith.constant 0 : i32
            %dma_start3A_390 = tpu.memref_slice %run_scoped3A_18[%rem3A_375, %dma_start3A_388, %dma_start3A_389] : memref<2x256x128xf32, #tpu.memory_space<vmem>> -> memref<1x256x128xf32, #tpu.memory_space<vmem>>
            %dma_start3A_391 = tpu.memref_squeeze %dma_start3A_390 : memref<1x256x128xf32, #tpu.memory_space<vmem>> -> memref<256x128xf32, #tpu.memory_space<vmem>>
            tpu.enqueue_dma source(%dma_start3A_391 : memref<256x128xf32, #tpu.memory_space<vmem>>) target(%dma_start3A_387 : memref<256x128xf32, #tpu.memory_space<hbm>>) target_semaphore(%dma_start3A_385 : memref<!tpu.dma_semaphore, #tpu.memory_space<semaphore_mem>>)
            "tpu.trace_stop"() : () -> ()
          } else {
          }
          %and3A_324 = arith.constant true
          %and3A_325 = arith.andi %or3A_320, %and3A_324 : i1
          %add3A_326 = arith.constant 1 : i32
          %add3A_327 = arith.addi %while3A_145, %add3A_326 : i32
          %select_n3A_328 = arith.select %and3A_325, %add3A_327, %while3A_145 : i32
          %ne3A_329 = arith.cmpi ne, %add3A_155, %add3A_165 : i32
          %or3A_330 = arith.constant false
          %or3A_331 = arith.ori %or3A_330, %ne3A_329 : i1
          %or3A_332 = arith.constant false
          %or3A_333 = arith.ori %or3A_331, %or3A_332 : i1
          %not3A_334 = arith.constant true
          %not3A_335 = arith.xori %eq3A_151, %not3A_334 : i1
          %and3A_336 = arith.andi %or3A_333, %not3A_335 : i1
          %convert_element_type3A_337 = arith.extui %and3A_336 : i1 to i32
          %cond3A_338 = arith.constant 0 : i32
          %cond3A_339 = arith.cmpi ne, %convert_element_type3A_337, %cond3A_338 : i32
          scf.if %cond3A_339 {
          } else {
          }
          %and3A_340 = arith.constant false
          %and3A_341 = arith.andi %and3A_336, %and3A_340 : i1
          %ne3A_342 = arith.cmpi ne, %add3A_155, %add3A_165 : i32
          %or3A_343 = arith.constant false
          %or3A_344 = arith.ori %or3A_343, %ne3A_342 : i1
          %or3A_345 = arith.constant false
          %or3A_346 = arith.ori %or3A_344, %or3A_345 : i1
          %not3A_347 = arith.constant true
          %not3A_348 = arith.xori %eq3A_151, %not3A_347 : i1
          %and3A_349 = arith.andi %or3A_346, %not3A_348 : i1
          %convert_element_type3A_350 = arith.extui %and3A_349 : i1 to i32
          %cond3A_351 = arith.constant 0 : i32
          %cond3A_352 = arith.cmpi ne, %convert_element_type3A_350, %cond3A_351 : i32
          scf.if %cond3A_352 {
            "tpu.trace_start"() <{level = 10 : i32, message = "ep_wait_out"}> : () -> ()
            %rem3A_374 = arith.constant 2 : i32
            %rem3A_375 = arith.remui %while3A_146, %rem3A_374 : i32
            %mul3A_376 = arith.constant 256 : i32
            %mul3A_377 = arith.muli %mul3A_376, %add3A_165 : i32
            %dma_wait3A_378 = arith.constant 0 : i32
            %dma_wait3A_379 = arith.constant 0 : i32
            %dma_wait3A_380 = tpu.memref_slice %run_scoped3A_18[%rem3A_375, %dma_wait3A_378, %dma_wait3A_379] : memref<2x256x128xf32, #tpu.memory_space<vmem>> -> memref<1x256x128xf32, #tpu.memory_space<vmem>>
            %dma_wait3A_381 = tpu.memref_squeeze %dma_wait3A_380 : memref<1x256x128xf32, #tpu.memory_space<vmem>> -> memref<256x128xf32, #tpu.memory_space<vmem>>
            %dma_wait3A_382 = arith.constant 0 : i32
            %dma_wait3A_383 = tpu.memref_slice %arg4[%mul3A_377, %dma_wait3A_382] : memref<53248x128xf32, #tpu.memory_space<hbm>> -> memref<256x128xf32, #tpu.memory_space<hbm>>
            %dma_wait3A_384 = tpu.memref_slice %run_scoped3A_19[%rem3A_375] : memref<2x!tpu.dma_semaphore, #tpu.memory_space<semaphore_mem>> -> memref<1x!tpu.dma_semaphore, #tpu.memory_space<semaphore_mem>>
            %dma_wait3A_385 = tpu.memref_squeeze %dma_wait3A_384 : memref<1x!tpu.dma_semaphore, #tpu.memory_space<semaphore_mem>> -> memref<!tpu.dma_semaphore, #tpu.memory_space<semaphore_mem>>
            %dma_wait3A_386 = arith.constant 0 : i32
            %dma_wait3A_387 = tpu.memref_slice %arg4[%mul3A_377, %dma_wait3A_386] : memref<53248x128xf32, #tpu.memory_space<hbm>> -> memref<256x128xf32, #tpu.memory_space<hbm>>
            %dma_wait3A_388 = arith.constant 0 : i32
            %dma_wait3A_389 = arith.constant 0 : i32
            %dma_wait3A_390 = tpu.memref_slice %run_scoped3A_18[%rem3A_375, %dma_wait3A_388, %dma_wait3A_389] : memref<2x256x128xf32, #tpu.memory_space<vmem>> -> memref<1x256x128xf32, #tpu.memory_space<vmem>>
            %dma_wait3A_391 = tpu.memref_squeeze %dma_wait3A_390 : memref<1x256x128xf32, #tpu.memory_space<vmem>> -> memref<256x128xf32, #tpu.memory_space<vmem>>
            tpu.wait_dma2 semaphore(%dma_wait3A_385 : memref<!tpu.dma_semaphore, #tpu.memory_space<semaphore_mem>>) src(%dma_wait3A_391 : memref<256x128xf32, #tpu.memory_space<vmem>>) dst(%dma_wait3A_387 : memref<256x128xf32, #tpu.memory_space<hbm>>)
            "tpu.trace_stop"() : () -> ()
          } else {
          }
          %and3A_353 = arith.constant true
          %and3A_354 = arith.andi %and3A_349, %and3A_353 : i1
          %add3A_355 = arith.constant 1 : i32
          %add3A_356 = arith.addi %while3A_146, %add3A_355 : i32
          %select_n3A_357 = arith.select %and3A_354, %add3A_356, %while3A_146 : i32
          %ne3A_358 = arith.cmpi ne, %add3A_155, %add3A_173 : i32
          %or3A_359 = arith.constant false
          %or3A_360 = arith.ori %or3A_359, %ne3A_358 : i1
          %or3A_361 = arith.constant false
          %or3A_362 = arith.ori %or3A_360, %or3A_361 : i1
          %or3A_363 = arith.ori %or3A_362, %eq3A_154 : i1
          %add3A_364 = arith.constant 1 : i32
          %add3A_365 = arith.addi %while3A_144, %add3A_364 : i32
          %select_n3A_366 = arith.select %or3A_363, %add3A_365, %while3A_144 : i32
          %add3A_367 = arith.constant 1 : i32
          %add3A_368 = arith.addi %while3A_147, %add3A_367 : i32
          %select_n3A_369 = arith.constant true
          %select_n3A_370 = arith.select %select_n3A_369, %add3A_368, %while3A_147 : i32
          %eq3A_371 = arith.cmpi eq, %select_n3A_370, %select_n3A : i32
          %select_n3A_372 = arith.constant 0 : i32
          %select_n3A_373 = arith.select %eq3A_371, %select_n3A_372, %select_n3A_370 : i32
          scf.yield %select_n3A_197, %select_n3A_366, %select_n3A_328, %select_n3A_357, %select_n3A_373 : i32, i32, i32, i32, i32
        }
        %sub3A_91 = arith.constant 1 : i32
        %sub3A_92 = arith.subi %while3A_90#4, %sub3A_91 : i32
        %select_n3A_93 = arith.constant true
        %select_n3A_94 = arith.select %select_n3A_93, %sub3A_92, %while3A_90#4 : i32
        %eq3A_95 = arith.constant -1 : i32
        %eq3A_96 = arith.cmpi eq, %select_n3A_94, %eq3A_95 : i32
        %sub3A_97 = arith.constant 1 : i32
        %sub3A_98 = arith.subi %select_n3A, %sub3A_97 : i32
        %select_n3A_99 = arith.select %eq3A_96, %sub3A_98, %select_n3A_94 : i32
        %sub3A_100 = arith.constant 1 : i32
        %sub3A_101 = arith.subi %mul3A_16, %sub3A_100 : i32
        %mul3A_102 = arith.constant 1 : i32
        %mul3A_103 = arith.muli %mul3A_102, %select_n3A : i32
        %eq3A_104 = arith.constant 0 : i32
        %eq3A_105 = arith.cmpi eq, %sub3A_101, %eq3A_104 : i32
        %sub3A_106 = arith.constant 1 : i32
        %sub3A_107 = arith.subi %mul3A_103, %sub3A_106 : i32
        %eq3A_108 = arith.cmpi eq, %sub3A_101, %sub3A_107 : i32
        %add3A_109 = arith.addi %select_n3A_99, %select_n3A_14 : i32
        %sub3A_110 = arith.constant 1 : i32
        %sub3A_111 = arith.subi %select_n3A_99, %sub3A_110 : i32
        %select_n3A_112 = arith.constant true
        %select_n3A_113 = arith.select %select_n3A_112, %sub3A_111, %select_n3A_99 : i32
        %eq3A_114 = arith.constant -1 : i32
        %eq3A_115 = arith.cmpi eq, %select_n3A_113, %eq3A_114 : i32
        %sub3A_116 = arith.constant 1 : i32
        %sub3A_117 = arith.subi %select_n3A, %sub3A_116 : i32
        %select_n3A_118 = arith.select %eq3A_115, %sub3A_117, %select_n3A_113 : i32
        %add3A_119 = arith.addi %select_n3A_118, %select_n3A_14 : i32
        %add3A_120 = arith.constant 1 : i32
        %add3A_121 = arith.addi %select_n3A_99, %add3A_120 : i32
        %select_n3A_122 = arith.constant true
        %select_n3A_123 = arith.select %select_n3A_122, %add3A_121, %select_n3A_99 : i32
        %eq3A_124 = arith.cmpi eq, %select_n3A_123, %select_n3A : i32
        %select_n3A_125 = arith.constant 0 : i32
        %select_n3A_126 = arith.select %eq3A_124, %select_n3A_125, %select_n3A_123 : i32
        %add3A_127 = arith.addi %select_n3A_126, %select_n3A_14 : i32
        %add3A_128 = arith.constant 1 : i32
        %add3A_129 = arith.addi %select_n3A_126, %add3A_128 : i32
        %select_n3A_130 = arith.constant true
        %select_n3A_131 = arith.select %select_n3A_130, %add3A_129, %select_n3A_126 : i32
        %eq3A_132 = arith.cmpi eq, %select_n3A_131, %select_n3A : i32
        %select_n3A_133 = arith.constant 0 : i32
        %select_n3A_134 = arith.select %eq3A_132, %select_n3A_133, %select_n3A_131 : i32
        %add3A_135 = arith.addi %select_n3A_134, %select_n3A_14 : i32
        %convert_element_type3A_136 = arith.extui %eq3A_108 : i1 to i32
        %cond3A_137 = arith.constant 0 : i32
        %cond3A_138 = arith.cmpi ne, %convert_element_type3A_136, %cond3A_137 : i32
        scf.if %cond3A_138 {
        } else {
        }
        %convert_element_type3A_139 = arith.extui %eq3A_108 : i1 to i32
        %cond3A_140 = arith.constant 0 : i32
        %cond3A_141 = arith.cmpi ne, %convert_element_type3A_139, %cond3A_140 : i32
        scf.if %cond3A_141 {
          "tpu.trace_start"() <{level = 10 : i32, message = "ep_finalize"}> : () -> ()
          %rem3A_142 = arith.constant 2 : i32
          %rem3A_143 = arith.remui %while3A_90#3, %rem3A_142 : i32
          %mul3A_144 = arith.constant 256 : i32
          %mul3A_145 = arith.muli %mul3A_144, %add3A_109 : i32
          %dma_wait3A = arith.constant 0 : i32
          %dma_wait3A_146 = arith.constant 0 : i32
          %dma_wait3A_147 = tpu.memref_slice %run_scoped3A_18[%rem3A_143, %dma_wait3A, %dma_wait3A_146] : memref<2x256x128xf32, #tpu.memory_space<vmem>> -> memref<1x256x128xf32, #tpu.memory_space<vmem>>
          %dma_wait3A_148 = tpu.memref_squeeze %dma_wait3A_147 : memref<1x256x128xf32, #tpu.memory_space<vmem>> -> memref<256x128xf32, #tpu.memory_space<vmem>>
          %dma_wait3A_149 = arith.constant 0 : i32
          %dma_wait3A_150 = tpu.memref_slice %arg4[%mul3A_145, %dma_wait3A_149] : memref<53248x128xf32, #tpu.memory_space<hbm>> -> memref<256x128xf32, #tpu.memory_space<hbm>>
          %dma_wait3A_151 = tpu.memref_slice %run_scoped3A_19[%rem3A_143] : memref<2x!tpu.dma_semaphore, #tpu.memory_space<semaphore_mem>> -> memref<1x!tpu.dma_semaphore, #tpu.memory_space<semaphore_mem>>
          %dma_wait3A_152 = tpu.memref_squeeze %dma_wait3A_151 : memref<1x!tpu.dma_semaphore, #tpu.memory_space<semaphore_mem>> -> memref<!tpu.dma_semaphore, #tpu.memory_space<semaphore_mem>>
          %dma_wait3A_153 = arith.constant 0 : i32
          %dma_wait3A_154 = tpu.memref_slice %arg4[%mul3A_145, %dma_wait3A_153] : memref<53248x128xf32, #tpu.memory_space<hbm>> -> memref<256x128xf32, #tpu.memory_space<hbm>>
          %dma_wait3A_155 = arith.constant 0 : i32
          %dma_wait3A_156 = arith.constant 0 : i32
          %dma_wait3A_157 = tpu.memref_slice %run_scoped3A_18[%rem3A_143, %dma_wait3A_155, %dma_wait3A_156] : memref<2x256x128xf32, #tpu.memory_space<vmem>> -> memref<1x256x128xf32, #tpu.memory_space<vmem>>
          %dma_wait3A_158 = tpu.memref_squeeze %dma_wait3A_157 : memref<1x256x128xf32, #tpu.memory_space<vmem>> -> memref<256x128xf32, #tpu.memory_space<vmem>>
          tpu.wait_dma2 semaphore(%dma_wait3A_152 : memref<!tpu.dma_semaphore, #tpu.memory_space<semaphore_mem>>) src(%dma_wait3A_158 : memref<256x128xf32, #tpu.memory_space<vmem>>) dst(%dma_wait3A_154 : memref<256x128xf32, #tpu.memory_space<hbm>>)
          "tpu.trace_stop"() : () -> ()
        } else {
        }
      } else {
      }
      tpu.yield
    }) : () -> ()
    return
  }
}

#map = affine_map<(d0, d1) -> (0, 0)>
module attributes {stable_mosaic.version = 14 : i64} {
  func.func @gather_kernel(%arg0: i32, %arg1: i32, %arg2: memref<100000x128xf32, #tpu.memory_space<hbm>>, %arg3: memref<416x128xi32, #tpu.memory_space<hbm>>, %arg4: memref<53248x128xf32, #tpu.memory_space<hbm>>, %arg5: memref<!tpu.dma_semaphore, #tpu.memory_space<semaphore_mem>>, %arg6: memref<!tpu.dma_semaphore, #tpu.memory_space<semaphore_mem>>) attributes {dimension_semantics = [#tpu.dimension_semantics<core_parallel>, #tpu.dimension_semantics<subcore_parallel>], iteration_bounds = array<i64: 2, 16>, scalar_prefetch = 0 : i64, scratch_operands = 2 : i64, tpu.core_type = #tpu.core_type<sc_vector_subcore>, window_params = [{transform_indices = #map}, {transform_indices = #map}, {transform_indices = #map}]} {
    %mul3A = arith.constant 1 : i32
    %mul3A_0 = arith.muli %arg1, %mul3A : i32
    %add3A = arith.constant 0 : i32
    %add3A_1 = arith.addi %add3A, %mul3A_0 : i32
    %mul3A_2 = arith.constant 16 : i32
    %mul3A_3 = arith.muli %arg0, %mul3A_2 : i32
    %add3A_4 = arith.addi %add3A_1, %mul3A_3 : i32
    %lt3A = arith.constant 16 : i32
    %lt3A_5 = arith.cmpi slt, %add3A_4, %lt3A : i32
    %jit3A = arith.constant 7 : i32
    %jit3A_6 = arith.constant 6 : i32
    %select_n3A = arith.select %lt3A_5, %jit3A, %jit3A_6 : i32
    %lt3A_7 = arith.constant 16 : i32
    %lt3A_8 = arith.cmpi slt, %add3A_4, %lt3A_7 : i32
    %mul3A_9 = arith.muli %add3A_4, %select_n3A : i32
    %mul3A_10 = arith.constant 6 : i32
    %mul3A_11 = arith.muli %add3A_4, %mul3A_10 : i32
    %add3A_12 = arith.constant 16 : i32
    %add3A_13 = arith.addi %mul3A_11, %add3A_12 : i32
    %select_n3A_14 = arith.select %lt3A_8, %mul3A_9, %add3A_13 : i32
    %mul3A_15 = arith.constant 1 : i32
    %mul3A_16 = arith.muli %mul3A_15, %select_n3A : i32
    "tpu.region"() ({
      %run_scoped3A = memref.alloca() : memref<2x2x128xi32, #tpu.memory_space<vmem>>
      %run_scoped3A_17 = tpu.sem_alloc : memref<2x!tpu.dma_semaphore, #tpu.memory_space<semaphore_mem>>
      %run_scoped3A_18 = memref.alloca() : memref<2x256x128xf32, #tpu.memory_space<vmem>>
      %run_scoped3A_19 = tpu.sem_alloc : memref<2x!tpu.dma_semaphore, #tpu.memory_space<semaphore_mem>>
      %gt3A = arith.constant 0 : i32
      %gt3A_20 = arith.cmpi sgt, %mul3A_16, %gt3A : i32
      %convert_element_type3A = arith.extui %gt3A_20 : i1 to i32
      %cond3A = arith.constant 0 : i32
      %cond3A_21 = arith.cmpi ne, %convert_element_type3A, %cond3A : i32
      scf.if %cond3A_21 {
        %mul3A_22 = arith.constant 1 : i32
        %mul3A_23 = arith.muli %mul3A_22, %select_n3A : i32
        %sub3A = arith.constant 1 : i32
        %sub3A_24 = arith.subi %mul3A_23, %sub3A : i32
        %eq3A = arith.constant 0 : i32
        %eq3A_25 = arith.cmpi eq, %sub3A_24, %eq3A : i32
        %add3A_26 = arith.constant 0 : i32
        %add3A_27 = arith.addi %add3A_26, %select_n3A_14 : i32
        %select_n3A_28 = arith.constant true
        %select_n3A_29 = arith.constant 0 : i32
        %select_n3A_30 = arith.constant -1 : i32
        %select_n3A_31 = arith.select %select_n3A_28, %select_n3A_30, %select_n3A_29 : i32
        %eq3A_32 = arith.constant -1 : i32
        %eq3A_33 = arith.cmpi eq, %select_n3A_31, %eq3A_32 : i32
        %sub3A_34 = arith.constant 1 : i32
        %sub3A_35 = arith.subi %select_n3A, %sub3A_34 : i32
        %select_n3A_36 = arith.select %eq3A_33, %sub3A_35, %select_n3A_31 : i32
        %add3A_37 = arith.addi %select_n3A_36, %select_n3A_14 : i32
        %select_n3A_38 = arith.constant true
        %select_n3A_39 = arith.constant 0 : i32
        %select_n3A_40 = arith.constant 1 : i32
        %select_n3A_41 = arith.select %select_n3A_38, %select_n3A_40, %select_n3A_39 : i32
        %eq3A_42 = arith.cmpi eq, %select_n3A_41, %select_n3A : i32
        %select_n3A_43 = arith.constant 0 : i32
        %select_n3A_44 = arith.select %eq3A_42, %select_n3A_43, %select_n3A_41 : i32
        %add3A_45 = arith.addi %select_n3A_44, %select_n3A_14 : i32
        %add3A_46 = arith.constant 1 : i32
        %add3A_47 = arith.addi %select_n3A_44, %add3A_46 : i32
        %select_n3A_48 = arith.constant true
        %select_n3A_49 = arith.select %select_n3A_48, %add3A_47, %select_n3A_44 : i32
        %eq3A_50 = arith.cmpi eq, %select_n3A_49, %select_n3A : i32
        %select_n3A_51 = arith.constant 0 : i32
        %select_n3A_52 = arith.select %eq3A_50, %select_n3A_51, %select_n3A_49 : i32
        %add3A_53 = arith.addi %select_n3A_52, %select_n3A_14 : i32
        "tpu.trace_start"() <{level = 10 : i32, message = "ep_initialize_0"}> : () -> ()
        %rem3A = arith.constant 0 : i32
        %rem3A_54 = arith.constant 2 : i32
        %rem3A_55 = arith.remui %rem3A, %rem3A_54 : i32
        %mul3A_56 = arith.constant 2 : i32
        %mul3A_57 = arith.muli %mul3A_56, %add3A_27 : i32
        %dma_start3A = arith.constant 0 : i32
        %dma_start3A_58 = arith.constant 0 : i32
        %dma_start3A_59 = tpu.memref_slice %run_scoped3A[%rem3A_55, %dma_start3A, %dma_start3A_58] : memref<2x2x128xi32, #tpu.memory_space<vmem>> -> memref<1x2x128xi32, #tpu.memory_space<vmem>>
        %dma_start3A_60 = tpu.memref_squeeze %dma_start3A_59 : memref<1x2x128xi32, #tpu.memory_space<vmem>> -> memref<2x128xi32, #tpu.memory_space<vmem>>
        %dma_start3A_61 = arith.constant 0 : i32
        %dma_start3A_62 = tpu.memref_slice %arg3[%mul3A_57, %dma_start3A_61] : memref<416x128xi32, #tpu.memory_space<hbm>> -> memref<2x128xi32, #tpu.memory_space<hbm>>
        %dma_start3A_63 = tpu.memref_slice %run_scoped3A_17[%rem3A_55] : memref<2x!tpu.dma_semaphore, #tpu.memory_space<semaphore_mem>> -> memref<1x!tpu.dma_semaphore, #tpu.memory_space<semaphore_mem>>
        %dma_start3A_64 = tpu.memref_squeeze %dma_start3A_63 : memref<1x!tpu.dma_semaphore, #tpu.memory_space<semaphore_mem>> -> memref<!tpu.dma_semaphore, #tpu.memory_space<semaphore_mem>>
        %dma_start3A_65 = arith.constant 0 : i32
        %dma_start3A_66 = arith.constant 0 : i32
        %dma_start3A_67 = tpu.memref_slice %run_scoped3A[%rem3A_55, %dma_start3A_65, %dma_start3A_66] : memref<2x2x128xi32, #tpu.memory_space<vmem>> -> memref<1x2x128xi32, #tpu.memory_space<vmem>>
        %dma_start3A_68 = tpu.memref_squeeze %dma_start3A_67 : memref<1x2x128xi32, #tpu.memory_space<vmem>> -> memref<2x128xi32, #tpu.memory_space<vmem>>
        %dma_start3A_69 = arith.constant 0 : i32
        %dma_start3A_70 = tpu.memref_slice %arg3[%mul3A_57, %dma_start3A_69] : memref<416x128xi32, #tpu.memory_space<hbm>> -> memref<2x128xi32, #tpu.memory_space<hbm>>
        tpu.enqueue_dma source(%dma_start3A_70 : memref<2x128xi32, #tpu.memory_space<hbm>>) target(%dma_start3A_68 : memref<2x128xi32, #tpu.memory_space<vmem>>) target_semaphore(%dma_start3A_64 : memref<!tpu.dma_semaphore, #tpu.memory_space<semaphore_mem>>)
        %add3A_71 = arith.constant 0 : i32
        %add3A_72 = arith.constant 1 : i32
        %add3A_73 = arith.addi %add3A_71, %add3A_72 : i32
        %select_n3A_74 = arith.constant true
        %select_n3A_75 = arith.constant 0 : i32
        %select_n3A_76 = arith.select %select_n3A_74, %add3A_73, %select_n3A_75 : i32
        %while3A = arith.constant 0 : i32
        %while3A_77 = arith.constant 0 : i32
        %while3A_78 = arith.constant 0 : i32
        %while3A_79 = arith.constant 0 : i32
        %while3A_80 = arith.constant 0 : i32
        "tpu.trace_stop"() : () -> ()
        %while3A_81 = arith.subi %mul3A_16, %while3A : i32
        %while3A_82 = arith.addi %while3A, %while3A_81 : i32
        %while3A_83 = arith.constant 1 : i32
        %while3A_84 = arith.divsi %while3A_81, %while3A_83 : i32
        %while3A_85 = arith.muli %while3A_84, %while3A_83 : i32
        %while3A_86 = arith.addi %while3A, %while3A_85 : i32
        %while3A_87 = arith.constant 1 : i32
        %while3A_88:5 = scf.for %while3A_142 = %while3A to %while3A_86 step %while3A_87 iter_args(%while3A_143 = %select_n3A_76, %while3A_144 = %while3A_77, %while3A_145 = %while3A_78, %while3A_146 = %while3A_79, %while3A_147 = %while3A_80) -> (i32, i32, i32, i32, i32)  : i32 {
          %mul3A_148 = arith.constant 1 : i32
          %mul3A_149 = arith.muli %mul3A_148, %select_n3A : i32
          %eq3A_150 = arith.constant 0 : i32
          %eq3A_151 = arith.cmpi eq, %while3A_142, %eq3A_150 : i32
          %sub3A_152 = arith.constant 1 : i32
          %sub3A_153 = arith.subi %mul3A_149, %sub3A_152 : i32
          %eq3A_154 = arith.cmpi eq, %while3A_142, %sub3A_153 : i32
          %add3A_155 = arith.addi %while3A_147, %select_n3A_14 : i32
          %sub3A_156 = arith.constant 1 : i32
          %sub3A_157 = arith.subi %while3A_147, %sub3A_156 : i32
          %select_n3A_158 = arith.constant true
          %select_n3A_159 = arith.select %select_n3A_158, %sub3A_157, %while3A_147 : i32
          %eq3A_160 = arith.constant -1 : i32
          %eq3A_161 = arith.cmpi eq, %select_n3A_159, %eq3A_160 : i32
          %sub3A_162 = arith.constant 1 : i32
          %sub3A_163 = arith.subi %select_n3A, %sub3A_162 : i32
          %select_n3A_164 = arith.select %eq3A_161, %sub3A_163, %select_n3A_159 : i32
          %add3A_165 = arith.addi %select_n3A_164, %select_n3A_14 : i32
          %add3A_166 = arith.constant 1 : i32
          %add3A_167 = arith.addi %while3A_147, %add3A_166 : i32
          %select_n3A_168 = arith.constant true
          %select_n3A_169 = arith.select %select_n3A_168, %add3A_167, %while3A_147 : i32
          %eq3A_170 = arith.cmpi eq, %select_n3A_169, %select_n3A : i32
          %select_n3A_171 = arith.constant 0 : i32
          %select_n3A_172 = arith.select %eq3A_170, %select_n3A_171, %select_n3A_169 : i32
          %add3A_173 = arith.addi %select_n3A_172, %select_n3A_14 : i32
          %add3A_174 = arith.constant 1 : i32
          %add3A_175 = arith.addi %select_n3A_172, %add3A_174 : i32
          %select_n3A_176 = arith.constant true
          %select_n3A_177 = arith.select %select_n3A_176, %add3A_175, %select_n3A_172 : i32
          %eq3A_178 = arith.cmpi eq, %select_n3A_177, %select_n3A : i32
          %select_n3A_179 = arith.constant 0 : i32
          %select_n3A_180 = arith.select %eq3A_178, %select_n3A_179, %select_n3A_177 : i32
          %add3A_181 = arith.addi %select_n3A_180, %select_n3A_14 : i32
          %ne3A = arith.cmpi ne, %add3A_155, %add3A_173 : i32
          %or3A = arith.constant false
          %or3A_182 = arith.ori %or3A, %ne3A : i1
          %or3A_183 = arith.constant false
          %or3A_184 = arith.ori %or3A_182, %or3A_183 : i1
          %sub3A_185 = arith.constant 2 : i32
          %sub3A_186 = arith.subi %mul3A_149, %sub3A_185 : i32
          %add3A_187 = arith.constant 1 : i32
          %add3A_188 = arith.addi %sub3A_186, %add3A_187 : i32
          %ge3A = arith.cmpi sge, %while3A_142, %add3A_188 : i32
          %not3A = arith.constant true
          %not3A_189 = arith.xori %ge3A, %not3A : i1
          %and3A = arith.andi %or3A_184, %not3A_189 : i1
          %convert_element_type3A_190 = arith.extui %and3A : i1 to i32
          %cond3A_191 = arith.constant 0 : i32
          %cond3A_192 = arith.cmpi ne, %convert_element_type3A_190, %cond3A_191 : i32
          scf.if %cond3A_192 {
            "tpu.trace_start"() <{level = 10 : i32, message = "ep_copy_in"}> : () -> ()
            %rem3A_374 = arith.constant 2 : i32
            %rem3A_375 = arith.remui %while3A_143, %rem3A_374 : i32
            %mul3A_376 = arith.constant 2 : i32
            %mul3A_377 = arith.muli %mul3A_376, %add3A_173 : i32
            %dma_start3A_378 = arith.constant 0 : i32
            %dma_start3A_379 = arith.constant 0 : i32
            %dma_start3A_380 = tpu.memref_slice %run_scoped3A[%rem3A_375, %dma_start3A_378, %dma_start3A_379] : memref<2x2x128xi32, #tpu.memory_space<vmem>> -> memref<1x2x128xi32, #tpu.memory_space<vmem>>
            %dma_start3A_381 = tpu.memref_squeeze %dma_start3A_380 : memref<1x2x128xi32, #tpu.memory_space<vmem>> -> memref<2x128xi32, #tpu.memory_space<vmem>>
            %dma_start3A_382 = arith.constant 0 : i32
            %dma_start3A_383 = tpu.memref_slice %arg3[%mul3A_377, %dma_start3A_382] : memref<416x128xi32, #tpu.memory_space<hbm>> -> memref<2x128xi32, #tpu.memory_space<hbm>>
            %dma_start3A_384 = tpu.memref_slice %run_scoped3A_17[%rem3A_375] : memref<2x!tpu.dma_semaphore, #tpu.memory_space<semaphore_mem>> -> memref<1x!tpu.dma_semaphore, #tpu.memory_space<semaphore_mem>>
            %dma_start3A_385 = tpu.memref_squeeze %dma_start3A_384 : memref<1x!tpu.dma_semaphore, #tpu.memory_space<semaphore_mem>> -> memref<!tpu.dma_semaphore, #tpu.memory_space<semaphore_mem>>
            %dma_start3A_386 = arith.constant 0 : i32
            %dma_start3A_387 = arith.constant 0 : i32
            %dma_start3A_388 = tpu.memref_slice %run_scoped3A[%rem3A_375, %dma_start3A_386, %dma_start3A_387] : memref<2x2x128xi32, #tpu.memory_space<vmem>> -> memref<1x2x128xi32, #tpu.memory_space<vmem>>
            %dma_start3A_389 = tpu.memref_squeeze %dma_start3A_388 : memref<1x2x128xi32, #tpu.memory_space<vmem>> -> memref<2x128xi32, #tpu.memory_space<vmem>>
            %dma_start3A_390 = arith.constant 0 : i32
            %dma_start3A_391 = tpu.memref_slice %arg3[%mul3A_377, %dma_start3A_390] : memref<416x128xi32, #tpu.memory_space<hbm>> -> memref<2x128xi32, #tpu.memory_space<hbm>>
            tpu.enqueue_dma source(%dma_start3A_391 : memref<2x128xi32, #tpu.memory_space<hbm>>) target(%dma_start3A_389 : memref<2x128xi32, #tpu.memory_space<vmem>>) target_semaphore(%dma_start3A_385 : memref<!tpu.dma_semaphore, #tpu.memory_space<semaphore_mem>>)
            "tpu.trace_stop"() : () -> ()
          } else {
          }
          %and3A_193 = arith.constant true
          %and3A_194 = arith.andi %and3A, %and3A_193 : i1
          %add3A_195 = arith.constant 1 : i32
          %add3A_196 = arith.addi %while3A_143, %add3A_195 : i32
          %select_n3A_197 = arith.select %and3A_194, %add3A_196, %while3A_143 : i32
          %ne3A_198 = arith.cmpi ne, %add3A_155, %add3A_173 : i32
          %or3A_199 = arith.constant false
          %or3A_200 = arith.ori %or3A_199, %ne3A_198 : i1
          %or3A_201 = arith.constant false
          %or3A_202 = arith.ori %or3A_200, %or3A_201 : i1
          %sub3A_203 = arith.constant 2 : i32
          %sub3A_204 = arith.subi %mul3A_149, %sub3A_203 : i32
          %add3A_205 = arith.constant 1 : i32
          %add3A_206 = arith.addi %sub3A_204, %add3A_205 : i32
          %ge3A_207 = arith.cmpi sge, %while3A_142, %add3A_206 : i32
          %not3A_208 = arith.constant true
          %not3A_209 = arith.xori %ge3A_207, %not3A_208 : i1
          %and3A_210 = arith.andi %or3A_202, %not3A_209 : i1
          %ne3A_211 = arith.cmpi ne, %add3A_155, %add3A_165 : i32
          %or3A_212 = arith.constant false
          %or3A_213 = arith.ori %or3A_212, %ne3A_211 : i1
          %or3A_214 = arith.constant false
          %or3A_215 = arith.ori %or3A_213, %or3A_214 : i1
          %or3A_216 = arith.ori %or3A_215, %eq3A_151 : i1
          %convert_element_type3A_217 = arith.extui %or3A_216 : i1 to i32
          %cond3A_218 = arith.constant 0 : i32
          %cond3A_219 = arith.cmpi ne, %convert_element_type3A_217, %cond3A_218 : i32
          scf.if %cond3A_219 {
            "tpu.trace_start"() <{level = 10 : i32, message = "ep_wait_in"}> : () -> ()
            %mul3A_374 = arith.constant 2 : i32
            %mul3A_375 = arith.muli %mul3A_374, %add3A_155 : i32
            %rem3A_376 = arith.constant 2 : i32
            %rem3A_377 = arith.remui %while3A_144, %rem3A_376 : i32
            %dma_wait3A_378 = arith.constant 0 : i32
            %dma_wait3A_379 = arith.constant 0 : i32
            %dma_wait3A_380 = tpu.memref_slice %run_scoped3A[%rem3A_377, %dma_wait3A_378, %dma_wait3A_379] : memref<2x2x128xi32, #tpu.memory_space<vmem>> -> memref<1x2x128xi32, #tpu.memory_space<vmem>>
            %dma_wait3A_381 = tpu.memref_squeeze %dma_wait3A_380 : memref<1x2x128xi32, #tpu.memory_space<vmem>> -> memref<2x128xi32, #tpu.memory_space<vmem>>
            %dma_wait3A_382 = arith.constant 0 : i32
            %dma_wait3A_383 = tpu.memref_slice %arg3[%mul3A_375, %dma_wait3A_382] : memref<416x128xi32, #tpu.memory_space<hbm>> -> memref<2x128xi32, #tpu.memory_space<hbm>>
            %dma_wait3A_384 = tpu.memref_slice %run_scoped3A_17[%rem3A_377] : memref<2x!tpu.dma_semaphore, #tpu.memory_space<semaphore_mem>> -> memref<1x!tpu.dma_semaphore, #tpu.memory_space<semaphore_mem>>
            %dma_wait3A_385 = tpu.memref_squeeze %dma_wait3A_384 : memref<1x!tpu.dma_semaphore, #tpu.memory_space<semaphore_mem>> -> memref<!tpu.dma_semaphore, #tpu.memory_space<semaphore_mem>>
            %dma_wait3A_386 = arith.constant 0 : i32
            %dma_wait3A_387 = arith.constant 0 : i32
            %dma_wait3A_388 = tpu.memref_slice %run_scoped3A[%rem3A_377, %dma_wait3A_386, %dma_wait3A_387] : memref<2x2x128xi32, #tpu.memory_space<vmem>> -> memref<1x2x128xi32, #tpu.memory_space<vmem>>
            %dma_wait3A_389 = tpu.memref_squeeze %dma_wait3A_388 : memref<1x2x128xi32, #tpu.memory_space<vmem>> -> memref<2x128xi32, #tpu.memory_space<vmem>>
            %dma_wait3A_390 = arith.constant 0 : i32
            %dma_wait3A_391 = tpu.memref_slice %arg3[%mul3A_375, %dma_wait3A_390] : memref<416x128xi32, #tpu.memory_space<hbm>> -> memref<2x128xi32, #tpu.memory_space<hbm>>
            tpu.wait_dma2 semaphore(%dma_wait3A_385 : memref<!tpu.dma_semaphore, #tpu.memory_space<semaphore_mem>>) src(%dma_wait3A_391 : memref<2x128xi32, #tpu.memory_space<hbm>>) dst(%dma_wait3A_389 : memref<2x128xi32, #tpu.memory_space<vmem>>)
            "tpu.trace_stop"() : () -> ()
          } else {
          }
          %ne3A_220 = arith.cmpi ne, %add3A_155, %add3A_165 : i32
          %or3A_221 = arith.constant false
          %or3A_222 = arith.ori %or3A_221, %ne3A_220 : i1
          %or3A_223 = arith.constant false
          %or3A_224 = arith.ori %or3A_222, %or3A_223 : i1
          %or3A_225 = arith.ori %or3A_224, %eq3A_151 : i1
          %convert_element_type3A_226 = arith.extui %or3A_225 : i1 to i32
          %cond3A_227 = arith.constant 0 : i32
          %cond3A_228 = arith.cmpi ne, %convert_element_type3A_226, %cond3A_227 : i32
          scf.if %cond3A_228 {
          } else {
          }
          %rem3A_229 = arith.constant 2 : i32
          %rem3A_230 = arith.remui %while3A_144, %rem3A_229 : i32
          %rem3A_231 = arith.constant 2 : i32
          %rem3A_232 = arith.remui %while3A_145, %rem3A_231 : i32
          %dma_start3A_233 = arith.constant 0 : i32
          "tpu.trace_start"() <{level = 10 : i32, message = "ep_run_kernel"}> : () -> ()
          %dma_start3A_234 = arith.constant 0 : i32
          %dma_start3A_235 = arith.constant 0 : i32
          %dma_start3A_236 = tpu.memref_slice %run_scoped3A_18[%rem3A_232, %dma_start3A_234, %dma_start3A_235] : memref<2x256x128xf32, #tpu.memory_space<vmem>> -> memref<1x256x128xf32, #tpu.memory_space<vmem>>
          %dma_start3A_237 = tpu.memref_squeeze %dma_start3A_236 : memref<1x256x128xf32, #tpu.memory_space<vmem>> -> memref<256x128xf32, #tpu.memory_space<vmem>>
          %dma_start3A_238 = arith.constant 0 : i32
          %dma_start3A_239 = arith.constant 0 : i32
          %dma_start3A_240 = tpu.memref_slice %dma_start3A_237[%dma_start3A_238, %dma_start3A_239] : memref<256x128xf32, #tpu.memory_space<vmem>> -> memref<128x128xf32, #tpu.memory_space<vmem>>
          %dma_start3A_241 = arith.constant 0 : i32
          %dma_start3A_242 = arith.constant 0 : i32
          %dma_start3A_243 = tpu.memref_slice %run_scoped3A[%rem3A_230, %dma_start3A_241, %dma_start3A_242] : memref<2x2x128xi32, #tpu.memory_space<vmem>> -> memref<1x2x128xi32, #tpu.memory_space<vmem>>
          %dma_start3A_244 = tpu.memref_squeeze %dma_start3A_243 : memref<1x2x128xi32, #tpu.memory_space<vmem>> -> memref<2x128xi32, #tpu.memory_space<vmem>>
          %dma_start3A_245 = arith.constant 0 : i32
          %dma_start3A_246 = tpu.memref_slice %dma_start3A_244[%dma_start3A_233, %dma_start3A_245] : memref<2x128xi32, #tpu.memory_space<vmem>> -> memref<1x128xi32, #tpu.memory_space<vmem>>
          %dma_start3A_247 = tpu.memref_squeeze %dma_start3A_246 : memref<1x128xi32, #tpu.memory_space<vmem>> -> memref<128xi32, #tpu.memory_space<vmem>>
          %dma_start3A_248 = arith.constant 0 : i32
          %dma_start3A_249 = arith.constant 0 : i32
          %dma_start3A_250 = tpu.memref_slice %arg2[%dma_start3A_248, %dma_start3A_249] : memref<100000x128xf32, #tpu.memory_space<hbm>> -> memref<100000x128xf32, #tpu.memory_space<hbm>>
          tpu.enqueue_indirect_dma source(%dma_start3A_250 : memref<100000x128xf32, #tpu.memory_space<hbm>>) target(%dma_start3A_240 : memref<128x128xf32, #tpu.memory_space<vmem>>) offsets(%dma_start3A_247 : memref<128xi32, #tpu.memory_space<vmem>>) semaphore(%arg5 : memref<!tpu.dma_semaphore, #tpu.memory_space<semaphore_mem>>)
          %dma_start3A_251 = arith.constant 1 : i32
          %dma_start3A_252 = arith.constant 0 : i32
          %dma_start3A_253 = arith.constant 0 : i32
          %dma_start3A_254 = tpu.memref_slice %run_scoped3A_18[%rem3A_232, %dma_start3A_252, %dma_start3A_253] : memref<2x256x128xf32, #tpu.memory_space<vmem>> -> memref<1x256x128xf32, #tpu.memory_space<vmem>>
          %dma_start3A_255 = tpu.memref_squeeze %dma_start3A_254 : memref<1x256x128xf32, #tpu.memory_space<vmem>> -> memref<256x128xf32, #tpu.memory_space<vmem>>
          %dma_start3A_256 = arith.constant 128 : i32
          %dma_start3A_257 = arith.constant 0 : i32
          %dma_start3A_258 = tpu.memref_slice %dma_start3A_255[%dma_start3A_256, %dma_start3A_257] : memref<256x128xf32, #tpu.memory_space<vmem>> -> memref<128x128xf32, #tpu.memory_space<vmem>>
          %dma_start3A_259 = arith.constant 0 : i32
          %dma_start3A_260 = arith.constant 0 : i32
          %dma_start3A_261 = tpu.memref_slice %run_scoped3A[%rem3A_230, %dma_start3A_259, %dma_start3A_260] : memref<2x2x128xi32, #tpu.memory_space<vmem>> -> memref<1x2x128xi32, #tpu.memory_space<vmem>>
          %dma_start3A_262 = tpu.memref_squeeze %dma_start3A_261 : memref<1x2x128xi32, #tpu.memory_space<vmem>> -> memref<2x128xi32, #tpu.memory_space<vmem>>
          %dma_start3A_263 = arith.constant 0 : i32
          %dma_start3A_264 = tpu.memref_slice %dma_start3A_262[%dma_start3A_251, %dma_start3A_263] : memref<2x128xi32, #tpu.memory_space<vmem>> -> memref<1x128xi32, #tpu.memory_space<vmem>>
          %dma_start3A_265 = tpu.memref_squeeze %dma_start3A_264 : memref<1x128xi32, #tpu.memory_space<vmem>> -> memref<128xi32, #tpu.memory_space<vmem>>
          %dma_start3A_266 = arith.constant 0 : i32
          %dma_start3A_267 = arith.constant 0 : i32
          %dma_start3A_268 = tpu.memref_slice %arg2[%dma_start3A_266, %dma_start3A_267] : memref<100000x128xf32, #tpu.memory_space<hbm>> -> memref<100000x128xf32, #tpu.memory_space<hbm>>
          tpu.enqueue_indirect_dma source(%dma_start3A_268 : memref<100000x128xf32, #tpu.memory_space<hbm>>) target(%dma_start3A_258 : memref<128x128xf32, #tpu.memory_space<vmem>>) offsets(%dma_start3A_265 : memref<128xi32, #tpu.memory_space<vmem>>) semaphore(%arg6 : memref<!tpu.dma_semaphore, #tpu.memory_space<semaphore_mem>>)
          %dma_wait3A = arith.constant 0 : i32
          %dma_wait3A_269 = arith.constant 0 : i32
          %dma_wait3A_270 = arith.constant 0 : i32
          %dma_wait3A_271 = tpu.memref_slice %run_scoped3A_18[%rem3A_232, %dma_wait3A_269, %dma_wait3A_270] : memref<2x256x128xf32, #tpu.memory_space<vmem>> -> memref<1x256x128xf32, #tpu.memory_space<vmem>>
          %dma_wait3A_272 = tpu.memref_squeeze %dma_wait3A_271 : memref<1x256x128xf32, #tpu.memory_space<vmem>> -> memref<256x128xf32, #tpu.memory_space<vmem>>
          %dma_wait3A_273 = arith.constant 0 : i32
          %dma_wait3A_274 = arith.constant 0 : i32
          %dma_wait3A_275 = tpu.memref_slice %dma_wait3A_272[%dma_wait3A_273, %dma_wait3A_274] : memref<256x128xf32, #tpu.memory_space<vmem>> -> memref<128x128xf32, #tpu.memory_space<vmem>>
          %dma_wait3A_276 = arith.constant 0 : i32
          %dma_wait3A_277 = arith.constant 0 : i32
          %dma_wait3A_278 = tpu.memref_slice %run_scoped3A[%rem3A_230, %dma_wait3A_276, %dma_wait3A_277] : memref<2x2x128xi32, #tpu.memory_space<vmem>> -> memref<1x2x128xi32, #tpu.memory_space<vmem>>
          %dma_wait3A_279 = tpu.memref_squeeze %dma_wait3A_278 : memref<1x2x128xi32, #tpu.memory_space<vmem>> -> memref<2x128xi32, #tpu.memory_space<vmem>>
          %dma_wait3A_280 = arith.constant 0 : i32
          %dma_wait3A_281 = tpu.memref_slice %dma_wait3A_279[%dma_wait3A, %dma_wait3A_280] : memref<2x128xi32, #tpu.memory_space<vmem>> -> memref<1x128xi32, #tpu.memory_space<vmem>>
          %dma_wait3A_282 = tpu.memref_squeeze %dma_wait3A_281 : memref<1x128xi32, #tpu.memory_space<vmem>> -> memref<128xi32, #tpu.memory_space<vmem>>
          %dma_wait3A_283 = arith.constant 0 : i32
          %dma_wait3A_284 = arith.constant 0 : i32
          %dma_wait3A_285 = tpu.memref_slice %arg2[%dma_wait3A_283, %dma_wait3A_284] : memref<100000x128xf32, #tpu.memory_space<hbm>> -> memref<100000x128xf32, #tpu.memory_space<hbm>>
          tpu.wait_indirect_dma semaphore(%arg5 : memref<!tpu.dma_semaphore, #tpu.memory_space<semaphore_mem>>) src(%dma_wait3A_285 : memref<100000x128xf32, #tpu.memory_space<hbm>>) dst(%dma_wait3A_275 : memref<128x128xf32, #tpu.memory_space<vmem>>)
          %dma_wait3A_286 = arith.constant 1 : i32
          %dma_wait3A_287 = arith.constant 0 : i32
          %dma_wait3A_288 = arith.constant 0 : i32
          %dma_wait3A_289 = tpu.memref_slice %run_scoped3A_18[%rem3A_232, %dma_wait3A_287, %dma_wait3A_288] : memref<2x256x128xf32, #tpu.memory_space<vmem>> -> memref<1x256x128xf32, #tpu.memory_space<vmem>>
          %dma_wait3A_290 = tpu.memref_squeeze %dma_wait3A_289 : memref<1x256x128xf32, #tpu.memory_space<vmem>> -> memref<256x128xf32, #tpu.memory_space<vmem>>
          %dma_wait3A_291 = arith.constant 128 : i32
          %dma_wait3A_292 = arith.constant 0 : i32
          %dma_wait3A_293 = tpu.memref_slice %dma_wait3A_290[%dma_wait3A_291, %dma_wait3A_292] : memref<256x128xf32, #tpu.memory_space<vmem>> -> memref<128x128xf32, #tpu.memory_space<vmem>>
          %dma_wait3A_294 = arith.constant 0 : i32
          %dma_wait3A_295 = arith.constant 0 : i32
          %dma_wait3A_296 = tpu.memref_slice %run_scoped3A[%rem3A_230, %dma_wait3A_294, %dma_wait3A_295] : memref<2x2x128xi32, #tpu.memory_space<vmem>> -> memref<1x2x128xi32, #tpu.memory_space<vmem>>
          %dma_wait3A_297 = tpu.memref_squeeze %dma_wait3A_296 : memref<1x2x128xi32, #tpu.memory_space<vmem>> -> memref<2x128xi32, #tpu.memory_space<vmem>>
          %dma_wait3A_298 = arith.constant 0 : i32
          %dma_wait3A_299 = tpu.memref_slice %dma_wait3A_297[%dma_wait3A_286, %dma_wait3A_298] : memref<2x128xi32, #tpu.memory_space<vmem>> -> memref<1x128xi32, #tpu.memory_space<vmem>>
          %dma_wait3A_300 = tpu.memref_squeeze %dma_wait3A_299 : memref<1x128xi32, #tpu.memory_space<vmem>> -> memref<128xi32, #tpu.memory_space<vmem>>
          %dma_wait3A_301 = arith.constant 0 : i32
          %dma_wait3A_302 = arith.constant 0 : i32
          %dma_wait3A_303 = tpu.memref_slice %arg2[%dma_wait3A_301, %dma_wait3A_302] : memref<100000x128xf32, #tpu.memory_space<hbm>> -> memref<100000x128xf32, #tpu.memory_space<hbm>>
          tpu.wait_indirect_dma semaphore(%arg6 : memref<!tpu.dma_semaphore, #tpu.memory_space<semaphore_mem>>) src(%dma_wait3A_303 : memref<100000x128xf32, #tpu.memory_space<hbm>>) dst(%dma_wait3A_293 : memref<128x128xf32, #tpu.memory_space<vmem>>)
          "tpu.trace_stop"() : () -> ()
          %ne3A_304 = arith.cmpi ne, %add3A_155, %add3A_173 : i32
          %or3A_305 = arith.constant false
          %or3A_306 = arith.ori %or3A_305, %ne3A_304 : i1
          %or3A_307 = arith.constant false
          %or3A_308 = arith.ori %or3A_306, %or3A_307 : i1
          %or3A_309 = arith.ori %or3A_308, %eq3A_154 : i1
          %convert_element_type3A_310 = arith.extui %or3A_309 : i1 to i32
          %cond3A_311 = arith.constant 0 : i32
          %cond3A_312 = arith.cmpi ne, %convert_element_type3A_310, %cond3A_311 : i32
          scf.if %cond3A_312 {
          } else {
          }
          %and3A_313 = arith.constant false
          %and3A_314 = arith.andi %or3A_309, %and3A_313 : i1
          %ne3A_315 = arith.cmpi ne, %add3A_155, %add3A_173 : i32
          %or3A_316 = arith.constant false
          %or3A_317 = arith.ori %or3A_316, %ne3A_315 : i1
          %or3A_318 = arith.constant false
          %or3A_319 = arith.ori %or3A_317, %or3A_318 : i1
          %or3A_320 = arith.ori %or3A_319, %eq3A_154 : i1
          %convert_element_type3A_321 = arith.extui %or3A_320 : i1 to i32
          %cond3A_322 = arith.constant 0 : i32
          %cond3A_323 = arith.cmpi ne, %convert_element_type3A_321, %cond3A_322 : i32
          scf.if %cond3A_323 {
            "tpu.trace_start"() <{level = 10 : i32, message = "ep_copy_out"}> : () -> ()
            %rem3A_374 = arith.constant 2 : i32
            %rem3A_375 = arith.remui %while3A_145, %rem3A_374 : i32
            %mul3A_376 = arith.constant 256 : i32
            %mul3A_377 = arith.muli %mul3A_376, %add3A_155 : i32
            %dma_start3A_378 = arith.constant 0 : i32
            %dma_start3A_379 = arith.constant 0 : i32
            %dma_start3A_380 = tpu.memref_slice %run_scoped3A_18[%rem3A_375, %dma_start3A_378, %dma_start3A_379] : memref<2x256x128xf32, #tpu.memory_space<vmem>> -> memref<1x256x128xf32, #tpu.memory_space<vmem>>
            %dma_start3A_381 = tpu.memref_squeeze %dma_start3A_380 : memref<1x256x128xf32, #tpu.memory_space<vmem>> -> memref<256x128xf32, #tpu.memory_space<vmem>>
            %dma_start3A_382 = arith.constant 0 : i32
            %dma_start3A_383 = tpu.memref_slice %arg4[%mul3A_377, %dma_start3A_382] : memref<53248x128xf32, #tpu.memory_space<hbm>> -> memref<256x128xf32, #tpu.memory_space<hbm>>
            %dma_start3A_384 = tpu.memref_slice %run_scoped3A_19[%rem3A_375] : memref<2x!tpu.dma_semaphore, #tpu.memory_space<semaphore_mem>> -> memref<1x!tpu.dma_semaphore, #tpu.memory_space<semaphore_mem>>
            %dma_start3A_385 = tpu.memref_squeeze %dma_start3A_384 : memref<1x!tpu.dma_semaphore, #tpu.memory_space<semaphore_mem>> -> memref<!tpu.dma_semaphore, #tpu.memory_space<semaphore_mem>>
            %dma_start3A_386 = arith.constant 0 : i32
            %dma_start3A_387 = tpu.memref_slice %arg4[%mul3A_377, %dma_start3A_386] : memref<53248x128xf32, #tpu.memory_space<hbm>> -> memref<256x128xf32, #tpu.memory_space<hbm>>
            %dma_start3A_388 = arith.constant 0 : i32
            %dma_start3A_389 = arith.constant 0 : i32
            %dma_start3A_390 = tpu.memref_slice %run_scoped3A_18[%rem3A_375, %dma_start3A_388, %dma_start3A_389] : memref<2x256x128xf32, #tpu.memory_space<vmem>> -> memref<1x256x128xf32, #tpu.memory_space<vmem>>
            %dma_start3A_391 = tpu.memref_squeeze %dma_start3A_390 : memref<1x256x128xf32, #tpu.memory_space<vmem>> -> memref<256x128xf32, #tpu.memory_space<vmem>>
            tpu.enqueue_dma source(%dma_start3A_391 : memref<256x128xf32, #tpu.memory_space<vmem>>) target(%dma_start3A_387 : memref<256x128xf32, #tpu.memory_space<hbm>>) target_semaphore(%dma_start3A_385 : memref<!tpu.dma_semaphore, #tpu.memory_space<semaphore_mem>>)
            "tpu.trace_stop"() : () -> ()
          } else {
          }
          %and3A_324 = arith.constant true
          %and3A_325 = arith.andi %or3A_320, %and3A_324 : i1
          %add3A_326 = arith.constant 1 : i32
          %add3A_327 = arith.addi %while3A_145, %add3A_326 : i32
          %select_n3A_328 = arith.select %and3A_325, %add3A_327, %while3A_145 : i32
          %ne3A_329 = arith.cmpi ne, %add3A_155, %add3A_165 : i32
          %or3A_330 = arith.constant false
          %or3A_331 = arith.ori %or3A_330, %ne3A_329 : i1
          %or3A_332 = arith.constant false
          %or3A_333 = arith.ori %or3A_331, %or3A_332 : i1
          %not3A_334 = arith.constant true
          %not3A_335 = arith.xori %eq3A_151, %not3A_334 : i1
          %and3A_336 = arith.andi %or3A_333, %not3A_335 : i1
          %convert_element_type3A_337 = arith.extui %and3A_336 : i1 to i32
          %cond3A_338 = arith.constant 0 : i32
          %cond3A_339 = arith.cmpi ne, %convert_element_type3A_337, %cond3A_338 : i32
          scf.if %cond3A_339 {
          } else {
          }
          %and3A_340 = arith.constant false
          %and3A_341 = arith.andi %and3A_336, %and3A_340 : i1
          %ne3A_342 = arith.cmpi ne, %add3A_155, %add3A_165 : i32
          %or3A_343 = arith.constant false
          %or3A_344 = arith.ori %or3A_343, %ne3A_342 : i1
          %or3A_345 = arith.constant false
          %or3A_346 = arith.ori %or3A_344, %or3A_345 : i1
          %not3A_347 = arith.constant true
          %not3A_348 = arith.xori %eq3A_151, %not3A_347 : i1
          %and3A_349 = arith.andi %or3A_346, %not3A_348 : i1
          %convert_element_type3A_350 = arith.extui %and3A_349 : i1 to i32
          %cond3A_351 = arith.constant 0 : i32
          %cond3A_352 = arith.cmpi ne, %convert_element_type3A_350, %cond3A_351 : i32
          scf.if %cond3A_352 {
            "tpu.trace_start"() <{level = 10 : i32, message = "ep_wait_out"}> : () -> ()
            %rem3A_374 = arith.constant 2 : i32
            %rem3A_375 = arith.remui %while3A_146, %rem3A_374 : i32
            %mul3A_376 = arith.constant 256 : i32
            %mul3A_377 = arith.muli %mul3A_376, %add3A_165 : i32
            %dma_wait3A_378 = arith.constant 0 : i32
            %dma_wait3A_379 = arith.constant 0 : i32
            %dma_wait3A_380 = tpu.memref_slice %run_scoped3A_18[%rem3A_375, %dma_wait3A_378, %dma_wait3A_379] : memref<2x256x128xf32, #tpu.memory_space<vmem>> -> memref<1x256x128xf32, #tpu.memory_space<vmem>>
            %dma_wait3A_381 = tpu.memref_squeeze %dma_wait3A_380 : memref<1x256x128xf32, #tpu.memory_space<vmem>> -> memref<256x128xf32, #tpu.memory_space<vmem>>
            %dma_wait3A_382 = arith.constant 0 : i32
            %dma_wait3A_383 = tpu.memref_slice %arg4[%mul3A_377, %dma_wait3A_382] : memref<53248x128xf32, #tpu.memory_space<hbm>> -> memref<256x128xf32, #tpu.memory_space<hbm>>
            %dma_wait3A_384 = tpu.memref_slice %run_scoped3A_19[%rem3A_375] : memref<2x!tpu.dma_semaphore, #tpu.memory_space<semaphore_mem>> -> memref<1x!tpu.dma_semaphore, #tpu.memory_space<semaphore_mem>>
            %dma_wait3A_385 = tpu.memref_squeeze %dma_wait3A_384 : memref<1x!tpu.dma_semaphore, #tpu.memory_space<semaphore_mem>> -> memref<!tpu.dma_semaphore, #tpu.memory_space<semaphore_mem>>
            %dma_wait3A_386 = arith.constant 0 : i32
            %dma_wait3A_387 = tpu.memref_slice %arg4[%mul3A_377, %dma_wait3A_386] : memref<53248x128xf32, #tpu.memory_space<hbm>> -> memref<256x128xf32, #tpu.memory_space<hbm>>
            %dma_wait3A_388 = arith.constant 0 : i32
            %dma_wait3A_389 = arith.constant 0 : i32
            %dma_wait3A_390 = tpu.memref_slice %run_scoped3A_18[%rem3A_375, %dma_wait3A_388, %dma_wait3A_389] : memref<2x256x128xf32, #tpu.memory_space<vmem>> -> memref<1x256x128xf32, #tpu.memory_space<vmem>>
            %dma_wait3A_391 = tpu.memref_squeeze %dma_wait3A_390 : memref<1x256x128xf32, #tpu.memory_space<vmem>> -> memref<256x128xf32, #tpu.memory_space<vmem>>
            tpu.wait_dma2 semaphore(%dma_wait3A_385 : memref<!tpu.dma_semaphore, #tpu.memory_space<semaphore_mem>>) src(%dma_wait3A_391 : memref<256x128xf32, #tpu.memory_space<vmem>>) dst(%dma_wait3A_387 : memref<256x128xf32, #tpu.memory_space<hbm>>)
            "tpu.trace_stop"() : () -> ()
          } else {
          }
          %and3A_353 = arith.constant true
          %and3A_354 = arith.andi %and3A_349, %and3A_353 : i1
          %add3A_355 = arith.constant 1 : i32
          %add3A_356 = arith.addi %while3A_146, %add3A_355 : i32
          %select_n3A_357 = arith.select %and3A_354, %add3A_356, %while3A_146 : i32
          %ne3A_358 = arith.cmpi ne, %add3A_155, %add3A_173 : i32
          %or3A_359 = arith.constant false
          %or3A_360 = arith.ori %or3A_359, %ne3A_358 : i1
          %or3A_361 = arith.constant false
          %or3A_362 = arith.ori %or3A_360, %or3A_361 : i1
          %or3A_363 = arith.ori %or3A_362, %eq3A_154 : i1
          %add3A_364 = arith.constant 1 : i32
          %add3A_365 = arith.addi %while3A_144, %add3A_364 : i32
          %select_n3A_366 = arith.select %or3A_363, %add3A_365, %while3A_144 : i32
          %add3A_367 = arith.constant 1 : i32
          %add3A_368 = arith.addi %while3A_147, %add3A_367 : i32
          %select_n3A_369 = arith.constant true
          %select_n3A_370 = arith.select %select_n3A_369, %add3A_368, %while3A_147 : i32
          %eq3A_371 = arith.cmpi eq, %select_n3A_370, %select_n3A : i32
          %select_n3A_372 = arith.constant 0 : i32
          %select_n3A_373 = arith.select %eq3A_371, %select_n3A_372, %select_n3A_370 : i32
          scf.yield %select_n3A_197, %select_n3A_366, %select_n3A_328, %select_n3A_357, %select_n3A_373 : i32, i32, i32, i32, i32
        }
        %while3A_89 = arith.constant 1 : i32
        %while3A_90:5 = scf.for %while3A_142 = %while3A_86 to %while3A_82 step %while3A_89 iter_args(%while3A_143 = %while3A_88#0, %while3A_144 = %while3A_88#1, %while3A_145 = %while3A_88#2, %while3A_146 = %while3A_88#3, %while3A_147 = %while3A_88#4) -> (i32, i32, i32, i32, i32)  : i32 {
          %mul3A_148 = arith.constant 1 : i32
          %mul3A_149 = arith.muli %mul3A_148, %select_n3A : i32
          %eq3A_150 = arith.constant 0 : i32
          %eq3A_151 = arith.cmpi eq, %while3A_142, %eq3A_150 : i32
          %sub3A_152 = arith.constant 1 : i32
          %sub3A_153 = arith.subi %mul3A_149, %sub3A_152 : i32
          %eq3A_154 = arith.cmpi eq, %while3A_142, %sub3A_153 : i32
          %add3A_155 = arith.addi %while3A_147, %select_n3A_14 : i32
          %sub3A_156 = arith.constant 1 : i32
          %sub3A_157 = arith.subi %while3A_147, %sub3A_156 : i32
          %select_n3A_158 = arith.constant true
          %select_n3A_159 = arith.select %select_n3A_158, %sub3A_157, %while3A_147 : i32
          %eq3A_160 = arith.constant -1 : i32
          %eq3A_161 = arith.cmpi eq, %select_n3A_159, %eq3A_160 : i32
          %sub3A_162 = arith.constant 1 : i32
          %sub3A_163 = arith.subi %select_n3A, %sub3A_162 : i32
          %select_n3A_164 = arith.select %eq3A_161, %sub3A_163, %select_n3A_159 : i32
          %add3A_165 = arith.addi %select_n3A_164, %select_n3A_14 : i32
          %add3A_166 = arith.constant 1 : i32
          %add3A_167 = arith.addi %while3A_147, %add3A_166 : i32
          %select_n3A_168 = arith.constant true
          %select_n3A_169 = arith.select %select_n3A_168, %add3A_167, %while3A_147 : i32
          %eq3A_170 = arith.cmpi eq, %select_n3A_169, %select_n3A : i32
          %select_n3A_171 = arith.constant 0 : i32
          %select_n3A_172 = arith.select %eq3A_170, %select_n3A_171, %select_n3A_169 : i32
          %add3A_173 = arith.addi %select_n3A_172, %select_n3A_14 : i32
          %add3A_174 = arith.constant 1 : i32
          %add3A_175 = arith.addi %select_n3A_172, %add3A_174 : i32
          %select_n3A_176 = arith.constant true
          %select_n3A_177 = arith.select %select_n3A_176, %add3A_175, %select_n3A_172 : i32
          %eq3A_178 = arith.cmpi eq, %select_n3A_177, %select_n3A : i32
          %select_n3A_179 = arith.constant 0 : i32
          %select_n3A_180 = arith.select %eq3A_178, %select_n3A_179, %select_n3A_177 : i32
          %add3A_181 = arith.addi %select_n3A_180, %select_n3A_14 : i32
          %ne3A = arith.cmpi ne, %add3A_155, %add3A_173 : i32
          %or3A = arith.constant false
          %or3A_182 = arith.ori %or3A, %ne3A : i1
          %or3A_183 = arith.constant false
          %or3A_184 = arith.ori %or3A_182, %or3A_183 : i1
          %sub3A_185 = arith.constant 2 : i32
          %sub3A_186 = arith.subi %mul3A_149, %sub3A_185 : i32
          %add3A_187 = arith.constant 1 : i32
          %add3A_188 = arith.addi %sub3A_186, %add3A_187 : i32
          %ge3A = arith.cmpi sge, %while3A_142, %add3A_188 : i32
          %not3A = arith.constant true
          %not3A_189 = arith.xori %ge3A, %not3A : i1
          %and3A = arith.andi %or3A_184, %not3A_189 : i1
          %convert_element_type3A_190 = arith.extui %and3A : i1 to i32
          %cond3A_191 = arith.constant 0 : i32
          %cond3A_192 = arith.cmpi ne, %convert_element_type3A_190, %cond3A_191 : i32
          scf.if %cond3A_192 {
            "tpu.trace_start"() <{level = 10 : i32, message = "ep_copy_in"}> : () -> ()
            %rem3A_374 = arith.constant 2 : i32
            %rem3A_375 = arith.remui %while3A_143, %rem3A_374 : i32
            %mul3A_376 = arith.constant 2 : i32
            %mul3A_377 = arith.muli %mul3A_376, %add3A_173 : i32
            %dma_start3A_378 = arith.constant 0 : i32
            %dma_start3A_379 = arith.constant 0 : i32
            %dma_start3A_380 = tpu.memref_slice %run_scoped3A[%rem3A_375, %dma_start3A_378, %dma_start3A_379] : memref<2x2x128xi32, #tpu.memory_space<vmem>> -> memref<1x2x128xi32, #tpu.memory_space<vmem>>
            %dma_start3A_381 = tpu.memref_squeeze %dma_start3A_380 : memref<1x2x128xi32, #tpu.memory_space<vmem>> -> memref<2x128xi32, #tpu.memory_space<vmem>>
            %dma_start3A_382 = arith.constant 0 : i32
            %dma_start3A_383 = tpu.memref_slice %arg3[%mul3A_377, %dma_start3A_382] : memref<416x128xi32, #tpu.memory_space<hbm>> -> memref<2x128xi32, #tpu.memory_space<hbm>>
            %dma_start3A_384 = tpu.memref_slice %run_scoped3A_17[%rem3A_375] : memref<2x!tpu.dma_semaphore, #tpu.memory_space<semaphore_mem>> -> memref<1x!tpu.dma_semaphore, #tpu.memory_space<semaphore_mem>>
            %dma_start3A_385 = tpu.memref_squeeze %dma_start3A_384 : memref<1x!tpu.dma_semaphore, #tpu.memory_space<semaphore_mem>> -> memref<!tpu.dma_semaphore, #tpu.memory_space<semaphore_mem>>
            %dma_start3A_386 = arith.constant 0 : i32
            %dma_start3A_387 = arith.constant 0 : i32
            %dma_start3A_388 = tpu.memref_slice %run_scoped3A[%rem3A_375, %dma_start3A_386, %dma_start3A_387] : memref<2x2x128xi32, #tpu.memory_space<vmem>> -> memref<1x2x128xi32, #tpu.memory_space<vmem>>
            %dma_start3A_389 = tpu.memref_squeeze %dma_start3A_388 : memref<1x2x128xi32, #tpu.memory_space<vmem>> -> memref<2x128xi32, #tpu.memory_space<vmem>>
            %dma_start3A_390 = arith.constant 0 : i32
            %dma_start3A_391 = tpu.memref_slice %arg3[%mul3A_377, %dma_start3A_390] : memref<416x128xi32, #tpu.memory_space<hbm>> -> memref<2x128xi32, #tpu.memory_space<hbm>>
            tpu.enqueue_dma source(%dma_start3A_391 : memref<2x128xi32, #tpu.memory_space<hbm>>) target(%dma_start3A_389 : memref<2x128xi32, #tpu.memory_space<vmem>>) target_semaphore(%dma_start3A_385 : memref<!tpu.dma_semaphore, #tpu.memory_space<semaphore_mem>>)
            "tpu.trace_stop"() : () -> ()
          } else {
          }
          %and3A_193 = arith.constant true
          %and3A_194 = arith.andi %and3A, %and3A_193 : i1
          %add3A_195 = arith.constant 1 : i32
          %add3A_196 = arith.addi %while3A_143, %add3A_195 : i32
          %select_n3A_197 = arith.select %and3A_194, %add3A_196, %while3A_143 : i32
          %ne3A_198 = arith.cmpi ne, %add3A_155, %add3A_173 : i32
          %or3A_199 = arith.constant false
          %or3A_200 = arith.ori %or3A_199, %ne3A_198 : i1
          %or3A_201 = arith.constant false
          %or3A_202 = arith.ori %or3A_200, %or3A_201 : i1
          %sub3A_203 = arith.constant 2 : i32
          %sub3A_204 = arith.subi %mul3A_149, %sub3A_203 : i32
          %add3A_205 = arith.constant 1 : i32
          %add3A_206 = arith.addi %sub3A_204, %add3A_205 : i32
          %ge3A_207 = arith.cmpi sge, %while3A_142, %add3A_206 : i32
          %not3A_208 = arith.constant true
          %not3A_209 = arith.xori %ge3A_207, %not3A_208 : i1
          %and3A_210 = arith.andi %or3A_202, %not3A_209 : i1
          %ne3A_211 = arith.cmpi ne, %add3A_155, %add3A_165 : i32
          %or3A_212 = arith.constant false
          %or3A_213 = arith.ori %or3A_212, %ne3A_211 : i1
          %or3A_214 = arith.constant false
          %or3A_215 = arith.ori %or3A_213, %or3A_214 : i1
          %or3A_216 = arith.ori %or3A_215, %eq3A_151 : i1
          %convert_element_type3A_217 = arith.extui %or3A_216 : i1 to i32
          %cond3A_218 = arith.constant 0 : i32
          %cond3A_219 = arith.cmpi ne, %convert_element_type3A_217, %cond3A_218 : i32
          scf.if %cond3A_219 {
            "tpu.trace_start"() <{level = 10 : i32, message = "ep_wait_in"}> : () -> ()
            %mul3A_374 = arith.constant 2 : i32
            %mul3A_375 = arith.muli %mul3A_374, %add3A_155 : i32
            %rem3A_376 = arith.constant 2 : i32
            %rem3A_377 = arith.remui %while3A_144, %rem3A_376 : i32
            %dma_wait3A_378 = arith.constant 0 : i32
            %dma_wait3A_379 = arith.constant 0 : i32
            %dma_wait3A_380 = tpu.memref_slice %run_scoped3A[%rem3A_377, %dma_wait3A_378, %dma_wait3A_379] : memref<2x2x128xi32, #tpu.memory_space<vmem>> -> memref<1x2x128xi32, #tpu.memory_space<vmem>>
            %dma_wait3A_381 = tpu.memref_squeeze %dma_wait3A_380 : memref<1x2x128xi32, #tpu.memory_space<vmem>> -> memref<2x128xi32, #tpu.memory_space<vmem>>
            %dma_wait3A_382 = arith.constant 0 : i32
            %dma_wait3A_383 = tpu.memref_slice %arg3[%mul3A_375, %dma_wait3A_382] : memref<416x128xi32, #tpu.memory_space<hbm>> -> memref<2x128xi32, #tpu.memory_space<hbm>>
            %dma_wait3A_384 = tpu.memref_slice %run_scoped3A_17[%rem3A_377] : memref<2x!tpu.dma_semaphore, #tpu.memory_space<semaphore_mem>> -> memref<1x!tpu.dma_semaphore, #tpu.memory_space<semaphore_mem>>
            %dma_wait3A_385 = tpu.memref_squeeze %dma_wait3A_384 : memref<1x!tpu.dma_semaphore, #tpu.memory_space<semaphore_mem>> -> memref<!tpu.dma_semaphore, #tpu.memory_space<semaphore_mem>>
            %dma_wait3A_386 = arith.constant 0 : i32
            %dma_wait3A_387 = arith.constant 0 : i32
            %dma_wait3A_388 = tpu.memref_slice %run_scoped3A[%rem3A_377, %dma_wait3A_386, %dma_wait3A_387] : memref<2x2x128xi32, #tpu.memory_space<vmem>> -> memref<1x2x128xi32, #tpu.memory_space<vmem>>
            %dma_wait3A_389 = tpu.memref_squeeze %dma_wait3A_388 : memref<1x2x128xi32, #tpu.memory_space<vmem>> -> memref<2x128xi32, #tpu.memory_space<vmem>>
            %dma_wait3A_390 = arith.constant 0 : i32
            %dma_wait3A_391 = tpu.memref_slice %arg3[%mul3A_375, %dma_wait3A_390] : memref<416x128xi32, #tpu.memory_space<hbm>> -> memref<2x128xi32, #tpu.memory_space<hbm>>
            tpu.wait_dma2 semaphore(%dma_wait3A_385 : memref<!tpu.dma_semaphore, #tpu.memory_space<semaphore_mem>>) src(%dma_wait3A_391 : memref<2x128xi32, #tpu.memory_space<hbm>>) dst(%dma_wait3A_389 : memref<2x128xi32, #tpu.memory_space<vmem>>)
            "tpu.trace_stop"() : () -> ()
          } else {
          }
          %ne3A_220 = arith.cmpi ne, %add3A_155, %add3A_165 : i32
          %or3A_221 = arith.constant false
          %or3A_222 = arith.ori %or3A_221, %ne3A_220 : i1
          %or3A_223 = arith.constant false
          %or3A_224 = arith.ori %or3A_222, %or3A_223 : i1
          %or3A_225 = arith.ori %or3A_224, %eq3A_151 : i1
          %convert_element_type3A_226 = arith.extui %or3A_225 : i1 to i32
          %cond3A_227 = arith.constant 0 : i32
          %cond3A_228 = arith.cmpi ne, %convert_element_type3A_226, %cond3A_227 : i32
          scf.if %cond3A_228 {
          } else {
          }
          %rem3A_229 = arith.constant 2 : i32
          %rem3A_230 = arith.remui %while3A_144, %rem3A_229 : i32
          %rem3A_231 = arith.constant 2 : i32
          %rem3A_232 = arith.remui %while3A_145, %rem3A_231 : i32
          %dma_start3A_233 = arith.constant 0 : i32
          "tpu.trace_start"() <{level = 10 : i32, message = "ep_run_kernel"}> : () -> ()
          %dma_start3A_234 = arith.constant 0 : i32
          %dma_start3A_235 = arith.constant 0 : i32
          %dma_start3A_236 = tpu.memref_slice %run_scoped3A_18[%rem3A_232, %dma_start3A_234, %dma_start3A_235] : memref<2x256x128xf32, #tpu.memory_space<vmem>> -> memref<1x256x128xf32, #tpu.memory_space<vmem>>
          %dma_start3A_237 = tpu.memref_squeeze %dma_start3A_236 : memref<1x256x128xf32, #tpu.memory_space<vmem>> -> memref<256x128xf32, #tpu.memory_space<vmem>>
          %dma_start3A_238 = arith.constant 0 : i32
          %dma_start3A_239 = arith.constant 0 : i32
          %dma_start3A_240 = tpu.memref_slice %dma_start3A_237[%dma_start3A_238, %dma_start3A_239] : memref<256x128xf32, #tpu.memory_space<vmem>> -> memref<128x128xf32, #tpu.memory_space<vmem>>
          %dma_start3A_241 = arith.constant 0 : i32
          %dma_start3A_242 = arith.constant 0 : i32
          %dma_start3A_243 = tpu.memref_slice %run_scoped3A[%rem3A_230, %dma_start3A_241, %dma_start3A_242] : memref<2x2x128xi32, #tpu.memory_space<vmem>> -> memref<1x2x128xi32, #tpu.memory_space<vmem>>
          %dma_start3A_244 = tpu.memref_squeeze %dma_start3A_243 : memref<1x2x128xi32, #tpu.memory_space<vmem>> -> memref<2x128xi32, #tpu.memory_space<vmem>>
          %dma_start3A_245 = arith.constant 0 : i32
          %dma_start3A_246 = tpu.memref_slice %dma_start3A_244[%dma_start3A_233, %dma_start3A_245] : memref<2x128xi32, #tpu.memory_space<vmem>> -> memref<1x128xi32, #tpu.memory_space<vmem>>
          %dma_start3A_247 = tpu.memref_squeeze %dma_start3A_246 : memref<1x128xi32, #tpu.memory_space<vmem>> -> memref<128xi32, #tpu.memory_space<vmem>>
          %dma_start3A_248 = arith.constant 0 : i32
          %dma_start3A_249 = arith.constant 0 : i32
          %dma_start3A_250 = tpu.memref_slice %arg2[%dma_start3A_248, %dma_start3A_249] : memref<100000x128xf32, #tpu.memory_space<hbm>> -> memref<100000x128xf32, #tpu.memory_space<hbm>>
          tpu.enqueue_indirect_dma source(%dma_start3A_250 : memref<100000x128xf32, #tpu.memory_space<hbm>>) target(%dma_start3A_240 : memref<128x128xf32, #tpu.memory_space<vmem>>) offsets(%dma_start3A_247 : memref<128xi32, #tpu.memory_space<vmem>>) semaphore(%arg5 : memref<!tpu.dma_semaphore, #tpu.memory_space<semaphore_mem>>)
          %dma_start3A_251 = arith.constant 1 : i32
          %dma_start3A_252 = arith.constant 0 : i32
          %dma_start3A_253 = arith.constant 0 : i32
          %dma_start3A_254 = tpu.memref_slice %run_scoped3A_18[%rem3A_232, %dma_start3A_252, %dma_start3A_253] : memref<2x256x128xf32, #tpu.memory_space<vmem>> -> memref<1x256x128xf32, #tpu.memory_space<vmem>>
          %dma_start3A_255 = tpu.memref_squeeze %dma_start3A_254 : memref<1x256x128xf32, #tpu.memory_space<vmem>> -> memref<256x128xf32, #tpu.memory_space<vmem>>
          %dma_start3A_256 = arith.constant 128 : i32
          %dma_start3A_257 = arith.constant 0 : i32
          %dma_start3A_258 = tpu.memref_slice %dma_start3A_255[%dma_start3A_256, %dma_start3A_257] : memref<256x128xf32, #tpu.memory_space<vmem>> -> memref<128x128xf32, #tpu.memory_space<vmem>>
          %dma_start3A_259 = arith.constant 0 : i32
          %dma_start3A_260 = arith.constant 0 : i32
          %dma_start3A_261 = tpu.memref_slice %run_scoped3A[%rem3A_230, %dma_start3A_259, %dma_start3A_260] : memref<2x2x128xi32, #tpu.memory_space<vmem>> -> memref<1x2x128xi32, #tpu.memory_space<vmem>>
          %dma_start3A_262 = tpu.memref_squeeze %dma_start3A_261 : memref<1x2x128xi32, #tpu.memory_space<vmem>> -> memref<2x128xi32, #tpu.memory_space<vmem>>
          %dma_start3A_263 = arith.constant 0 : i32
          %dma_start3A_264 = tpu.memref_slice %dma_start3A_262[%dma_start3A_251, %dma_start3A_263] : memref<2x128xi32, #tpu.memory_space<vmem>> -> memref<1x128xi32, #tpu.memory_space<vmem>>
          %dma_start3A_265 = tpu.memref_squeeze %dma_start3A_264 : memref<1x128xi32, #tpu.memory_space<vmem>> -> memref<128xi32, #tpu.memory_space<vmem>>
          %dma_start3A_266 = arith.constant 0 : i32
          %dma_start3A_267 = arith.constant 0 : i32
          %dma_start3A_268 = tpu.memref_slice %arg2[%dma_start3A_266, %dma_start3A_267] : memref<100000x128xf32, #tpu.memory_space<hbm>> -> memref<100000x128xf32, #tpu.memory_space<hbm>>
          tpu.enqueue_indirect_dma source(%dma_start3A_268 : memref<100000x128xf32, #tpu.memory_space<hbm>>) target(%dma_start3A_258 : memref<128x128xf32, #tpu.memory_space<vmem>>) offsets(%dma_start3A_265 : memref<128xi32, #tpu.memory_space<vmem>>) semaphore(%arg6 : memref<!tpu.dma_semaphore, #tpu.memory_space<semaphore_mem>>)
          %dma_wait3A = arith.constant 0 : i32
          %dma_wait3A_269 = arith.constant 0 : i32
          %dma_wait3A_270 = arith.constant 0 : i32
          %dma_wait3A_271 = tpu.memref_slice %run_scoped3A_18[%rem3A_232, %dma_wait3A_269, %dma_wait3A_270] : memref<2x256x128xf32, #tpu.memory_space<vmem>> -> memref<1x256x128xf32, #tpu.memory_space<vmem>>
          %dma_wait3A_272 = tpu.memref_squeeze %dma_wait3A_271 : memref<1x256x128xf32, #tpu.memory_space<vmem>> -> memref<256x128xf32, #tpu.memory_space<vmem>>
          %dma_wait3A_273 = arith.constant 0 : i32
          %dma_wait3A_274 = arith.constant 0 : i32
          %dma_wait3A_275 = tpu.memref_slice %dma_wait3A_272[%dma_wait3A_273, %dma_wait3A_274] : memref<256x128xf32, #tpu.memory_space<vmem>> -> memref<128x128xf32, #tpu.memory_space<vmem>>
          %dma_wait3A_276 = arith.constant 0 : i32
          %dma_wait3A_277 = arith.constant 0 : i32
          %dma_wait3A_278 = tpu.memref_slice %run_scoped3A[%rem3A_230, %dma_wait3A_276, %dma_wait3A_277] : memref<2x2x128xi32, #tpu.memory_space<vmem>> -> memref<1x2x128xi32, #tpu.memory_space<vmem>>
          %dma_wait3A_279 = tpu.memref_squeeze %dma_wait3A_278 : memref<1x2x128xi32, #tpu.memory_space<vmem>> -> memref<2x128xi32, #tpu.memory_space<vmem>>
          %dma_wait3A_280 = arith.constant 0 : i32
          %dma_wait3A_281 = tpu.memref_slice %dma_wait3A_279[%dma_wait3A, %dma_wait3A_280] : memref<2x128xi32, #tpu.memory_space<vmem>> -> memref<1x128xi32, #tpu.memory_space<vmem>>
          %dma_wait3A_282 = tpu.memref_squeeze %dma_wait3A_281 : memref<1x128xi32, #tpu.memory_space<vmem>> -> memref<128xi32, #tpu.memory_space<vmem>>
          %dma_wait3A_283 = arith.constant 0 : i32
          %dma_wait3A_284 = arith.constant 0 : i32
          %dma_wait3A_285 = tpu.memref_slice %arg2[%dma_wait3A_283, %dma_wait3A_284] : memref<100000x128xf32, #tpu.memory_space<hbm>> -> memref<100000x128xf32, #tpu.memory_space<hbm>>
          tpu.wait_indirect_dma semaphore(%arg5 : memref<!tpu.dma_semaphore, #tpu.memory_space<semaphore_mem>>) src(%dma_wait3A_285 : memref<100000x128xf32, #tpu.memory_space<hbm>>) dst(%dma_wait3A_275 : memref<128x128xf32, #tpu.memory_space<vmem>>)
          %dma_wait3A_286 = arith.constant 1 : i32
          %dma_wait3A_287 = arith.constant 0 : i32
          %dma_wait3A_288 = arith.constant 0 : i32
          %dma_wait3A_289 = tpu.memref_slice %run_scoped3A_18[%rem3A_232, %dma_wait3A_287, %dma_wait3A_288] : memref<2x256x128xf32, #tpu.memory_space<vmem>> -> memref<1x256x128xf32, #tpu.memory_space<vmem>>
          %dma_wait3A_290 = tpu.memref_squeeze %dma_wait3A_289 : memref<1x256x128xf32, #tpu.memory_space<vmem>> -> memref<256x128xf32, #tpu.memory_space<vmem>>
          %dma_wait3A_291 = arith.constant 128 : i32
          %dma_wait3A_292 = arith.constant 0 : i32
          %dma_wait3A_293 = tpu.memref_slice %dma_wait3A_290[%dma_wait3A_291, %dma_wait3A_292] : memref<256x128xf32, #tpu.memory_space<vmem>> -> memref<128x128xf32, #tpu.memory_space<vmem>>
          %dma_wait3A_294 = arith.constant 0 : i32
          %dma_wait3A_295 = arith.constant 0 : i32
          %dma_wait3A_296 = tpu.memref_slice %run_scoped3A[%rem3A_230, %dma_wait3A_294, %dma_wait3A_295] : memref<2x2x128xi32, #tpu.memory_space<vmem>> -> memref<1x2x128xi32, #tpu.memory_space<vmem>>
          %dma_wait3A_297 = tpu.memref_squeeze %dma_wait3A_296 : memref<1x2x128xi32, #tpu.memory_space<vmem>> -> memref<2x128xi32, #tpu.memory_space<vmem>>
          %dma_wait3A_298 = arith.constant 0 : i32
          %dma_wait3A_299 = tpu.memref_slice %dma_wait3A_297[%dma_wait3A_286, %dma_wait3A_298] : memref<2x128xi32, #tpu.memory_space<vmem>> -> memref<1x128xi32, #tpu.memory_space<vmem>>
          %dma_wait3A_300 = tpu.memref_squeeze %dma_wait3A_299 : memref<1x128xi32, #tpu.memory_space<vmem>> -> memref<128xi32, #tpu.memory_space<vmem>>
          %dma_wait3A_301 = arith.constant 0 : i32
          %dma_wait3A_302 = arith.constant 0 : i32
          %dma_wait3A_303 = tpu.memref_slice %arg2[%dma_wait3A_301, %dma_wait3A_302] : memref<100000x128xf32, #tpu.memory_space<hbm>> -> memref<100000x128xf32, #tpu.memory_space<hbm>>
          tpu.wait_indirect_dma semaphore(%arg6 : memref<!tpu.dma_semaphore, #tpu.memory_space<semaphore_mem>>) src(%dma_wait3A_303 : memref<100000x128xf32, #tpu.memory_space<hbm>>) dst(%dma_wait3A_293 : memref<128x128xf32, #tpu.memory_space<vmem>>)
          "tpu.trace_stop"() : () -> ()
          %ne3A_304 = arith.cmpi ne, %add3A_155, %add3A_173 : i32
          %or3A_305 = arith.constant false
          %or3A_306 = arith.ori %or3A_305, %ne3A_304 : i1
          %or3A_307 = arith.constant false
          %or3A_308 = arith.ori %or3A_306, %or3A_307 : i1
          %or3A_309 = arith.ori %or3A_308, %eq3A_154 : i1
          %convert_element_type3A_310 = arith.extui %or3A_309 : i1 to i32
          %cond3A_311 = arith.constant 0 : i32
          %cond3A_312 = arith.cmpi ne, %convert_element_type3A_310, %cond3A_311 : i32
          scf.if %cond3A_312 {
          } else {
          }
          %and3A_313 = arith.constant false
          %and3A_314 = arith.andi %or3A_309, %and3A_313 : i1
          %ne3A_315 = arith.cmpi ne, %add3A_155, %add3A_173 : i32
          %or3A_316 = arith.constant false
          %or3A_317 = arith.ori %or3A_316, %ne3A_315 : i1
          %or3A_318 = arith.constant false
          %or3A_319 = arith.ori %or3A_317, %or3A_318 : i1
          %or3A_320 = arith.ori %or3A_319, %eq3A_154 : i1
          %convert_element_type3A_321 = arith.extui %or3A_320 : i1 to i32
          %cond3A_322 = arith.constant 0 : i32
          %cond3A_323 = arith.cmpi ne, %convert_element_type3A_321, %cond3A_322 : i32
          scf.if %cond3A_323 {
            "tpu.trace_start"() <{level = 10 : i32, message = "ep_copy_out"}> : () -> ()
            %rem3A_374 = arith.constant 2 : i32
            %rem3A_375 = arith.remui %while3A_145, %rem3A_374 : i32
            %mul3A_376 = arith.constant 256 : i32
            %mul3A_377 = arith.muli %mul3A_376, %add3A_155 : i32
            %dma_start3A_378 = arith.constant 0 : i32
            %dma_start3A_379 = arith.constant 0 : i32
            %dma_start3A_380 = tpu.memref_slice %run_scoped3A_18[%rem3A_375, %dma_start3A_378, %dma_start3A_379] : memref<2x256x128xf32, #tpu.memory_space<vmem>> -> memref<1x256x128xf32, #tpu.memory_space<vmem>>
            %dma_start3A_381 = tpu.memref_squeeze %dma_start3A_380 : memref<1x256x128xf32, #tpu.memory_space<vmem>> -> memref<256x128xf32, #tpu.memory_space<vmem>>
            %dma_start3A_382 = arith.constant 0 : i32
            %dma_start3A_383 = tpu.memref_slice %arg4[%mul3A_377, %dma_start3A_382] : memref<53248x128xf32, #tpu.memory_space<hbm>> -> memref<256x128xf32, #tpu.memory_space<hbm>>
            %dma_start3A_384 = tpu.memref_slice %run_scoped3A_19[%rem3A_375] : memref<2x!tpu.dma_semaphore, #tpu.memory_space<semaphore_mem>> -> memref<1x!tpu.dma_semaphore, #tpu.memory_space<semaphore_mem>>
            %dma_start3A_385 = tpu.memref_squeeze %dma_start3A_384 : memref<1x!tpu.dma_semaphore, #tpu.memory_space<semaphore_mem>> -> memref<!tpu.dma_semaphore, #tpu.memory_space<semaphore_mem>>
            %dma_start3A_386 = arith.constant 0 : i32
            %dma_start3A_387 = tpu.memref_slice %arg4[%mul3A_377, %dma_start3A_386] : memref<53248x128xf32, #tpu.memory_space<hbm>> -> memref<256x128xf32, #tpu.memory_space<hbm>>
            %dma_start3A_388 = arith.constant 0 : i32
            %dma_start3A_389 = arith.constant 0 : i32
            %dma_start3A_390 = tpu.memref_slice %run_scoped3A_18[%rem3A_375, %dma_start3A_388, %dma_start3A_389] : memref<2x256x128xf32, #tpu.memory_space<vmem>> -> memref<1x256x128xf32, #tpu.memory_space<vmem>>
            %dma_start3A_391 = tpu.memref_squeeze %dma_start3A_390 : memref<1x256x128xf32, #tpu.memory_space<vmem>> -> memref<256x128xf32, #tpu.memory_space<vmem>>
            tpu.enqueue_dma source(%dma_start3A_391 : memref<256x128xf32, #tpu.memory_space<vmem>>) target(%dma_start3A_387 : memref<256x128xf32, #tpu.memory_space<hbm>>) target_semaphore(%dma_start3A_385 : memref<!tpu.dma_semaphore, #tpu.memory_space<semaphore_mem>>)
            "tpu.trace_stop"() : () -> ()
          } else {
          }
          %and3A_324 = arith.constant true
          %and3A_325 = arith.andi %or3A_320, %and3A_324 : i1
          %add3A_326 = arith.constant 1 : i32
          %add3A_327 = arith.addi %while3A_145, %add3A_326 : i32
          %select_n3A_328 = arith.select %and3A_325, %add3A_327, %while3A_145 : i32
          %ne3A_329 = arith.cmpi ne, %add3A_155, %add3A_165 : i32
          %or3A_330 = arith.constant false
          %or3A_331 = arith.ori %or3A_330, %ne3A_329 : i1
          %or3A_332 = arith.constant false
          %or3A_333 = arith.ori %or3A_331, %or3A_332 : i1
          %not3A_334 = arith.constant true
          %not3A_335 = arith.xori %eq3A_151, %not3A_334 : i1
          %and3A_336 = arith.andi %or3A_333, %not3A_335 : i1
          %convert_element_type3A_337 = arith.extui %and3A_336 : i1 to i32
          %cond3A_338 = arith.constant 0 : i32
          %cond3A_339 = arith.cmpi ne, %convert_element_type3A_337, %cond3A_338 : i32
          scf.if %cond3A_339 {
          } else {
          }
          %and3A_340 = arith.constant false
          %and3A_341 = arith.andi %and3A_336, %and3A_340 : i1
          %ne3A_342 = arith.cmpi ne, %add3A_155, %add3A_165 : i32
          %or3A_343 = arith.constant false
          %or3A_344 = arith.ori %or3A_343, %ne3A_342 : i1
          %or3A_345 = arith.constant false
          %or3A_346 = arith.ori %or3A_344, %or3A_345 : i1
          %not3A_347 = arith.constant true
          %not3A_348 = arith.xori %eq3A_151, %not3A_347 : i1
          %and3A_349 = arith.andi %or3A_346, %not3A_348 : i1
          %convert_element_type3A_350 = arith.extui %and3A_349 : i1 to i32
          %cond3A_351 = arith.constant 0 : i32
          %cond3A_352 = arith.cmpi ne, %convert_element_type3A_350, %cond3A_351 : i32
          scf.if %cond3A_352 {
            "tpu.trace_start"() <{level = 10 : i32, message = "ep_wait_out"}> : () -> ()
            %rem3A_374 = arith.constant 2 : i32
            %rem3A_375 = arith.remui %while3A_146, %rem3A_374 : i32
            %mul3A_376 = arith.constant 256 : i32
            %mul3A_377 = arith.muli %mul3A_376, %add3A_165 : i32
            %dma_wait3A_378 = arith.constant 0 : i32
            %dma_wait3A_379 = arith.constant 0 : i32
            %dma_wait3A_380 = tpu.memref_slice %run_scoped3A_18[%rem3A_375, %dma_wait3A_378, %dma_wait3A_379] : memref<2x256x128xf32, #tpu.memory_space<vmem>> -> memref<1x256x128xf32, #tpu.memory_space<vmem>>
            %dma_wait3A_381 = tpu.memref_squeeze %dma_wait3A_380 : memref<1x256x128xf32, #tpu.memory_space<vmem>> -> memref<256x128xf32, #tpu.memory_space<vmem>>
            %dma_wait3A_382 = arith.constant 0 : i32
            %dma_wait3A_383 = tpu.memref_slice %arg4[%mul3A_377, %dma_wait3A_382] : memref<53248x128xf32, #tpu.memory_space<hbm>> -> memref<256x128xf32, #tpu.memory_space<hbm>>
            %dma_wait3A_384 = tpu.memref_slice %run_scoped3A_19[%rem3A_375] : memref<2x!tpu.dma_semaphore, #tpu.memory_space<semaphore_mem>> -> memref<1x!tpu.dma_semaphore, #tpu.memory_space<semaphore_mem>>
            %dma_wait3A_385 = tpu.memref_squeeze %dma_wait3A_384 : memref<1x!tpu.dma_semaphore, #tpu.memory_space<semaphore_mem>> -> memref<!tpu.dma_semaphore, #tpu.memory_space<semaphore_mem>>
            %dma_wait3A_386 = arith.constant 0 : i32
            %dma_wait3A_387 = tpu.memref_slice %arg4[%mul3A_377, %dma_wait3A_386] : memref<53248x128xf32, #tpu.memory_space<hbm>> -> memref<256x128xf32, #tpu.memory_space<hbm>>
            %dma_wait3A_388 = arith.constant 0 : i32
            %dma_wait3A_389 = arith.constant 0 : i32
            %dma_wait3A_390 = tpu.memref_slice %run_scoped3A_18[%rem3A_375, %dma_wait3A_388, %dma_wait3A_389] : memref<2x256x128xf32, #tpu.memory_space<vmem>> -> memref<1x256x128xf32, #tpu.memory_space<vmem>>
            %dma_wait3A_391 = tpu.memref_squeeze %dma_wait3A_390 : memref<1x256x128xf32, #tpu.memory_space<vmem>> -> memref<256x128xf32, #tpu.memory_space<vmem>>
            tpu.wait_dma2 semaphore(%dma_wait3A_385 : memref<!tpu.dma_semaphore, #tpu.memory_space<semaphore_mem>>) src(%dma_wait3A_391 : memref<256x128xf32, #tpu.memory_space<vmem>>) dst(%dma_wait3A_387 : memref<256x128xf32, #tpu.memory_space<hbm>>)
            "tpu.trace_stop"() : () -> ()
          } else {
          }
          %and3A_353 = arith.constant true
          %and3A_354 = arith.andi %and3A_349, %and3A_353 : i1
          %add3A_355 = arith.constant 1 : i32
          %add3A_356 = arith.addi %while3A_146, %add3A_355 : i32
          %select_n3A_357 = arith.select %and3A_354, %add3A_356, %while3A_146 : i32
          %ne3A_358 = arith.cmpi ne, %add3A_155, %add3A_173 : i32
          %or3A_359 = arith.constant false
          %or3A_360 = arith.ori %or3A_359, %ne3A_358 : i1
          %or3A_361 = arith.constant false
          %or3A_362 = arith.ori %or3A_360, %or3A_361 : i1
          %or3A_363 = arith.ori %or3A_362, %eq3A_154 : i1
          %add3A_364 = arith.constant 1 : i32
          %add3A_365 = arith.addi %while3A_144, %add3A_364 : i32
          %select_n3A_366 = arith.select %or3A_363, %add3A_365, %while3A_144 : i32
          %add3A_367 = arith.constant 1 : i32
          %add3A_368 = arith.addi %while3A_147, %add3A_367 : i32
          %select_n3A_369 = arith.constant true
          %select_n3A_370 = arith.select %select_n3A_369, %add3A_368, %while3A_147 : i32
          %eq3A_371 = arith.cmpi eq, %select_n3A_370, %select_n3A : i32
          %select_n3A_372 = arith.constant 0 : i32
          %select_n3A_373 = arith.select %eq3A_371, %select_n3A_372, %select_n3A_370 : i32
          scf.yield %select_n3A_197, %select_n3A_366, %select_n3A_328, %select_n3A_357, %select_n3A_373 : i32, i32, i32, i32, i32
        }
        %sub3A_91 = arith.constant 1 : i32
        %sub3A_92 = arith.subi %while3A_90#4, %sub3A_91 : i32
        %select_n3A_93 = arith.constant true
        %select_n3A_94 = arith.select %select_n3A_93, %sub3A_92, %while3A_90#4 : i32
        %eq3A_95 = arith.constant -1 : i32
        %eq3A_96 = arith.cmpi eq, %select_n3A_94, %eq3A_95 : i32
        %sub3A_97 = arith.constant 1 : i32
        %sub3A_98 = arith.subi %select_n3A, %sub3A_97 : i32
        %select_n3A_99 = arith.select %eq3A_96, %sub3A_98, %select_n3A_94 : i32
        %sub3A_100 = arith.constant 1 : i32
        %sub3A_101 = arith.subi %mul3A_16, %sub3A_100 : i32
        %mul3A_102 = arith.constant 1 : i32
        %mul3A_103 = arith.muli %mul3A_102, %select_n3A : i32
        %eq3A_104 = arith.constant 0 : i32
        %eq3A_105 = arith.cmpi eq, %sub3A_101, %eq3A_104 : i32
        %sub3A_106 = arith.constant 1 : i32
        %sub3A_107 = arith.subi %mul3A_103, %sub3A_106 : i32
        %eq3A_108 = arith.cmpi eq, %sub3A_101, %sub3A_107 : i32
        %add3A_109 = arith.addi %select_n3A_99, %select_n3A_14 : i32
        %sub3A_110 = arith.constant 1 : i32
        %sub3A_111 = arith.subi %select_n3A_99, %sub3A_110 : i32
        %select_n3A_112 = arith.constant true
        %select_n3A_113 = arith.select %select_n3A_112, %sub3A_111, %select_n3A_99 : i32
        %eq3A_114 = arith.constant -1 : i32
        %eq3A_115 = arith.cmpi eq, %select_n3A_113, %eq3A_114 : i32
        %sub3A_116 = arith.constant 1 : i32
        %sub3A_117 = arith.subi %select_n3A, %sub3A_116 : i32
        %select_n3A_118 = arith.select %eq3A_115, %sub3A_117, %select_n3A_113 : i32
        %add3A_119 = arith.addi %select_n3A_118, %select_n3A_14 : i32
        %add3A_120 = arith.constant 1 : i32
        %add3A_121 = arith.addi %select_n3A_99, %add3A_120 : i32
        %select_n3A_122 = arith.constant true
        %select_n3A_123 = arith.select %select_n3A_122, %add3A_121, %select_n3A_99 : i32
        %eq3A_124 = arith.cmpi eq, %select_n3A_123, %select_n3A : i32
        %select_n3A_125 = arith.constant 0 : i32
        %select_n3A_126 = arith.select %eq3A_124, %select_n3A_125, %select_n3A_123 : i32
        %add3A_127 = arith.addi %select_n3A_126, %select_n3A_14 : i32
        %add3A_128 = arith.constant 1 : i32
        %add3A_129 = arith.addi %select_n3A_126, %add3A_128 : i32
        %select_n3A_130 = arith.constant true
        %select_n3A_131 = arith.select %select_n3A_130, %add3A_129, %select_n3A_126 : i32
        %eq3A_132 = arith.cmpi eq, %select_n3A_131, %select_n3A : i32
        %select_n3A_133 = arith.constant 0 : i32
        %select_n3A_134 = arith.select %eq3A_132, %select_n3A_133, %select_n3A_131 : i32
        %add3A_135 = arith.addi %select_n3A_134, %select_n3A_14 : i32
        %convert_element_type3A_136 = arith.extui %eq3A_108 : i1 to i32
        %cond3A_137 = arith.constant 0 : i32
        %cond3A_138 = arith.cmpi ne, %convert_element_type3A_136, %cond3A_137 : i32
        scf.if %cond3A_138 {
        } else {
        }
        %convert_element_type3A_139 = arith.extui %eq3A_108 : i1 to i32
        %cond3A_140 = arith.constant 0 : i32
        %cond3A_141 = arith.cmpi ne, %convert_element_type3A_139, %cond3A_140 : i32
        scf.if %cond3A_141 {
          "tpu.trace_start"() <{level = 10 : i32, message = "ep_finalize"}> : () -> ()
          %rem3A_142 = arith.constant 2 : i32
          %rem3A_143 = arith.remui %while3A_90#3, %rem3A_142 : i32
          %mul3A_144 = arith.constant 256 : i32
          %mul3A_145 = arith.muli %mul3A_144, %add3A_109 : i32
          %dma_wait3A = arith.constant 0 : i32
          %dma_wait3A_146 = arith.constant 0 : i32
          %dma_wait3A_147 = tpu.memref_slice %run_scoped3A_18[%rem3A_143, %dma_wait3A, %dma_wait3A_146] : memref<2x256x128xf32, #tpu.memory_space<vmem>> -> memref<1x256x128xf32, #tpu.memory_space<vmem>>
          %dma_wait3A_148 = tpu.memref_squeeze %dma_wait3A_147 : memref<1x256x128xf32, #tpu.memory_space<vmem>> -> memref<256x128xf32, #tpu.memory_space<vmem>>
          %dma_wait3A_149 = arith.constant 0 : i32
          %dma_wait3A_150 = tpu.memref_slice %arg4[%mul3A_145, %dma_wait3A_149] : memref<53248x128xf32, #tpu.memory_space<hbm>> -> memref<256x128xf32, #tpu.memory_space<hbm>>
          %dma_wait3A_151 = tpu.memref_slice %run_scoped3A_19[%rem3A_143] : memref<2x!tpu.dma_semaphore, #tpu.memory_space<semaphore_mem>> -> memref<1x!tpu.dma_semaphore, #tpu.memory_space<semaphore_mem>>
          %dma_wait3A_152 = tpu.memref_squeeze %dma_wait3A_151 : memref<1x!tpu.dma_semaphore, #tpu.memory_space<semaphore_mem>> -> memref<!tpu.dma_semaphore, #tpu.memory_space<semaphore_mem>>
          %dma_wait3A_153 = arith.constant 0 : i32
          %dma_wait3A_154 = tpu.memref_slice %arg4[%mul3A_145, %dma_wait3A_153] : memref<53248x128xf32, #tpu.memory_space<hbm>> -> memref<256x128xf32, #tpu.memory_space<hbm>>
          %dma_wait3A_155 = arith.constant 0 : i32
          %dma_wait3A_156 = arith.constant 0 : i32
          %dma_wait3A_157 = tpu.memref_slice %run_scoped3A_18[%rem3A_143, %dma_wait3A_155, %dma_wait3A_156] : memref<2x256x128xf32, #tpu.memory_space<vmem>> -> memref<1x256x128xf32, #tpu.memory_space<vmem>>
          %dma_wait3A_158 = tpu.memref_squeeze %dma_wait3A_157 : memref<1x256x128xf32, #tpu.memory_space<vmem>> -> memref<256x128xf32, #tpu.memory_space<vmem>>
          tpu.wait_dma2 semaphore(%dma_wait3A_152 : memref<!tpu.dma_semaphore, #tpu.memory_space<semaphore_mem>>) src(%dma_wait3A_158 : memref<256x128xf32, #tpu.memory_space<vmem>>) dst(%dma_wait3A_154 : memref<256x128xf32, #tpu.memory_space<hbm>>)
          "tpu.trace_stop"() : () -> ()
        } else {
        }
      } else {
      }
      tpu.yield
    }) : () -> ()
    return
  }
}

module attributes {stable_mosaic.version = 14 : i64} {
  func.func @_dense_body(%arg0: i32, %arg1: memref<13x512x128xf32, #tpu.memory_space<vmem>>, %arg2: memref<13x512x128xf32, #tpu.memory_space<vmem>>, %arg3: memref<512x256xf32, #tpu.memory_space<vmem>>, %arg4: memref<128x2048xf32, #tpu.memory_space<vmem>>, %arg5: memref<1x2048xf32, #tpu.memory_space<vmem>>, %arg6: memref<2048x256xf32, #tpu.memory_space<vmem>>, %arg7: memref<1x256xf32, #tpu.memory_space<vmem>>, %arg8: memref<2048x256xf32, #tpu.memory_space<vmem>>, %arg9: memref<1x256xf32, #tpu.memory_space<vmem>>, %arg10: memref<512x256xf32, #tpu.memory_space<vmem>>) attributes {dimension_semantics = [#tpu.dimension_semantics<arbitrary>], iteration_bounds = array<i64: 4>, scalar_prefetch = 0 : i64, scratch_operands = 0 : i64, tpu.core_type = #tpu.core_type<tc>, window_params = [{transform_indices = @transform_0, window_bounds = array<i64: 13, 512, 128>}, {transform_indices = @transform_1, window_bounds = array<i64: 13, 512, 128>}, {transform_indices = @transform_2, window_bounds = array<i64: 512, 256>}, {pipeline_mode = #tpu.pipeline_mode<synchronous>, transform_indices = @transform_3, window_bounds = array<i64: 128, 2048>}, {pipeline_mode = #tpu.pipeline_mode<synchronous>, transform_indices = @transform_4, window_bounds = array<i64: 1, 2048>}, {pipeline_mode = #tpu.pipeline_mode<synchronous>, transform_indices = @transform_5, window_bounds = array<i64: 2048, 256>}, {pipeline_mode = #tpu.pipeline_mode<synchronous>, transform_indices = @transform_6, window_bounds = array<i64: 1, 256>}, {pipeline_mode = #tpu.pipeline_mode<synchronous>, transform_indices = @transform_7, window_bounds = array<i64: 2048, 256>}, {pipeline_mode = #tpu.pipeline_mode<synchronous>, transform_indices = @transform_8, window_bounds = array<i64: 1, 256>}, {transform_indices = @transform_9, window_bounds = array<i64: 512, 256>}]} {
    %get3A = arith.constant 0 : index
    %get3A_0 = arith.constant 0 : index
    %get3A_1 = arith.constant 0 : index
    %get3A_2 = vector.load %arg1[%get3A, %get3A_0, %get3A_1] : memref<13x512x128xf32, #tpu.memory_space<vmem>>, vector<13x512x128xf32>
    %get3A_3 = arith.constant 0 : index
    %get3A_4 = arith.constant 0 : index
    %get3A_5 = arith.constant 0 : index
    %get3A_6 = vector.load %arg2[%get3A_3, %get3A_4, %get3A_5] : memref<13x512x128xf32, #tpu.memory_space<vmem>>, vector<13x512x128xf32>
    %reduce_sum3A = arith.constant dense<0.000000e+00> : vector<512x128xf32>
    %reduce_sum3A_7 = vector.multi_reduction <add>, %get3A_2, %reduce_sum3A [0] : vector<13x512x128xf32> to vector<512x128xf32>
    %reduce_sum3A_8 = arith.constant dense<0.000000e+00> : vector<512x128xf32>
    %reduce_sum3A_9 = vector.multi_reduction <add>, %get3A_6, %reduce_sum3A_8 [0] : vector<13x512x128xf32> to vector<512x128xf32>
    %add3A = arith.addf %reduce_sum3A_7, %reduce_sum3A_9 : vector<512x128xf32>
    %mul3A = arith.mulf %get3A_2, %get3A_2 : vector<13x512x128xf32>
    %reduce_sum3A_10 = arith.constant dense<0.000000e+00> : vector<512x128xf32>
    %reduce_sum3A_11 = vector.multi_reduction <add>, %mul3A, %reduce_sum3A_10 [0] : vector<13x512x128xf32> to vector<512x128xf32>
    %mul3A_12 = arith.mulf %get3A_6, %get3A_6 : vector<13x512x128xf32>
    %reduce_sum3A_13 = arith.constant dense<0.000000e+00> : vector<512x128xf32>
    %reduce_sum3A_14 = vector.multi_reduction <add>, %mul3A_12, %reduce_sum3A_13 [0] : vector<13x512x128xf32> to vector<512x128xf32>
    %add3A_15 = arith.addf %reduce_sum3A_11, %reduce_sum3A_14 : vector<512x128xf32>
    %mul3A_16 = arith.mulf %add3A, %add3A : vector<512x128xf32>
    %sub3A = arith.subf %mul3A_16, %add3A_15 : vector<512x128xf32>
    %mul3A_17 = arith.constant 5.000000e-01 : f32
    %mul3A_18 = vector.broadcast %mul3A_17 : f32 to vector<512x128xf32>
    %mul3A_19 = arith.mulf %mul3A_18, %sub3A : vector<512x128xf32>
    %get3A_20 = arith.constant 0 : index
    %get3A_21 = arith.constant 0 : index
    %get3A_22 = vector.load %arg4[%get3A_20, %get3A_21] : memref<128x2048xf32, #tpu.memory_space<vmem>>, vector<128x2048xf32>
    %dot_general3A = arith.constant dense<0.000000e+00> : vector<512x2048xf32>
    %dot_general3A_23 = tpu.matmul %mul3A_19, %get3A_22, %dot_general3A {dimension_numbers = #tpu.dot_dimension_numbers<[1], [0], [0], [1], [0, 0, 1, 1], [], []>, transpose_lhs_hint = false} : vector<512x128xf32>, vector<128x2048xf32>, vector<512x2048xf32> -> vector<512x2048xf32>
    %get3A_24 = arith.constant 0 : index
    %get3A_25 = arith.constant 0 : index
    %get3A_26 = vector.load %arg5[%get3A_24, %get3A_25] : memref<1x2048xf32, #tpu.memory_space<vmem>>, vector<1x2048xf32>
    %add3A_27 = vector.broadcast %get3A_26 : vector<1x2048xf32> to vector<512x2048xf32>
    %add3A_28 = arith.addf %dot_general3A_23, %add3A_27 : vector<512x2048xf32>
    %logistic3A = arith.negf %add3A_28 : vector<512x2048xf32>
    %logistic3A_29 = math.exp %logistic3A : vector<512x2048xf32>
    %logistic3A_30 = arith.constant 1.000000e+00 : f32
    %logistic3A_31 = vector.broadcast %logistic3A_30 : f32 to vector<512x2048xf32>
    %logistic3A_32 = arith.addf %logistic3A_31, %logistic3A_29 : vector<512x2048xf32>
    %logistic3A_33 = arith.divf %logistic3A_31, %logistic3A_32 : vector<512x2048xf32>
    %get3A_34 = arith.constant 0 : index
    %get3A_35 = arith.constant 0 : index
    %get3A_36 = vector.load %arg6[%get3A_34, %get3A_35] : memref<2048x256xf32, #tpu.memory_space<vmem>>, vector<2048x256xf32>
    %dot_general3A_37 = arith.constant dense<0.000000e+00> : vector<512x256xf32>
    %dot_general3A_38 = tpu.matmul %logistic3A_33, %get3A_36, %dot_general3A_37 {dimension_numbers = #tpu.dot_dimension_numbers<[1], [0], [0], [1], [0, 0, 1, 1], [], []>, transpose_lhs_hint = false} : vector<512x2048xf32>, vector<2048x256xf32>, vector<512x256xf32> -> vector<512x256xf32>
    %get3A_39 = arith.constant 0 : index
    %get3A_40 = arith.constant 0 : index
    %get3A_41 = vector.load %arg7[%get3A_39, %get3A_40] : memref<1x256xf32, #tpu.memory_space<vmem>>, vector<1x256xf32>
    %add3A_42 = vector.broadcast %get3A_41 : vector<1x256xf32> to vector<512x256xf32>
    %add3A_43 = arith.addf %dot_general3A_38, %add3A_42 : vector<512x256xf32>
    %get3A_44 = arith.constant 0 : index
    %get3A_45 = arith.constant 0 : index
    %get3A_46 = vector.load %arg8[%get3A_44, %get3A_45] : memref<2048x256xf32, #tpu.memory_space<vmem>>, vector<2048x256xf32>
    %dot_general3A_47 = arith.constant dense<0.000000e+00> : vector<512x256xf32>
    %dot_general3A_48 = tpu.matmul %logistic3A_33, %get3A_46, %dot_general3A_47 {dimension_numbers = #tpu.dot_dimension_numbers<[1], [0], [0], [1], [0, 0, 1, 1], [], []>, transpose_lhs_hint = false} : vector<512x2048xf32>, vector<2048x256xf32>, vector<512x256xf32> -> vector<512x256xf32>
    %get3A_49 = arith.constant 0 : index
    %get3A_50 = arith.constant 0 : index
    %get3A_51 = vector.load %arg9[%get3A_49, %get3A_50] : memref<1x256xf32, #tpu.memory_space<vmem>>, vector<1x256xf32>
    %add3A_52 = vector.broadcast %get3A_51 : vector<1x256xf32> to vector<512x256xf32>
    %add3A_53 = arith.addf %dot_general3A_48, %add3A_52 : vector<512x256xf32>
    %mul3A_54 = arith.constant 5.000000e-01 : f32
    %mul3A_55 = vector.broadcast %mul3A_54 : f32 to vector<512x256xf32>
    %mul3A_56 = arith.mulf %mul3A_55, %add3A_53 : vector<512x256xf32>
    %exp3A = math.exp %mul3A_56 : vector<512x256xf32>
    %get3A_57 = arith.constant 0 : index
    %get3A_58 = arith.constant 0 : index
    %get3A_59 = vector.load %arg3[%get3A_57, %get3A_58] : memref<512x256xf32, #tpu.memory_space<vmem>>, vector<512x256xf32>
    %mul3A_60 = arith.mulf %exp3A, %get3A_59 : vector<512x256xf32>
    %add3A_61 = arith.addf %add3A_43, %mul3A_60 : vector<512x256xf32>
    %swap3A = arith.constant 0 : index
    %swap3A_62 = arith.constant 0 : index
    %swap3A_63 = vector.load %arg10[%swap3A, %swap3A_62] : memref<512x256xf32, #tpu.memory_space<vmem>>, vector<512x256xf32>
    tpu.vector_store %arg10[%swap3A, %swap3A_62], %add3A_61 {strides = array<i32>} : memref<512x256xf32, #tpu.memory_space<vmem>>, vector<512x256xf32>,
    return
  }
  func.func @transform_0(%arg0: i32) -> (i32, i32, i32) {
    %c0_i32 = arith.constant 0 : i32
    %c0_i32_0 = arith.constant 0 : i32
    %c0_i32_1 = arith.constant 0 : i32
    return %c0_i32, %arg0, %c0_i32_0 : i32, i32, i32
  }
  func.func @transform_1(%arg0: i32) -> (i32, i32, i32) {
    %c1_i32 = arith.constant 1 : i32
    %c0_i32 = arith.constant 0 : i32
    %c0_i32_0 = arith.constant 0 : i32
    return %c1_i32, %arg0, %c0_i32 : i32, i32, i32
  }
  func.func @transform_2(%arg0: i32) -> (i32, i32) {
    %c0_i32 = arith.constant 0 : i32
    %c0_i32_0 = arith.constant 0 : i32
    return %arg0, %c0_i32 : i32, i32
  }
  func.func @transform_3(%arg0: i32) -> (i32, i32) {
    %c0_i32 = arith.constant 0 : i32
    %c0_i32_0 = arith.constant 0 : i32
    %c0_i32_1 = arith.constant 0 : i32
    return %c0_i32, %c0_i32_0 : i32, i32
  }
  func.func @transform_4(%arg0: i32) -> (i32, i32) {
    %c0_i32 = arith.constant 0 : i32
    %c0_i32_0 = arith.constant 0 : i32
    %c0_i32_1 = arith.constant 0 : i32
    return %c0_i32, %c0_i32_0 : i32, i32
  }
  func.func @transform_5(%arg0: i32) -> (i32, i32) {
    %c0_i32 = arith.constant 0 : i32
    %c0_i32_0 = arith.constant 0 : i32
    %c0_i32_1 = arith.constant 0 : i32
    return %c0_i32, %c0_i32_0 : i32, i32
  }
  func.func @transform_6(%arg0: i32) -> (i32, i32) {
    %c0_i32 = arith.constant 0 : i32
    %c0_i32_0 = arith.constant 0 : i32
    %c0_i32_1 = arith.constant 0 : i32
    return %c0_i32, %c0_i32_0 : i32, i32
  }
  func.func @transform_7(%arg0: i32) -> (i32, i32) {
    %c0_i32 = arith.constant 0 : i32
    %c0_i32_0 = arith.constant 0 : i32
    %c0_i32_1 = arith.constant 0 : i32
    return %c0_i32, %c0_i32_0 : i32, i32
  }
  func.func @transform_8(%arg0: i32) -> (i32, i32) {
    %c0_i32 = arith.constant 0 : i32
    %c0_i32_0 = arith.constant 0 : i32
    %c0_i32_1 = arith.constant 0 : i32
    return %c0_i32, %c0_i32_0 : i32, i32
  }
  func.func @transform_9(%arg0: i32) -> (i32, i32) {
    %c0_i32 = arith.constant 0 : i32
    %c0_i32_0 = arith.constant 0 : i32
    return %arg0, %c0_i32 : i32, i32
  }
}

module attributes {stable_mosaic.version = 14 : i64} {
  func.func @_dense_last_body(%arg0: i32, %arg1: memref<13x512x128xf32, #tpu.memory_space<vmem>>, %arg2: memref<13x512x128xf32, #tpu.memory_space<vmem>>, %arg3: memref<512x256xf32, #tpu.memory_space<vmem>>, %arg4: memref<128x2048xf32, #tpu.memory_space<vmem>>, %arg5: memref<1x2048xf32, #tpu.memory_space<vmem>>, %arg6: memref<2048x256xf32, #tpu.memory_space<vmem>>, %arg7: memref<1x256xf32, #tpu.memory_space<vmem>>, %arg8: memref<2048x256xf32, #tpu.memory_space<vmem>>, %arg9: memref<1x256xf32, #tpu.memory_space<vmem>>, %arg10: memref<512x256xf32, #tpu.memory_space<vmem>>, %arg11: memref<512x256xf32, #tpu.memory_space<vmem>>) attributes {dimension_semantics = [#tpu.dimension_semantics<arbitrary>], iteration_bounds = array<i64: 8>, scalar_prefetch = 0 : i64, scratch_operands = 0 : i64, tpu.core_type = #tpu.core_type<tc>, window_params = [{transform_indices = @transform_0, window_bounds = array<i64: 13, 512, 128>}, {transform_indices = @transform_1, window_bounds = array<i64: 13, 512, 128>}, {transform_indices = @transform_2, window_bounds = array<i64: 512, 256>}, {pipeline_mode = #tpu.pipeline_mode<synchronous>, transform_indices = @transform_3, window_bounds = array<i64: 128, 2048>}, {pipeline_mode = #tpu.pipeline_mode<synchronous>, transform_indices = @transform_4, window_bounds = array<i64: 1, 2048>}, {pipeline_mode = #tpu.pipeline_mode<synchronous>, transform_indices = @transform_5, window_bounds = array<i64: 2048, 256>}, {pipeline_mode = #tpu.pipeline_mode<synchronous>, transform_indices = @transform_6, window_bounds = array<i64: 1, 256>}, {pipeline_mode = #tpu.pipeline_mode<synchronous>, transform_indices = @transform_7, window_bounds = array<i64: 2048, 256>}, {pipeline_mode = #tpu.pipeline_mode<synchronous>, transform_indices = @transform_8, window_bounds = array<i64: 1, 256>}, {transform_indices = @transform_9, window_bounds = array<i64: 512, 256>}, {transform_indices = @transform_10, window_bounds = array<i64: 512, 256>}]} {
    %lt3A = arith.constant 4 : i32
    %lt3A_0 = arith.cmpi slt, %arg0, %lt3A : i32
    %convert_element_type3A = arith.extui %lt3A_0 : i1 to i32
    %cond3A = arith.constant 0 : i32
    %cond3A_1 = arith.cmpi ne, %convert_element_type3A, %cond3A : i32
    scf.if %cond3A_1 {
      %get3A = arith.constant 0 : index
      %get3A_6 = arith.constant 0 : index
      %get3A_7 = vector.load %arg10[%get3A, %get3A_6] : memref<512x256xf32, #tpu.memory_space<vmem>>, vector<512x256xf32>
      %swap3A = arith.constant 0 : index
      %swap3A_8 = arith.constant 0 : index
      %swap3A_9 = vector.load %arg11[%swap3A, %swap3A_8] : memref<512x256xf32, #tpu.memory_space<vmem>>, vector<512x256xf32>
      tpu.vector_store %arg11[%swap3A, %swap3A_8], %get3A_7 {strides = array<i32>} : memref<512x256xf32, #tpu.memory_space<vmem>>, vector<512x256xf32>,
    } else {
    }
    %ge3A = arith.constant 4 : i32
    %ge3A_2 = arith.cmpi sge, %arg0, %ge3A : i32
    %convert_element_type3A_3 = arith.extui %ge3A_2 : i1 to i32
    %cond3A_4 = arith.constant 0 : i32
    %cond3A_5 = arith.cmpi ne, %convert_element_type3A_3, %cond3A_4 : i32
    scf.if %cond3A_5 {
      %get3A = arith.constant 0 : index
      %get3A_6 = arith.constant 0 : index
      %get3A_7 = arith.constant 0 : index
      %get3A_8 = vector.load %arg1[%get3A, %get3A_6, %get3A_7] : memref<13x512x128xf32, #tpu.memory_space<vmem>>, vector<13x512x128xf32>
      %get3A_9 = arith.constant 0 : index
      %get3A_10 = arith.constant 0 : index
      %get3A_11 = arith.constant 0 : index
      %get3A_12 = vector.load %arg2[%get3A_9, %get3A_10, %get3A_11] : memref<13x512x128xf32, #tpu.memory_space<vmem>>, vector<13x512x128xf32>
      %reduce_sum3A = arith.constant dense<0.000000e+00> : vector<512x128xf32>
      %reduce_sum3A_13 = vector.multi_reduction <add>, %get3A_8, %reduce_sum3A [0] : vector<13x512x128xf32> to vector<512x128xf32>
      %reduce_sum3A_14 = arith.constant dense<0.000000e+00> : vector<512x128xf32>
      %reduce_sum3A_15 = vector.multi_reduction <add>, %get3A_12, %reduce_sum3A_14 [0] : vector<13x512x128xf32> to vector<512x128xf32>
      %add3A = arith.addf %reduce_sum3A_13, %reduce_sum3A_15 : vector<512x128xf32>
      %mul3A = arith.mulf %get3A_8, %get3A_8 : vector<13x512x128xf32>
      %reduce_sum3A_16 = arith.constant dense<0.000000e+00> : vector<512x128xf32>
      %reduce_sum3A_17 = vector.multi_reduction <add>, %mul3A, %reduce_sum3A_16 [0] : vector<13x512x128xf32> to vector<512x128xf32>
      %mul3A_18 = arith.mulf %get3A_12, %get3A_12 : vector<13x512x128xf32>
      %reduce_sum3A_19 = arith.constant dense<0.000000e+00> : vector<512x128xf32>
      %reduce_sum3A_20 = vector.multi_reduction <add>, %mul3A_18, %reduce_sum3A_19 [0] : vector<13x512x128xf32> to vector<512x128xf32>
      %add3A_21 = arith.addf %reduce_sum3A_17, %reduce_sum3A_20 : vector<512x128xf32>
      %mul3A_22 = arith.mulf %add3A, %add3A : vector<512x128xf32>
      %sub3A = arith.subf %mul3A_22, %add3A_21 : vector<512x128xf32>
      %mul3A_23 = arith.constant 5.000000e-01 : f32
      %mul3A_24 = vector.broadcast %mul3A_23 : f32 to vector<512x128xf32>
      %mul3A_25 = arith.mulf %mul3A_24, %sub3A : vector<512x128xf32>
      %get3A_26 = arith.constant 0 : index
      %get3A_27 = arith.constant 0 : index
      %get3A_28 = vector.load %arg4[%get3A_26, %get3A_27] : memref<128x2048xf32, #tpu.memory_space<vmem>>, vector<128x2048xf32>
      %dot_general3A = arith.constant dense<0.000000e+00> : vector<512x2048xf32>
      %dot_general3A_29 = tpu.matmul %mul3A_25, %get3A_28, %dot_general3A {dimension_numbers = #tpu.dot_dimension_numbers<[1], [0], [0], [1], [0, 0, 1, 1], [], []>, transpose_lhs_hint = false} : vector<512x128xf32>, vector<128x2048xf32>, vector<512x2048xf32> -> vector<512x2048xf32>
      %get3A_30 = arith.constant 0 : index
      %get3A_31 = arith.constant 0 : index
      %get3A_32 = vector.load %arg5[%get3A_30, %get3A_31] : memref<1x2048xf32, #tpu.memory_space<vmem>>, vector<1x2048xf32>
      %add3A_33 = vector.broadcast %get3A_32 : vector<1x2048xf32> to vector<512x2048xf32>
      %add3A_34 = arith.addf %dot_general3A_29, %add3A_33 : vector<512x2048xf32>
      %logistic3A = arith.negf %add3A_34 : vector<512x2048xf32>
      %logistic3A_35 = math.exp %logistic3A : vector<512x2048xf32>
      %logistic3A_36 = arith.constant 1.000000e+00 : f32
      %logistic3A_37 = vector.broadcast %logistic3A_36 : f32 to vector<512x2048xf32>
      %logistic3A_38 = arith.addf %logistic3A_37, %logistic3A_35 : vector<512x2048xf32>
      %logistic3A_39 = arith.divf %logistic3A_37, %logistic3A_38 : vector<512x2048xf32>
      %get3A_40 = arith.constant 0 : index
      %get3A_41 = arith.constant 0 : index
      %get3A_42 = vector.load %arg6[%get3A_40, %get3A_41] : memref<2048x256xf32, #tpu.memory_space<vmem>>, vector<2048x256xf32>
      %dot_general3A_43 = arith.constant dense<0.000000e+00> : vector<512x256xf32>
      %dot_general3A_44 = tpu.matmul %logistic3A_39, %get3A_42, %dot_general3A_43 {dimension_numbers = #tpu.dot_dimension_numbers<[1], [0], [0], [1], [0, 0, 1, 1], [], []>, transpose_lhs_hint = false} : vector<512x2048xf32>, vector<2048x256xf32>, vector<512x256xf32> -> vector<512x256xf32>
      %get3A_45 = arith.constant 0 : index
      %get3A_46 = arith.constant 0 : index
      %get3A_47 = vector.load %arg7[%get3A_45, %get3A_46] : memref<1x256xf32, #tpu.memory_space<vmem>>, vector<1x256xf32>
      %add3A_48 = vector.broadcast %get3A_47 : vector<1x256xf32> to vector<512x256xf32>
      %add3A_49 = arith.addf %dot_general3A_44, %add3A_48 : vector<512x256xf32>
      %get3A_50 = arith.constant 0 : index
      %get3A_51 = arith.constant 0 : index
      %get3A_52 = vector.load %arg8[%get3A_50, %get3A_51] : memref<2048x256xf32, #tpu.memory_space<vmem>>, vector<2048x256xf32>
      %dot_general3A_53 = arith.constant dense<0.000000e+00> : vector<512x256xf32>
      %dot_general3A_54 = tpu.matmul %logistic3A_39, %get3A_52, %dot_general3A_53 {dimension_numbers = #tpu.dot_dimension_numbers<[1], [0], [0], [1], [0, 0, 1, 1], [], []>, transpose_lhs_hint = false} : vector<512x2048xf32>, vector<2048x256xf32>, vector<512x256xf32> -> vector<512x256xf32>
      %get3A_55 = arith.constant 0 : index
      %get3A_56 = arith.constant 0 : index
      %get3A_57 = vector.load %arg9[%get3A_55, %get3A_56] : memref<1x256xf32, #tpu.memory_space<vmem>>, vector<1x256xf32>
      %add3A_58 = vector.broadcast %get3A_57 : vector<1x256xf32> to vector<512x256xf32>
      %add3A_59 = arith.addf %dot_general3A_54, %add3A_58 : vector<512x256xf32>
      %mul3A_60 = arith.constant 5.000000e-01 : f32
      %mul3A_61 = vector.broadcast %mul3A_60 : f32 to vector<512x256xf32>
      %mul3A_62 = arith.mulf %mul3A_61, %add3A_59 : vector<512x256xf32>
      %exp3A = math.exp %mul3A_62 : vector<512x256xf32>
      %get3A_63 = arith.constant 0 : index
      %get3A_64 = arith.constant 0 : index
      %get3A_65 = vector.load %arg3[%get3A_63, %get3A_64] : memref<512x256xf32, #tpu.memory_space<vmem>>, vector<512x256xf32>
      %mul3A_66 = arith.mulf %exp3A, %get3A_65 : vector<512x256xf32>
      %add3A_67 = arith.addf %add3A_49, %mul3A_66 : vector<512x256xf32>
      %swap3A = arith.constant 0 : index
      %swap3A_68 = arith.constant 0 : index
      %swap3A_69 = vector.load %arg11[%swap3A, %swap3A_68] : memref<512x256xf32, #tpu.memory_space<vmem>>, vector<512x256xf32>
      tpu.vector_store %arg11[%swap3A, %swap3A_68], %add3A_67 {strides = array<i32>} : memref<512x256xf32, #tpu.memory_space<vmem>>, vector<512x256xf32>,
    } else {
    }
    return
  }
  func.func @transform_0(%arg0: i32) -> (i32, i32, i32) {
    %sub3A = arith.constant 4 : i32
    %sub3A_0 = arith.subi %arg0, %sub3A : i32
    %max3A = arith.constant 0 : i32
    %max3A_1 = arith.maxsi %sub3A_0, %max3A : i32
    %c0_i32 = arith.constant 0 : i32
    %c0_i32_2 = arith.constant 0 : i32
    %c0_i32_3 = arith.constant 0 : i32
    return %c0_i32, %max3A_1, %c0_i32_2 : i32, i32, i32
  }
  func.func @transform_1(%arg0: i32) -> (i32, i32, i32) {
    %sub3A = arith.constant 4 : i32
    %sub3A_0 = arith.subi %arg0, %sub3A : i32
    %max3A = arith.constant 0 : i32
    %max3A_1 = arith.maxsi %sub3A_0, %max3A : i32
    %c1_i32 = arith.constant 1 : i32
    %c0_i32 = arith.constant 0 : i32
    %c0_i32_2 = arith.constant 0 : i32
    return %c1_i32, %max3A_1, %c0_i32 : i32, i32, i32
  }
  func.func @transform_2(%arg0: i32) -> (i32, i32) {
    %sub3A = arith.constant 4 : i32
    %sub3A_0 = arith.subi %arg0, %sub3A : i32
    %max3A = arith.constant 0 : i32
    %max3A_1 = arith.maxsi %sub3A_0, %max3A : i32
    %c0_i32 = arith.constant 0 : i32
    %c0_i32_2 = arith.constant 0 : i32
    return %max3A_1, %c0_i32 : i32, i32
  }
  func.func @transform_3(%arg0: i32) -> (i32, i32) {
    %c0_i32 = arith.constant 0 : i32
    %c0_i32_0 = arith.constant 0 : i32
    %c0_i32_1 = arith.constant 0 : i32
    return %c0_i32, %c0_i32_0 : i32, i32
  }
  func.func @transform_4(%arg0: i32) -> (i32, i32) {
    %c0_i32 = arith.constant 0 : i32
    %c0_i32_0 = arith.constant 0 : i32
    %c0_i32_1 = arith.constant 0 : i32
    return %c0_i32, %c0_i32_0 : i32, i32
  }
  func.func @transform_5(%arg0: i32) -> (i32, i32) {
    %c0_i32 = arith.constant 0 : i32
    %c0_i32_0 = arith.constant 0 : i32
    %c0_i32_1 = arith.constant 0 : i32
    return %c0_i32, %c0_i32_0 : i32, i32
  }
  func.func @transform_6(%arg0: i32) -> (i32, i32) {
    %c0_i32 = arith.constant 0 : i32
    %c0_i32_0 = arith.constant 0 : i32
    %c0_i32_1 = arith.constant 0 : i32
    return %c0_i32, %c0_i32_0 : i32, i32
  }
  func.func @transform_7(%arg0: i32) -> (i32, i32) {
    %c0_i32 = arith.constant 0 : i32
    %c0_i32_0 = arith.constant 0 : i32
    %c0_i32_1 = arith.constant 0 : i32
    return %c0_i32, %c0_i32_0 : i32, i32
  }
  func.func @transform_8(%arg0: i32) -> (i32, i32) {
    %c0_i32 = arith.constant 0 : i32
    %c0_i32_0 = arith.constant 0 : i32
    %c0_i32_1 = arith.constant 0 : i32
    return %c0_i32, %c0_i32_0 : i32, i32
  }
  func.func @transform_9(%arg0: i32) -> (i32, i32) {
    %min3A = arith.constant 3 : i32
    %min3A_0 = arith.minsi %arg0, %min3A : i32
    %c0_i32 = arith.constant 0 : i32
    %c0_i32_1 = arith.constant 0 : i32
    return %min3A_0, %c0_i32 : i32, i32
  }
  func.func @transform_10(%arg0: i32) -> (i32, i32) {
    %c0_i32 = arith.constant 0 : i32
    %c0_i32_0 = arith.constant 0 : i32
    return %arg0, %c0_i32 : i32, i32
  }
}

</mosaic_0001>

<sc_bundles>
// kernel: kernel.6.cloned.1.call-start
scs
__scs_entry_jumppad:
0x0: {  	(pc) =	sbr.rel $0x88, $3  }
0x1: {  	(tag) =	ssettag $0x0;
	lr =	simm.s32 $0x1  }
0x2: {  	[smem:$0x3F98] =	sst lr;
	_ =	strace $0xD0000000  }
0x3: {  	_ = 	snop  }
0x4: {  	_ = 	snop  }
0x5: {  	_ = 	snop  }
0x6: {  	_ = 	snop  }
0x7: {  	_ = 	snop  }
__scs_overlays_trampoline_lowered:
0x8: {  	[smem:$0x3FA7] =	sst s0  }
0x9: {  	[smem:$0x3FA8] =	sst s1  }
0xa: {  	[smem:$0x3FA9] =	sst s2  }
0xb: {  	[smem:$0x3FAA] =	sst s3  }
0xc: {  	[smem:$0x3FAB] =	sst s4  }
0xd: {  	[smem:$0x3FAC] =	sst s5  }
0xe: {  	[smem:$0x3FAD] =	sst s6  }
0xf: {  	[smem:$0x3FAE] =	sst s7  }
0x10: {  	[smem:$0x3FAF] =	sst s8  }
0x11: {  	[smem:$0x3FB0] =	sst s9;
	s0 =	simm.s32 @!p0 $0x0  }
0x12: {  	s1 =	sld [smem:$0x3F96];
	s0 =	simm.s32 @p0 $0x1  }
0x13: {  	[smem:$0x3FB1] =	sst s0;
	s0 =	simm.s32 @!p1 $0x0  }
0x14: {  	s2 =	sld [smem:$0x3F95];
	s0 =	simm.s32 @p1 $0x1  }
0x15: {  	[smem:$0x3FB2] =	sst s0;
	s0 =	simm.s32 @!p2 $0x0  }
0x16: {  	s3 =	sld [smem:$0x3FDB];
	s0 =	simm.s32 @p2 $0x1  }
0x17: {  	s4 =	simm.s32 $0x1BF5;
	[smem:$0x3FB4] =	sst s0  }
0x18: {  	s0 =	sld [smem:$0x3F97];
	_ =	swait.ge [sflag:s4], $0x0  }
0x19: {  	s7 =	sld [smem:$0x3F98]  }
0x1a: {  	s8 =	sadd.s32 $0xFFFFE003, lr  }
0x1b: {  	s9 =	sadd.s32 $0xFFFFFEF7, lr;
	s5 =	simm.s32 $0xFFFFFFFF;
	p2 =	slt.u32 s8, $0xFFFFF086  }
0x1c: {  	p1 =	slt.u32 s9, $0xF7A;
	s5 =	simm.s32 @!p2 $0x0  }
0x1d: {  	s5 =	simm.s32 @p1 $0x1;
	p0 =	seq.s32 s7, s2  }
0x1e: {  	s7 =	smul.u32 @!p0 $0xF7A, s2;
	p2 =	seq.s32 @!p0 s5, $0x0  }
0x1f: {  	s9 =	smul.u32 $0xF7A, s1;
	s8 =	simm.s32 @!p0 $0x1BF5;
	p2 =	por !p2, p0  }
0x20: {  	[sflag:s8] =	ssyncset.s32 @!p0 $0xFFFFF086;
	s6 =	sadd.s32 @!p0 s3, s7;
	s7 =	simm.s32 @!p0 $0x108  }
0x21: {  	s3 =	sadd.s32 s3, s9;
	s6 =	sadd.s32 @!p0 $0x88, s6;
	s7 =	simm.s32 @p2 $0x1082  }
0x22: {  	[simem:s7], [sflag:s8] =	dma.local @!p0 [hbm:s6], $0xF7A  }
0x23: {  	s9 =	sor.u32 $0xD0000000, s2;
	s6 =	simm.s32 $0x108;
	_ =	swait.ge @!p0 [sflag:s8], $0x0  }
0x24: {  	s3 =	sadd.s32 $0x88, s3;
	s6 =	simm.s32 @!p1 $0x1082;
	[sflag:s4] =	ssyncset.s32 $0xFFFFF086  }
0x25: {  	[simem:s6], [sflag:s4] =	dma.local [hbm:s3], $0xF7A  }
0x26: {  	[smem:$0x3F98] =	sst s1;
	(tag) =	ssettag s2;
	_ =	strace s9  }
0x27: {  	s1 =	sld [smem:$0x3FA8]  }
0x28: {  	s2 =	sld [smem:$0x3FA9]  }
0x29: {  	s4 =	sld [smem:$0x3FAB]  }
0x2a: {  	p0 =	seq.s32 s5, $0x0;
	s5 =	sld [smem:$0x3FAC]  }
0x2b: {  	s6 =	sld [smem:$0x3FAD]  }
0x2c: {  	s7 =	sld [smem:$0x3FAE]  }
0x2d: {  	s3 =	simm.s32 $0x108;
	s8 =	sld [smem:$0x3FAF]  }
0x2e: {  	s3 =	simm.s32 @!p0 $0x1082;
	s9 =	sld [smem:$0x3FB0]  }
0x2f: {  	lr =	sadd.s32 s0, s3;
	s0 =	sld [smem:$0x3FA7]  }
0x30: {  	s3 =	sld [smem:$0x3FAA]  }
0x31: {  	[smem:$0x3FB3] =	sst s10  }
0x32: {  	s10 =	sld [smem:$0x3FB1];
	_ =	sdelay $0x3  }
0x33: {  	p0 =	seq.s32 s10, $0x1;
	s10 =	sld [smem:$0x3FB3];
	_ =	sdelay $0x3  }
0x34: {  	[smem:$0x3FB3] =	sst s10  }
0x35: {  	s10 =	sld [smem:$0x3FB2];
	_ =	sdelay $0x3  }
0x36: {  	p1 =	seq.s32 s10, $0x1;
	s10 =	sld [smem:$0x3FB3];
	_ =	sdelay $0x3  }
0x37: {  	[smem:$0x3FB3] =	sst s10  }
0x38: {  	s10 =	sld [smem:$0x3FB4]  }
0x39: {  	_ = 	snop;
	(pc) =	sbr.ind lr, $3  }
0x3a: {  	_ = 	snop  }
0x3b: {  	_ = 	snop  }
0x3c: {  	p2 =	seq.s32 s10, $0x1;
	s10 =	sld [smem:$0x3FB3]  }
0x3d: {  	_ =	shalt  }
0x3e: {  	_ =	shalt  }
0x3f: {  	_ =	shalt  }
0x40: {  	_ =	shalt  }
0x41: {  	_ =	shalt  }
0x42: {  	_ =	shalt  }
0x43: {  	_ =	shalt  }
0x44: {  	_ =	shalt  }
0x45: {  	_ =	shalt  }
0x46: {  	_ =	shalt  }
0x47: {  	_ =	shalt  }
0x48: {  	_ =	shalt  }
0x49: {  	_ =	shalt  }
0x4a: {  	_ =	shalt  }
0x4b: {  	_ =	shalt  }
0x4c: {  	_ =	shalt  }
0x4d: {  	_ =	shalt  }
0x4e: {  	_ =	shalt  }
0x4f: {  	_ =	shalt  }
0x50: {  	_ =	shalt  }
0x51: {  	_ =	shalt  }
0x52: {  	_ =	shalt  }
0x53: {  	_ =	shalt  }
0x54: {  	_ =	shalt  }
0x55: {  	_ =	shalt  }
0x56: {  	_ =	shalt  }
0x57: {  	_ =	shalt  }
0x58: {  	_ =	shalt  }
0x59: {  	_ =	shalt  }
0x5a: {  	_ =	shalt  }
0x5b: {  	_ =	shalt  }
0x5c: {  	_ =	shalt  }
0x5d: {  	_ =	shalt  }
0x5e: {  	_ =	shalt  }
0x5f: {  	_ =	shalt  }
0x60: {  	_ =	shalt  }
0x61: {  	_ =	shalt  }
0x62: {  	_ =	shalt  }
0x63: {  	_ =	shalt  }
0x64: {  	_ =	shalt  }
0x65: {  	_ =	shalt  }
0x66: {  	_ =	shalt  }
0x67: {  	_ =	shalt  }
0x68: {  	_ =	shalt  }
0x69: {  	_ =	shalt  }
0x6a: {  	_ =	shalt  }
0x6b: {  	_ =	shalt  }
0x6c: {  	_ =	shalt  }
0x6d: {  	_ =	shalt  }
0x6e: {  	_ =	shalt  }
0x6f: {  	_ =	shalt  }
0x70: {  	_ =	shalt  }
0x71: {  	_ =	shalt  }
0x72: {  	_ =	shalt  }
0x73: {  	_ =	shalt  }
0x74: {  	_ =	shalt  }
0x75: {  	_ =	shalt  }
0x76: {  	_ =	shalt  }
0x77: {  	_ =	shalt  }
0x78: {  	_ =	shalt  }
0x79: {  	_ =	shalt  }
0x7a: {  	_ =	shalt  }
0x7b: {  	_ =	shalt  }
0x7c: {  	_ =	shalt  }
0x7d: {  	_ =	shalt  }
0x7e: {  	_ =	shalt  }
0x7f: {  	_ =	shalt  }
0x80: {  	_ =	shalt  }
0x81: {  	_ =	shalt  }
0x82: {  	_ =	shalt  }
0x83: {  	_ =	shalt  }
0x84: {  	_ =	shalt  }
0x85: {  	_ =	shalt  }
0x86: {  	_ =	shalt  }
0x87: {  	_ =	shalt  }
.Lfunc_end0:
.L_simem_size_0:
called_computation_lowered:
.L_overlay_start_0:
0x88: {  	s2 =	sld [smem:$0x3FD9]  }
0x89: {  	s3 =	sld [smem:$0x3FFE];
	_ =	sdelay $0x1  }
0x8a: {  	s1 =	srdreg.scid  }
0x8b: {  	s0 =	sand.u32 $0x1, s1  }
0x8c: {  	s17 =	sshll.u32 s0, $0xA;
	s2 =	sadd.s32 s3, s2  }
0x8d: {  	s2 =	sadd.s32 s2, s17  }
0x8e: {  	[smem:$0x3FBF] =	sst s2  }
0x8f: {  	_ = 	snop  }
0x90: {  	s2 =	sld [smem:$0x3FC7];
	(tm) =	ssettm $0x1  }
0x91: {  	s18 =	sld [smem:$0x3FFB];
	_ =	sdelay $0x3  }
0x92: {  	_ =	strace s18  }
0x93: {  	s3 =	sld [smem:$0x3FFC];
	_ =	sdelay $0x3  }
0x94: {  	_ =	strace s3  }
0x95: {  	s3 =	sld [smem:$0x3FFD];
	_ =	sdelay $0x3  }
0x96: {  	_ =	strace s3  }
0x97: {  	_ =	strace $0x8FFFFFFF  }
0x98: {  	s19 =	sld [smem:$0x3FDB];
	_ =	sdelay $0x1  }
0x99: {  	s4 =	simm.s32 $_scs_section_size  }
0x9a: {  	s5 =	simm.s32 $_size__tile_overlayer_lowered;
	s6 =	simm.s32 $_tile_overlayer_lowered  }
0x9b: {  	s22 =	simm.s32 $0x1BFF;
	s21 =	sshll.u32 s6, $0x1;
	s3 =	sadd.s32 s4, s19  }
0x9c: {  	s7 =	simm.s32 $0x0;
	s20 =	sshll.u32 s5, $0x1;
	s5 =	sadd.s32 s21, s3  }
0x9d: {  	[timem:s7], [sflag:s22] =	dma.local [hbm:s5], s20  }
0x9e: {  	_ =	swait.ge [sflag:s22], s20  }
0x9f: {  	s4 =	ssub.s32 $0x0, s20;
	[sflag:s22] =	ssyncset.done $0x0  }
0xa0: {  	[sflag:s22] =	ssyncadd.s32 s4;
	_ =	sdelay $0x1  }
0xa1: {  	s23 =	simm.s32 $0x1B8B  }
0xa2: {  	_ =	swait.ge [sflag:s23], $0x1  }
0xa3: {  	[sflag:s23] =	ssyncset.done $0x0  }
0xa4: {  	s25 =	simm.s32 $0x1B8E;
	s24 =	sld [smem:$0x3FFE];
	[sflag:s23] =	ssyncadd.s32 $0xFFFFFFFF  }
0xa5: {  	s26 =	simm.s32 $execute0_lowered;
	[smem:$0x3FD2] =	sst s25  }
0xa6: {  	s5 =	sshll.u32 s26, $0x1;
	_ =	strace $0x80000046;
	[dreg:$0x1] =	wrdreg $0xFFFFFFFF  }
0xa7: {  	s28 =	simm.s32 $_size_execute0_lowered;
	s3 =	sadd.s32 s3, s5;
	[dreg:$0x0] =	wrdreg $0x0  }
0xa8: {  	s5 =	sshll.u32 s28, $0x1;
	[dreg:$0x2] =	wrdreg s3  }
0xa9: {  	[dreg:$0x3] =	wrdreg s5  }
0xaa: {  	[dreg:$0x4] =	wrdreg $0xC0  }
0xab: {  	_ =	task [dreg:s7], $0x5FFFF  }
0xac: {  	[dreg:$0x1] =	wrdreg $0xFFFFFFFF  }
0xad: {  	[dreg:$0x0] =	wrdreg $0x60  }
0xae: {  	[dreg:$0x2] =	wrdreg s2  }
0xaf: {  	[dreg:$0x3] =	wrdreg s24  }
0xb0: {  	[dreg:$0x4] =	wrdreg $0x9  }
0xb1: {  	_ =	task.clear_ibuf [dreg:s7], $0x5FFFF;
	_ =	strace $0x90000046  }
0xb2: {  	s29 =	simm.s32 $0x9;
	_ =	strace $0x8000004F  }
0xb3: {  	_ =	swait.ge [sflag:s29], $0x1  }
0xb4: {  	[sflag:s29] =	ssyncadd.s32 $0xFFFFFFFF  }
0xb5: {  	_ =	strace $0x9000004F  }
0xb6: {  	_ =	sfence  }
0xb7: {  	s30 =	sld [smem:$0x0];
	_ =	sdelay $0x2  }
0xb8: {  	s31 =	sshll.u32 s1, $0xD;
	s1 =	sshrl.u32 s1, $0x2  }
0xb9: {  	s3 =	sand.u32 $0x4000, s31;
	s1 =	sadd.s32 s1, s30  }
0xba: {  	s0 =	sor.u32 s3, s0;
	s1 =	sshll.u32 s1, $0x11  }
0xbb: {  	s0 =	sor.u32 s1, s0  }
0xbc: {  	s0 =	sadd.s32 $0x8F2B, s0  }
0xbd: {  	[sflag:s0] =	ssyncadd.remote.s32 $0x1  }
0xbe: {  	_ =	sfence.sel $0xFFFF  }
0xbf: {  	[dreg:$0x0] =	wrdreg $0xFFFFFFFF;
	(pc) =	sbr.abs _section_cstart, $3  }
0xc0: {  	[dreg:$0x1] =	wrdreg $0xFFFFFFFF  }
0xc1: {  	_ =	task.clear_ibuf [dreg:s7], $0x2FFFF;
	_ =	strace $0x9FFFFFFF  }
0xc2: {  	(tm) =	ssettm $0x7FFFFFFF  }
0xc3: {  	_ =	shalt  }
tec
execute0_lowered:
.L_overlay_start_1:
0x0: {  	(tag) =	ssettag $0x1  }
0x1: {  	s2 =	rddreg [dreg:$0x0]  }
0x2: {  	s0 =	srdreg.scid;
	s6 =	rddreg [dreg:$0x1]  }
0x3: {  	s30 =	stileid.u32;
	s3 =	simm.s32 $0x0;
	s8 =	sand.u32 $0x1, s0  }
0x4: {  	s10 =	simm.s32 $0x1;
	s11 =	simm.s32 $0x80;
	s4 =	sshll.u32 s8, $0x4  }
0x5: {  	s12 =	simm.s32 $0x2;
	[smem:$0x7FF] =	sst s3;
	s4 =	sor.u32 s30, s4  }
0x6: {  	s13 =	simm.s32 $0x0;
	_ =	strace $0x80000047;
	s5 =	smul.u32 $0x6, s4  }
0x7: {  	p0 =	seq.s32 s8, $0x0;
	s9 =	ssub.s32 $0x2, s8;
	s7 =	smul.u32 $0x7, s4  }
0x8: {  	s31 =	sshrl.u32 s9, $0x1;
	s4 =	sadd.s32 $0x1A00, s6;
	s5 =	sadd.s32 $0x10, s5  }
0x9: {  	s6 =	sadd.s32 $0x3400, s6;
	s9 =	ssub.s32 s9, s31;
	s5 =	smov.u32 @p0 s7  }
0xa: {  	[dreg:$0x3] =	wrdreg s6;
	s6 =	sxor.u32 $0x7, s8;
	s7 =	sshll.u32 s5, $0x5  }
0xb: {  	s8 =	ssub.s32 $0x6, s8;
	s9 =	smax.u32 s9, $0x1;
	s7 =	sadd.s32 s4, s7  }
.LBB2_1:
0xc: {  	_ =	strace $0x80000048  }
0xd: {  	p0 =	seq.s32 s6, $0x1;
	s15 =	simm.s32 $0x1;
	p4 =	sne.s32 s6, $0x1  }
0xe: {  	[tilespmem:s3], [sflag:$0x3] =	stream.linear.gather [hbm4b:s7+s3], $0x100, $0x200038;
	[tilespmem:$0x10200] =	vst v63  }
.Ltmp0:
0xf: {  	s15 =	simm.s32 @p0 $0x0;
	(pc) =	sbr.rel @!p4 .LBB2_2-.Ltmp0, $4  }
0x10: {  	p1 =	sgt.u32 s8, $0x0;
	p0 =	sne.s32 s15, $0x0  }
0x11: {  	s14 =	simm.s32 $0x1;
	p2 =	por !p1, !p0  }
0x12: {  	p3 =	por $0x0, $0x0;
	_ =	strace $0x90000048;
	p2 =	por !p2, !p2  }
0x13: {  	p1 =	por $0x1, $0x1;
	s29 =	sadd.s32 @p2 s5, s15;
	s25 =	sand.u32 @p2 $0x1, s10  }
0x14: {  	s16 =	sshll.u32 @p2 s29, $0x5;
	s17 =	simm.s32 @p2 $0x0;
	s18 =	sshll.u32 @p2 s25, $0x8  }
0x15: {  	s19 =	sadd.s32 @p2 $0x3, s25;
	_ =	strace @p2 $0x80000049;
	s26 =	simm.s32 $0x0  }
0x16: {  	s20 =	sand.u32 @!p1 $0x1, s3;
	p5 =	sne.s32 s6, $0x2;
	s16 =	sand.u32 @p2 $0x1FFFFFE0, s16  }
0x17: {  	p4 =	por p1, p1;
	p1 =	por $0x0, $0x0;
	s16 =	sadd.s32 @p2 s4, s16  }
0x18: {  	[tilespmem:s18], [sflag:s19] =	stream.linear.gather @p2 [hbm4b:s16+s17], $0x100, $0x200038;
	[tilespmem:$0x10200] =	vst v63  }
0x19: {  	p3 =	seq.s32 s8, $0x0;
	s19 =	sand.u32 $0x1, s3;
	_ =	strace @p2 $0x90000049  }
0x1a: {  	s21 =	sadd.s32 $0x0, s5;
	s25 =	sadd.s32 $0x3, s19;
	_ =	strace $0x8000004A  }
0x1b: {  	s23 =	sadd.s32 @!p4 $0x5, s20;
	s20 =	sadd.s32 $0x1, s15;
	_ =	swait.ge [sflag:s25], $0x100  }
0x1c: {  	p6 =	por p3, p0;
	p3 =	sgt.u32 s8, $0x1;
	[sflag:s25] =	ssyncset.done $0x0  }
0x1d: {  	s28 =	sshll.u32 @p6 s21, $0xC;
	s21 =	simm.s32 $0x0;
	[sflag:s25] =	ssyncadd.s32 $0xFFFFFF00  }
0x1e: {  	s17 =	simm.s32 $0x2;
	s31 =	sshll.u32 s19, $0xF;
	_ =	strace $0x9000004A  }
0x1f: {  	s18 =	sand.u32 $0x100, s26;
	s22 =	sor.u32 $0x200, s31;
	_ =	strace $0x8000004B  }
0x20: {  	[tilespmem:s22], [sflag:$0x1] =	stream.indirect.gather [hbm4b:s2+s11], $0x80, s18, s11, $0x2000b8;
	[tilespmem:$0x10200] =	vst v63  }
0x21: {  	s26 =	simm.s32 $0x1;
	s16 =	sor.u32 $0x4200, s31;
	s18 =	sor.u32 $0x80, s18  }
0x22: {  	[tilespmem:s16], [sflag:$0x2] =	stream.indirect.gather [hbm4b:s2+s11], $0x80, s18, s11, $0x2000b8;
	[tilespmem:$0x10200] =	vst v63  }
0x23: {  	s18 =	simm.s32 $0x1;
	s16 =	simm.s32 $0x1;
	_ =	swait.ge [sflag:s10], $0x4000  }
0x24: {  	s18 =	simm.s32 @!p2 $0x0;
	p2 =	por $0x0, $0x0;
	[sflag:s10] =	ssyncset.done $0x0  }
0x25: {  	s26 =	simm.s32 @!p6 $0x0;
	s16 =	simm.s32 @!p2 $0x0;
	[sflag:s10] =	ssyncadd.s32 $0xFFFFC000  }
0x26: {  	p2 =	seq.s32 s20, s6;
	s24 =	sadd.s32 $0x1, s18;
	_ =	swait.ge [sflag:s12], $0x4000  }
.Ltmp1:
0x27: {  	s20 =	simm.s32 @p2 $0x0;
	[sflag:s12] =	ssyncset.done $0x0;
	(pc) =	sbr.rel @!p5 .LBB2_4-.Ltmp1, $4  }
0x28: {  	s18 =	simm.s32 $0x0;
	p0 =	sne.s32 s15, s20;
	[sflag:s12] =	ssyncadd.s32 $0xFFFFC000  }
0x29: {  	s16 =	sadd.s32 $0x0, s16;
	p2 =	por !p3, !p0;
	_ =	strace $0x9000004B  }
0x2a: {  	p3 =	por $0x1, $0x1;
	p2 =	por !p2, !p2;
	_ =	strace @p6 $0x8000004C  }
0x2b: {  	s29 =	sadd.s32 @p2 s5, s20;
	s25 =	sand.u32 @p2 $0x1, s24;
	s30 =	rddreg [dreg:$0x3]  }
.LBB2_5:
0x2c: {  	s31 =	sshll.u32 @p2 s29, $0x5  }
0x2d: {  	s0 =	sand.u32 @p6 $0x1FFFF000, s28;
	s29 =	smov.u32 s15;
	s19 =	sadd.s32 @p6 $0x5, s19  }
0x2e: {  	s15 =	sand.u32 @p2 $0x1FFFFFE0, s31;
	s31 =	simm.s32 @p6 $0x0;
	s0 =	sadd.s32 @p6 s30, s0  }
0x2f: {  	[hbm4b:s0+s31] =	stream.linear.scatter @p6 [tilespmem:s22], [sflag:s19], $0x8000, $0x200038;
	[tilespmem:$0x10200] =	vst v63  }
0x30: {  	_ =	strace @p6 $0x9000004C  }
0x31: {  	s18 =	sadd.s32 s26, s18;
	s28 =	smov.u32 s14;
	_ =	strace @!p4 $0x8000004D  }
0x32: {  	s14 =	smov.u32 s17;
	s21 =	sadd.s32 s26, s21;
	_ =	swait.ge @!p4 [sflag:s23], $0x8000  }
0x33: {  	s17 =	sadd.s32 $0x1, s17;
	s26 =	sshll.u32 s21, $0x8;
	[sflag:s23] =	ssyncset.done @!p4 $0x0  }
0x34: {  	s30 =	sand.u32 @!p1 $0x1, s16;
	p5 =	sne.s32 s6, s17;
	[sflag:s23] =	ssyncadd.s32 @!p4 $0xFFFF8000  }
0x35: {  	s1 =	sadd.s32 @p2 s4, s15;
	s19 =	simm.s32 @p2 $0x0;
	_ =	strace @!p4 $0x9000004D  }
0x36: {  	s22 =	sshll.u32 @p2 s25, $0x8;
	s23 =	sadd.s32 @p2 $0x3, s25;
	_ =	strace @p2 $0x80000049  }
0x37: {  	[tilespmem:s22], [sflag:s23] =	stream.linear.gather @p2 [hbm4b:s1+s19], $0x100, $0x200038;
	[tilespmem:$0x10200] =	vst v63  }
0x38: {  	s31 =	sand.u32 $0x1, s21;
	s15 =	smov.u32 s20;
	_ =	strace @p2 $0x90000049  }
0x39: {  	s20 =	sadd.s32 $0x1, s20;
	s0 =	sadd.s32 $0x3, s31;
	_ =	strace $0x8000004A  }
0x3a: {  	s31 =	sand.u32 $0x100, s26;
	p6 =	seq.s32 s8, s28;
	_ =	swait.ge [sflag:s0], $0x100  }
0x3b: {  	s26 =	simm.s32 $0x1;
	p6 =	por p6, p0;
	[sflag:s0] =	ssyncset.done $0x0  }
0x3c: {  	s26 =	simm.s32 @!p6 $0x0;
	s19 =	sand.u32 $0x1, s18;
	[sflag:s0] =	ssyncadd.s32 $0xFFFFFF00  }
0x3d: {  	p4 =	por p1, p1;
	s25 =	sshll.u32 s19, $0xF;
	_ =	strace $0x9000004A  }
0x3e: {  	p1 =	seq.s32 s14, $0x0;
	s22 =	sor.u32 $0x200, s25;
	_ =	strace $0x8000004B  }
0x3f: {  	[tilespmem:s22], [sflag:$0x1] =	stream.indirect.gather [hbm4b:s2+s11], $0x80, s31, s11, $0x2000b8;
	[tilespmem:$0x10200] =	vst v63  }
0x40: {  	s1 =	sor.u32 $0x80, s31;
	s23 =	sadd.s32 @!p4 $0x5, s30;
	s0 =	sor.u32 $0x4200, s25  }
0x41: {  	[tilespmem:s0], [sflag:$0x2] =	stream.indirect.gather [hbm4b:s2+s11], $0x80, s1, s11, $0x2000b8;
	[tilespmem:$0x10200] =	vst v63  }
0x42: {  	s25 =	simm.s32 $0x1;
	s0 =	simm.s32 $0x1;
	_ =	swait.ge [sflag:s10], $0x4000  }
0x43: {  	s1 =	sadd.s32 s5, s29;
	s0 =	simm.s32 @!p2 $0x0;
	[sflag:s10] =	ssyncset.done $0x0  }
0x44: {  	p2 =	sne.s32 s28, $0x0;
	s28 =	sshll.u32 @p6 s1, $0xC;
	[sflag:s10] =	ssyncadd.s32 $0xFFFFC000  }
0x45: {  	s25 =	simm.s32 @!p2 $0x0;
	p2 =	seq.s32 s20, s6;
	_ =	swait.ge [sflag:s12], $0x4000  }
.Ltmp2:
0x46: {  	s20 =	simm.s32 @p2 $0x0;
	[sflag:s12] =	ssyncset.done $0x0;
	(pc) =	sbr.rel @p5 .LBB2_5-.Ltmp2, $4  }
0x47: {  	p2 =	slt.u32 s14, s8;
	p0 =	sne.s32 s15, s20;
	[sflag:s12] =	ssyncadd.s32 $0xFFFFC000  }
0x48: {  	s24 =	sadd.s32 s0, s24;
	p2 =	por !p2, !p0;
	_ =	strace $0x9000004B  }
0x49: {  	s16 =	sadd.s32 s25, s16;
	p2 =	por !p2, !p2;
	_ =	strace @p6 $0x8000004C  }
0x4a: {  	s29 =	sadd.s32 @p2 s5, s20;
	s25 =	sand.u32 @p2 $0x1, s24;
	s30 =	rddreg [dreg:$0x3]  }
.LBB2_6:
0x4b: {  	p5 =	por !p6, !p3  }
0x4c: {  	s0 =	sand.u32 @!p5 $0x1FFFF000, s28  }
0x4d: {  	s1 =	sadd.s32 @!p5 $0x5, s19;
	s17 =	simm.s32 @!p5 $0x0;
	s0 =	sadd.s32 @!p5 s30, s0  }
0x4e: {  	[hbm4b:s0+s17] =	stream.linear.scatter @!p5 [tilespmem:s22], [sflag:s1], $0x8000, $0x200038;
	[tilespmem:$0x10200] =	vst v63  }
0x4f: {  	p4 =	por p4, !p3;
	_ =	strace @!p5 $0x9000004C  }
0x50: {  	_ =	strace @!p4 $0x8000004D  }
0x51: {  	s20 =	sadd.s32 @p2 $0x3, s25;
	_ =	swait.ge @!p4 [sflag:s23], $0x8000  }
0x52: {  	s19 =	sshll.u32 @p2 s25, $0x8;
	s0 =	sshll.u32 @p2 s29, $0x5;
	[sflag:s23] =	ssyncset.done @!p4 $0x0  }
0x53: {  	s1 =	sadd.s32 @p3 s26, s21;
	s17 =	simm.s32 $0x0;
	[sflag:s23] =	ssyncadd.s32 @!p4 $0xFFFF8000  }
0x54: {  	s0 =	sand.u32 @p2 $0x1FFFFFE0, s0;
	s17 =	smov.u32 @p3 s1;
	_ =	strace @!p4 $0x9000004D  }
0x55: {  	s1 =	simm.s32 @p2 $0x0;
	s0 =	sadd.s32 @p2 s4, s0;
	_ =	strace @p2 $0x80000049  }
0x56: {  	[tilespmem:s19], [sflag:s20] =	stream.linear.gather @p2 [hbm4b:s0+s1], $0x100, $0x200038;
	[tilespmem:$0x10200] =	vst v63  }
0x57: {  	s28 =	sand.u32 $0x1, s17;
	_ =	strace @p2 $0x90000049  }
0x58: {  	s0 =	sadd.s32 $0x3, s28;
	_ =	strace $0x8000004A  }
0x59: {  	s1 =	sadd.s32 @p3 s26, s18;
	s18 =	simm.s32 $0x0;
	_ =	swait.ge [sflag:s0], $0x100  }
0x5a: {  	s18 =	smov.u32 @p3 s1;
	[sflag:s0] =	ssyncset.done $0x0  }
0x5b: {  	[sflag:s0] =	ssyncadd.s32 $0xFFFFFF00;
	s0 =	sand.u32 $0x1, s18  }
0x5c: {  	s29 =	sshll.u32 s17, $0x8;
	_ =	strace $0x9000004A;
	s30 =	sshll.u32 s0, $0xF  }
0x5d: {  	s1 =	sand.u32 $0x100, s29;
	_ =	strace $0x8000004B;
	s18 =	sor.u32 $0x200, s30  }
0x5e: {  	[tilespmem:s18], [sflag:$0x1] =	stream.indirect.gather [hbm4b:s2+s11], $0x80, s1, s11, $0x2000b8;
	[tilespmem:$0x10200] =	vst v63  }
0x5f: {  	s17 =	sor.u32 $0x4200, s30;
	s1 =	sor.u32 $0x80, s1  }
0x60: {  	[tilespmem:s17], [sflag:$0x2] =	stream.indirect.gather [hbm4b:s2+s11], $0x80, s1, s11, $0x2000b8;
	[tilespmem:$0x10200] =	vst v63  }
0x61: {  	_ =	swait.ge [sflag:s10], $0x4000  }
0x62: {  	[sflag:s10] =	ssyncset.done $0x0  }
0x63: {  	[sflag:s10] =	ssyncadd.s32 $0xFFFFC000  }
0x64: {  	_ =	swait.ge [sflag:s12], $0x4000  }
0x65: {  	[sflag:s12] =	ssyncset.done $0x0  }
0x66: {  	p6 =	seq.s32 s8, s14;
	[sflag:s12] =	ssyncadd.s32 $0xFFFFC000  }
0x67: {  	p0 =	por p6, p0;
	s1 =	sadd.s32 s5, s15;
	_ =	strace $0x9000004B  }
0x68: {  	s1 =	sshll.u32 @p0 s1, $0xC;
	_ =	strace @p0 $0x8000004C  }
0x69: {  	s1 =	sand.u32 @p0 $0x1FFFF000, s1;
	s15 =	rddreg [dreg:$0x3]  }
0x6a: {  	s0 =	sadd.s32 @p0 $0x5, s0;
	s17 =	simm.s32 @p0 $0x0;
	s1 =	sadd.s32 @p0 s15, s1  }
0x6b: {  	[hbm4b:s1+s17] =	stream.linear.scatter @p0 [tilespmem:s18], [sflag:s0], $0x8000, $0x200038;
	[tilespmem:$0x10200] =	vst v63  }
0x6c: {  	s0 =	sand.u32 @!p1 $0x1, s16;
	p1 =	por p1, p1;
	_ =	strace @p0 $0x9000004C  }
0x6d: {  	s0 =	sadd.s32 @!p1 $0x5, s0;
	_ =	strace @!p1 $0x8000004D  }
0x6e: {  	s1 =	simm.s32 $0x1;
	p0 =	sne.s32 s14, $0x0;
	_ =	swait.ge @!p1 [sflag:s0], $0x8000  }
0x6f: {  	s1 =	simm.s32 @!p0 $0x0;
	[sflag:s0] =	ssyncset.done @!p1 $0x0  }
0x70: {  	s13 =	sadd.s32 $0x1, s13;
	s1 =	sadd.s32 s1, s16;
	[sflag:s0] =	ssyncadd.s32 @!p1 $0xFFFF8000  }
0x71: {  	p0 =	sne.s32 s13, s9;
	s31 =	sand.u32 $0x1, s1;
	_ =	strace @!p1 $0x9000004D  }
.Ltmp3:
0x72: {  	s0 =	sadd.s32 $0x5, s31;
	_ =	strace $0x8000004E;
	(pc) =	sbr.rel @p0 .LBB2_1-.Ltmp3, $4  }
.Ltmp4:
0x73: {  	_ =	swait.ge [sflag:s0], $0x8000;
	(pc) =	sbr.rel @!p0 .LBB2_7-.Ltmp4, $4  }
0x74: {  	[sflag:s0] =	ssyncset.done $0x0  }
0x75: {  	[sflag:s0] =	ssyncadd.s32 $0xFFFF8000  }
0x76: {  	_ =	strace $0x9000004E  }
0x77: {  	_ = 	snop  }
.LBB2_2:
.Ltmp5:
0x78: {  	(pc) =	sbr.rel .LBB2_6-.Ltmp5, $3  }
0x79: {  	_ =	sdelay $0x1  }
0x7a: {  	s18 =	simm.s32 $0x0;
	s14 =	simm.s32 $0x0  }
0x7b: {  	s15 =	simm.s32 $0x0;
	s21 =	simm.s32 $0x0;
	s16 =	simm.s32 $0x0  }
.LBB2_4:
.Ltmp6:
0x7c: {  	(pc) =	sbr.rel .LBB2_6-.Ltmp6, $2  }
0x7d: {  	_ =	sdelay $0x2  }
0x7e: {  	s18 =	simm.s32 $0x0;
	s21 =	simm.s32 $0x0  }
.LBB2_7:
0x7f: {  	_ =	sfence.sel $0x180000  }
0x80: {  	[bflag:$0x0] =	sbarrier.arrive $0xFFFF  }
0x81: {  	_ =	strace $0x90000047  }
0x82: {  	s0 =	stileid.u32;
	[bflag:$0x2] =	sbarrier.arrive $0xFFFF  }
0x83: {  	p0 =	sne.s32 s0, $0x0;
	s0 =	rddreg [dreg:$0x2]  }
0x84: {  	s0 =	sadd.s32 @!p0 $0x100000, s0  }
0x85: {  	[sflag:s0] =	ssyncadd.tile.s32 @!p0 $0x1;
	_ =	shalt  }
.Lfunc_end2:
_tile_overlayer_lowered:
.L_overlay_start_2:
0x86: {  	(tag) =	ssettag $0x2  }
0x87: {  	s0 =	rddreg [dreg:$0x0];
	s2 =	stileid.u32  }
0x88: {  	s1 =	rddreg [dreg:$0x1];
	p0 =	sne.s32 s2, $0x0  }
0x89: {  	s3 =	rddreg [dreg:$0x2];
	[bflag:$0x3] =	sbarrier.arrive $0xFFFF;
	s2 =	simm.s32 @!p0 $0x1C03  }
0x8a: {  	[timem:s3], [sflag:s2] =	dma.local @!p0 [hbm:s0], s1  }
0x8b: {  	s0 =	simm.s32 @!p0 $0x3  }
0x8c: {  	_ =	swait.ge @!p0 [sflag:s0], s1  }
0x8d: {  	s1 =	ssub.s32 @!p0 $0x0, s1;
	[sflag:s0] =	ssyncset.done @!p0 $0x0  }
0x8e: {  	[sflag:s0] =	ssyncadd.s32 @!p0 s1  }
0x8f: {  	[bflag:$0x3] =	sbarrier.arrive $0xFFFF  }
0x90: {  	_ =	shalt  }

// kernel: kernel.9.cloned.1.call-start
scs
__scs_entry_jumppad:
0x0: {  	(pc) =	sbr.rel $0x88, $3  }
0x1: {  	(tag) =	ssettag $0x0;
	lr =	simm.s32 $0x1  }
0x2: {  	[smem:$0x3F98] =	sst lr;
	_ =	strace $0xD0000000  }
0x3: {  	_ = 	snop  }
0x4: {  	_ = 	snop  }
0x5: {  	_ = 	snop  }
0x6: {  	_ = 	snop  }
0x7: {  	_ = 	snop  }
__scs_overlays_trampoline_lowered:
0x8: {  	[smem:$0x3FA7] =	sst s0  }
0x9: {  	[smem:$0x3FA8] =	sst s1  }
0xa: {  	[smem:$0x3FA9] =	sst s2  }
0xb: {  	[smem:$0x3FAA] =	sst s3  }
0xc: {  	[smem:$0x3FAB] =	sst s4  }
0xd: {  	[smem:$0x3FAC] =	sst s5  }
0xe: {  	[smem:$0x3FAD] =	sst s6  }
0xf: {  	[smem:$0x3FAE] =	sst s7  }
0x10: {  	[smem:$0x3FAF] =	sst s8  }
0x11: {  	[smem:$0x3FB0] =	sst s9;
	s0 =	simm.s32 @!p0 $0x0  }
0x12: {  	s1 =	sld [smem:$0x3F96];
	s0 =	simm.s32 @p0 $0x1  }
0x13: {  	[smem:$0x3FB1] =	sst s0;
	s0 =	simm.s32 @!p1 $0x0  }
0x14: {  	s2 =	sld [smem:$0x3F95];
	s0 =	simm.s32 @p1 $0x1  }
0x15: {  	[smem:$0x3FB2] =	sst s0;
	s0 =	simm.s32 @!p2 $0x0  }
0x16: {  	s3 =	sld [smem:$0x3FDB];
	s0 =	simm.s32 @p2 $0x1  }
0x17: {  	s4 =	simm.s32 $0x1BF5;
	[smem:$0x3FB4] =	sst s0  }
0x18: {  	s0 =	sld [smem:$0x3F97];
	_ =	swait.ge [sflag:s4], $0x0  }
0x19: {  	s7 =	sld [smem:$0x3F98]  }
0x1a: {  	s8 =	sadd.s32 $0xFFFFE003, lr  }
0x1b: {  	s9 =	sadd.s32 $0xFFFFFEF7, lr;
	s5 =	simm.s32 $0xFFFFFFFF;
	p2 =	slt.u32 s8, $0xFFFFF086  }
0x1c: {  	p1 =	slt.u32 s9, $0xF7A;
	s5 =	simm.s32 @!p2 $0x0  }
0x1d: {  	s5 =	simm.s32 @p1 $0x1;
	p0 =	seq.s32 s7, s2  }
0x1e: {  	s7 =	smul.u32 @!p0 $0xF7A, s2;
	p2 =	seq.s32 @!p0 s5, $0x0  }
0x1f: {  	s9 =	smul.u32 $0xF7A, s1;
	s8 =	simm.s32 @!p0 $0x1BF5;
	p2 =	por !p2, p0  }
0x20: {  	[sflag:s8] =	ssyncset.s32 @!p0 $0xFFFFF086;
	s6 =	sadd.s32 @!p0 s3, s7;
	s7 =	simm.s32 @!p0 $0x108  }
0x21: {  	s3 =	sadd.s32 s3, s9;
	s6 =	sadd.s32 @!p0 $0x88, s6;
	s7 =	simm.s32 @p2 $0x1082  }
0x22: {  	[simem:s7], [sflag:s8] =	dma.local @!p0 [hbm:s6], $0xF7A  }
0x23: {  	s9 =	sor.u32 $0xD0000000, s2;
	s6 =	simm.s32 $0x108;
	_ =	swait.ge @!p0 [sflag:s8], $0x0  }
0x24: {  	s3 =	sadd.s32 $0x88, s3;
	s6 =	simm.s32 @!p1 $0x1082;
	[sflag:s4] =	ssyncset.s32 $0xFFFFF086  }
0x25: {  	[simem:s6], [sflag:s4] =	dma.local [hbm:s3], $0xF7A  }
0x26: {  	[smem:$0x3F98] =	sst s1;
	(tag) =	ssettag s2;
	_ =	strace s9  }
0x27: {  	s1 =	sld [smem:$0x3FA8]  }
0x28: {  	s2 =	sld [smem:$0x3FA9]  }
0x29: {  	s4 =	sld [smem:$0x3FAB]  }
0x2a: {  	p0 =	seq.s32 s5, $0x0;
	s5 =	sld [smem:$0x3FAC]  }
0x2b: {  	s6 =	sld [smem:$0x3FAD]  }
0x2c: {  	s7 =	sld [smem:$0x3FAE]  }
0x2d: {  	s3 =	simm.s32 $0x108;
	s8 =	sld [smem:$0x3FAF]  }
0x2e: {  	s3 =	simm.s32 @!p0 $0x1082;
	s9 =	sld [smem:$0x3FB0]  }
0x2f: {  	lr =	sadd.s32 s0, s3;
	s0 =	sld [smem:$0x3FA7]  }
0x30: {  	s3 =	sld [smem:$0x3FAA]  }
0x31: {  	[smem:$0x3FB3] =	sst s10  }
0x32: {  	s10 =	sld [smem:$0x3FB1];
	_ =	sdelay $0x3  }
0x33: {  	p0 =	seq.s32 s10, $0x1;
	s10 =	sld [smem:$0x3FB3];
	_ =	sdelay $0x3  }
0x34: {  	[smem:$0x3FB3] =	sst s10  }
0x35: {  	s10 =	sld [smem:$0x3FB2];
	_ =	sdelay $0x3  }
0x36: {  	p1 =	seq.s32 s10, $0x1;
	s10 =	sld [smem:$0x3FB3];
	_ =	sdelay $0x3  }
0x37: {  	[smem:$0x3FB3] =	sst s10  }
0x38: {  	s10 =	sld [smem:$0x3FB4]  }
0x39: {  	_ = 	snop;
	(pc) =	sbr.ind lr, $3  }
0x3a: {  	_ = 	snop  }
0x3b: {  	_ = 	snop  }
0x3c: {  	p2 =	seq.s32 s10, $0x1;
	s10 =	sld [smem:$0x3FB3]  }
0x3d: {  	_ =	shalt  }
0x3e: {  	_ =	shalt  }
0x3f: {  	_ =	shalt  }
0x40: {  	_ =	shalt  }
0x41: {  	_ =	shalt  }
0x42: {  	_ =	shalt  }
0x43: {  	_ =	shalt  }
0x44: {  	_ =	shalt  }
0x45: {  	_ =	shalt  }
0x46: {  	_ =	shalt  }
0x47: {  	_ =	shalt  }
0x48: {  	_ =	shalt  }
0x49: {  	_ =	shalt  }
0x4a: {  	_ =	shalt  }
0x4b: {  	_ =	shalt  }
0x4c: {  	_ =	shalt  }
0x4d: {  	_ =	shalt  }
0x4e: {  	_ =	shalt  }
0x4f: {  	_ =	shalt  }
0x50: {  	_ =	shalt  }
0x51: {  	_ =	shalt  }
0x52: {  	_ =	shalt  }
0x53: {  	_ =	shalt  }
0x54: {  	_ =	shalt  }
0x55: {  	_ =	shalt  }
0x56: {  	_ =	shalt  }
0x57: {  	_ =	shalt  }
0x58: {  	_ =	shalt  }
0x59: {  	_ =	shalt  }
0x5a: {  	_ =	shalt  }
0x5b: {  	_ =	shalt  }
0x5c: {  	_ =	shalt  }
0x5d: {  	_ =	shalt  }
0x5e: {  	_ =	shalt  }
0x5f: {  	_ =	shalt  }
0x60: {  	_ =	shalt  }
0x61: {  	_ =	shalt  }
0x62: {  	_ =	shalt  }
0x63: {  	_ =	shalt  }
0x64: {  	_ =	shalt  }
0x65: {  	_ =	shalt  }
0x66: {  	_ =	shalt  }
0x67: {  	_ =	shalt  }
0x68: {  	_ =	shalt  }
0x69: {  	_ =	shalt  }
0x6a: {  	_ =	shalt  }
0x6b: {  	_ =	shalt  }
0x6c: {  	_ =	shalt  }
0x6d: {  	_ =	shalt  }
0x6e: {  	_ =	shalt  }
0x6f: {  	_ =	shalt  }
0x70: {  	_ =	shalt  }
0x71: {  	_ =	shalt  }
0x72: {  	_ =	shalt  }
0x73: {  	_ =	shalt  }
0x74: {  	_ =	shalt  }
0x75: {  	_ =	shalt  }
0x76: {  	_ =	shalt  }
0x77: {  	_ =	shalt  }
0x78: {  	_ =	shalt  }
0x79: {  	_ =	shalt  }
0x7a: {  	_ =	shalt  }
0x7b: {  	_ =	shalt  }
0x7c: {  	_ =	shalt  }
0x7d: {  	_ =	shalt  }
0x7e: {  	_ =	shalt  }
0x7f: {  	_ =	shalt  }
0x80: {  	_ =	shalt  }
0x81: {  	_ =	shalt  }
0x82: {  	_ =	shalt  }
0x83: {  	_ =	shalt  }
0x84: {  	_ =	shalt  }
0x85: {  	_ =	shalt  }
0x86: {  	_ =	shalt  }
0x87: {  	_ =	shalt  }
.Lfunc_end0:
.L_simem_size_0:
called_computation.1_lowered:
.L_overlay_start_0:
0x88: {  	s2 =	sld [smem:$0x3FD9]  }
0x89: {  	s3 =	sld [smem:$0x3FFE];
	_ =	sdelay $0x1  }
0x8a: {  	s1 =	srdreg.scid  }
0x8b: {  	s0 =	sand.u32 $0x1, s1  }
0x8c: {  	s17 =	sshll.u32 s0, $0xA;
	s2 =	sadd.s32 s3, s2  }
0x8d: {  	s2 =	sadd.s32 s2, s17  }
0x8e: {  	[smem:$0x3FBF] =	sst s2  }
0x8f: {  	_ = 	snop  }
0x90: {  	s18 =	sld [smem:$0x3FC7]  }
0x91: {  	s4 =	sld [smem:$0x3FD0];
	(tm) =	ssettm $0x1  }
0x92: {  	s19 =	sld [smem:$0x3FFB];
	_ =	sdelay $0x3  }
0x93: {  	_ =	strace s19  }
0x94: {  	s2 =	sld [smem:$0x3FFC];
	_ =	sdelay $0x3  }
0x95: {  	_ =	strace s2  }
0x96: {  	s2 =	sld [smem:$0x3FFD];
	_ =	sdelay $0x3  }
0x97: {  	_ =	strace s2  }
0x98: {  	_ =	strace $0x8FFFFFFF  }
0x99: {  	s20 =	sld [smem:$0x3FDB];
	_ =	sdelay $0x1  }
0x9a: {  	s5 =	simm.s32 $_scs_section_size  }
0x9b: {  	s6 =	simm.s32 $_size__tile_overlayer_lowered;
	s7 =	simm.s32 $_tile_overlayer_lowered  }
0x9c: {  	s8 =	simm.s32 $0x1BFF;
	s21 =	sshll.u32 s7, $0x1;
	s5 =	sadd.s32 s5, s20  }
0x9d: {  	s22 =	simm.s32 $0x0;
	s6 =	sshll.u32 s6, $0x1;
	s7 =	sadd.s32 s21, s5  }
0x9e: {  	[timem:s22], [sflag:s8] =	dma.local [hbm:s7], s6  }
0x9f: {  	_ =	swait.ge [sflag:s8], s6  }
0xa0: {  	s6 =	ssub.s32 $0x0, s6;
	[sflag:s8] =	ssyncset.done $0x0  }
0xa1: {  	[sflag:s8] =	ssyncadd.s32 s6;
	_ =	sdelay $0x1  }
0xa2: {  	s23 =	simm.s32 $0x1B8B  }
0xa3: {  	_ =	swait.ge [sflag:s23], $0x1  }
0xa4: {  	[sflag:s23] =	ssyncset.done $0x0  }
0xa5: {  	[sflag:s23] =	ssyncadd.s32 $0xFFFFFFFF  }
0xa6: {  	s6 =	sld [smem:$0x0]  }
0xa7: {  	s7 =	sand.u32 $0xFFFFFFFE, s1  }
0xa8: {  	p0 =	sne.s32 s1, s7  }
0xa9: {  	s7 =	sshll.u32 @p0 s7, $0xE  }
0xaa: {  	s7 =	sadd.s32 @p0 $0x11B8D, s7;
	s8 =	sshll.u32 @p0 s6, $0x11  }
0xab: {  	s7 =	sor.u32 @p0 s8, s7  }
0xac: {  	[sflag:s7] =	ssyncadd.remote.s32 @p0 $0x1;
	_ =	sdelay $0x1  }
0xad: {  	s7 =	simm.s32 @p0 $0x1B8D  }
0xae: {  	_ =	swait.eq @p0 [sflag:s7], $0x1  }
0xaf: {  	[sflag:s7] =	ssyncadd.s32 @p0 $0xFFFFFFFF  }
0xb0: {  	s8 =	sshll.u32 @!p0 s1, $0xE  }
0xb1: {  	s8 =	sor.u32 @!p0 $0x4000, s8;
	s7 =	simm.s32 @!p0 $0x1B8D  }
0xb2: {  	s6 =	sshll.u32 @!p0 s6, $0x11;
	s8 =	sadd.s32 @!p0 $0x11B8D, s8;
	_ =	swait.eq @!p0 [sflag:s7], $0x1  }
0xb3: {  	s6 =	sor.u32 @!p0 s6, s8;
	[sflag:s7] =	ssyncadd.s32 @!p0 $0xFFFFFFFF  }
0xb4: {  	s25 =	simm.s32 $0x1B8E;
	s24 =	sld [smem:$0x3FFE];
	[sflag:s6] =	ssyncadd.remote.s32 @!p0 $0x1  }
0xb5: {  	s26 =	simm.s32 $execute0_lowered;
	[smem:$0x3FD2] =	sst s25  }
0xb6: {  	s7 =	sshll.u32 s26, $0x1;
	_ =	strace $0x80000050;
	[dreg:$0x1] =	wrdreg $0xFFFFFFFF  }
0xb7: {  	s28 =	simm.s32 $_size_execute0_lowered;
	s5 =	sadd.s32 s5, s7;
	[dreg:$0x0] =	wrdreg $0x0  }
0xb8: {  	s7 =	sshll.u32 s28, $0x1;
	[dreg:$0x2] =	wrdreg s5  }
0xb9: {  	[dreg:$0x3] =	wrdreg s7  }
0xba: {  	[dreg:$0x4] =	wrdreg $0xC0  }
0xbb: {  	_ =	task [dreg:s22], $0x5FFFF  }
0xbc: {  	[dreg:$0x1] =	wrdreg $0xFFFFFFFF  }
0xbd: {  	[dreg:$0x0] =	wrdreg $0x60  }
0xbe: {  	[dreg:$0x2] =	wrdreg s18  }
0xbf: {  	[dreg:$0x3] =	wrdreg s4  }
0xc0: {  	[dreg:$0x4] =	wrdreg s24  }
0xc1: {  	[dreg:$0x5] =	wrdreg $0xA  }
0xc2: {  	_ =	task.clear_ibuf [dreg:s22], $0x6FFFF;
	_ =	strace $0x90000050  }
0xc3: {  	s29 =	simm.s32 $0xA;
	_ =	strace $0x80000059  }
0xc4: {  	_ =	swait.ge [sflag:s29], $0x1  }
0xc5: {  	[sflag:s29] =	ssyncadd.s32 $0xFFFFFFFF  }
0xc6: {  	_ =	strace $0x90000059  }
0xc7: {  	_ =	sfence  }
0xc8: {  	s30 =	sld [smem:$0x0];
	_ =	sdelay $0x2  }
0xc9: {  	s31 =	sshll.u32 s1, $0xD;
	s1 =	sshrl.u32 s1, $0x2  }
0xca: {  	s4 =	sand.u32 $0x4000, s31;
	s1 =	sadd.s32 s1, s30  }
0xcb: {  	s0 =	sor.u32 s4, s0;
	s1 =	sshll.u32 s1, $0x11  }
0xcc: {  	s0 =	sor.u32 s1, s0  }
0xcd: {  	s0 =	sadd.s32 $0x8F2B, s0  }
0xce: {  	[sflag:s0] =	ssyncadd.remote.s32 $0x1  }
0xcf: {  	_ =	sfence.sel $0xFFFF  }
0xd0: {  	[dreg:$0x0] =	wrdreg $0xFFFFFFFF;
	(pc) =	sbr.abs _section_cstart, $3  }
0xd1: {  	[dreg:$0x1] =	wrdreg $0xFFFFFFFF  }
0xd2: {  	_ =	task.clear_ibuf [dreg:s22], $0x2FFFF;
	_ =	strace $0x9FFFFFFF  }
0xd3: {  	(tm) =	ssettm $0x7FFFFFFF  }
tec
execute0_lowered:
.L_overlay_start_1:
0x0: {  	(tag) =	ssettag $0x1  }
0x1: {  	s1 =	rddreg [dreg:$0x0]  }
0x2: {  	s0 =	srdreg.scid;
	s3 =	rddreg [dreg:$0x1]  }
0x3: {  	s29 =	stileid.u32;
	s6 =	rddreg [dreg:$0x2];
	s8 =	sand.u32 $0x1, s0  }
0x4: {  	s4 =	simm.s32 $0x0;
	s11 =	simm.s32 $0x80;
	s2 =	sshll.u32 s8, $0x4  }
0x5: {  	s12 =	simm.s32 $0x2;
	s13 =	simm.s32 $0x0;
	s5 =	sor.u32 s29, s2  }
0x6: {  	[smem:$0x7FF] =	sst s4;
	s6 =	sadd.s32 $0xD3400, s6;
	s7 =	smul.u32 $0x6, s5  }
0x7: {  	_ =	strace $0x80000051;
	p0 =	seq.s32 s8, $0x0;
	s9 =	smul.u32 $0x7, s5  }
0x8: {  	s30 =	ssub.s32 $0x2, s8;
	[dreg:$0x4] =	wrdreg s6;
	s5 =	sadd.s32 $0x10, s7  }
0x9: {  	s6 =	sxor.u32 $0x7, s8;
	s31 =	sshrl.u32 s30, $0x1;
	s5 =	smov.u32 @p0 s9  }
0xa: {  	s8 =	ssub.s32 $0x6, s8;
	s10 =	ssub.s32 s30, s31;
	s9 =	sshll.u32 s5, $0x5  }
0xb: {  	s7 =	sadd.s32 s3, s9;
	s9 =	smax.u32 s10, $0x1;
	s10 =	simm.s32 $0x1  }
.LBB2_1:
0xc: {  	_ =	strace $0x80000052  }
0xd: {  	p0 =	seq.s32 s6, $0x1;
	s15 =	simm.s32 $0x1;
	p4 =	sne.s32 s6, $0x1  }
0xe: {  	[tilespmem:s4], [sflag:$0x3] =	stream.linear.gather [hbm4b:s7+s4], $0x100, $0x200038;
	[tilespmem:$0x10200] =	vst v63  }
.Ltmp0:
0xf: {  	s15 =	simm.s32 @p0 $0x0;
	(pc) =	sbr.rel @!p4 .LBB2_2-.Ltmp0, $4  }
0x10: {  	p1 =	sgt.u32 s8, $0x0;
	p0 =	sne.s32 s15, $0x0  }
0x11: {  	s14 =	simm.s32 $0x1;
	p2 =	por !p1, !p0  }
0x12: {  	p3 =	por $0x0, $0x0;
	_ =	strace $0x90000052;
	p2 =	por !p2, !p2  }
0x13: {  	p1 =	por $0x1, $0x1;
	s29 =	sadd.s32 @p2 s5, s15;
	s25 =	sand.u32 @p2 $0x1, s10  }
0x14: {  	s16 =	sshll.u32 @p2 s29, $0x5;
	s17 =	simm.s32 @p2 $0x0;
	s18 =	sshll.u32 @p2 s25, $0x8  }
0x15: {  	s19 =	sadd.s32 @p2 $0x3, s25;
	_ =	strace @p2 $0x80000053;
	s26 =	simm.s32 $0x0  }
0x16: {  	s20 =	sand.u32 @!p1 $0x1, s4;
	p5 =	sne.s32 s6, $0x2;
	s16 =	sand.u32 @p2 $0x1FFFFFE0, s16  }
0x17: {  	p4 =	por p1, p1;
	p1 =	por $0x0, $0x0;
	s16 =	sadd.s32 @p2 s3, s16  }
0x18: {  	[tilespmem:s18], [sflag:s19] =	stream.linear.gather @p2 [hbm4b:s16+s17], $0x100, $0x200038;
	[tilespmem:$0x10200] =	vst v63  }
0x19: {  	p3 =	seq.s32 s8, $0x0;
	s19 =	sand.u32 $0x1, s4;
	_ =	strace @p2 $0x90000053  }
0x1a: {  	s21 =	sadd.s32 $0x0, s5;
	s25 =	sadd.s32 $0x3, s19;
	_ =	strace $0x80000054  }
0x1b: {  	s23 =	sadd.s32 @!p4 $0x5, s20;
	s20 =	sadd.s32 $0x1, s15;
	_ =	swait.ge [sflag:s25], $0x100  }
0x1c: {  	p6 =	por p3, p0;
	p3 =	sgt.u32 s8, $0x1;
	[sflag:s25] =	ssyncset.done $0x0  }
0x1d: {  	s28 =	sshll.u32 @p6 s21, $0xC;
	s21 =	simm.s32 $0x0;
	[sflag:s25] =	ssyncadd.s32 $0xFFFFFF00  }
0x1e: {  	s17 =	simm.s32 $0x2;
	s31 =	sshll.u32 s19, $0xF;
	_ =	strace $0x90000054  }
0x1f: {  	s18 =	sand.u32 $0x100, s26;
	s22 =	sor.u32 $0x200, s31;
	_ =	strace $0x80000055  }
0x20: {  	[tilespmem:s22], [sflag:$0x1] =	stream.indirect.gather [hbm4b:s1+s11], $0x80, s18, s11, $0x2000b8;
	[tilespmem:$0x10200] =	vst v63  }
0x21: {  	s26 =	simm.s32 $0x1;
	s16 =	sor.u32 $0x4200, s31;
	s18 =	sor.u32 $0x80, s18  }
0x22: {  	[tilespmem:s16], [sflag:$0x2] =	stream.indirect.gather [hbm4b:s1+s11], $0x80, s18, s11, $0x2000b8;
	[tilespmem:$0x10200] =	vst v63  }
0x23: {  	s18 =	simm.s32 $0x1;
	s16 =	simm.s32 $0x1;
	_ =	swait.ge [sflag:s10], $0x4000  }
0x24: {  	s18 =	simm.s32 @!p2 $0x0;
	p2 =	por $0x0, $0x0;
	[sflag:s10] =	ssyncset.done $0x0  }
0x25: {  	s26 =	simm.s32 @!p6 $0x0;
	s16 =	simm.s32 @!p2 $0x0;
	[sflag:s10] =	ssyncadd.s32 $0xFFFFC000  }
0x26: {  	p2 =	seq.s32 s20, s6;
	s24 =	sadd.s32 $0x1, s18;
	_ =	swait.ge [sflag:s12], $0x4000  }
.Ltmp1:
0x27: {  	s20 =	simm.s32 @p2 $0x0;
	[sflag:s12] =	ssyncset.done $0x0;
	(pc) =	sbr.rel @!p5 .LBB2_4-.Ltmp1, $4  }
0x28: {  	s18 =	simm.s32 $0x0;
	p0 =	sne.s32 s15, s20;
	[sflag:s12] =	ssyncadd.s32 $0xFFFFC000  }
0x29: {  	s16 =	sadd.s32 $0x0, s16;
	p2 =	por !p3, !p0;
	_ =	strace $0x90000055  }
0x2a: {  	p3 =	por $0x1, $0x1;
	p2 =	por !p2, !p2;
	_ =	strace @p6 $0x80000056  }
0x2b: {  	s29 =	sadd.s32 @p2 s5, s20;
	s25 =	sand.u32 @p2 $0x1, s24;
	s30 =	rddreg [dreg:$0x4]  }
.LBB2_5:
0x2c: {  	s31 =	sshll.u32 @p2 s29, $0x5  }
0x2d: {  	s2 =	sand.u32 @p6 $0x1FFFF000, s28;
	s29 =	smov.u32 s15;
	s19 =	sadd.s32 @p6 $0x5, s19  }
0x2e: {  	s15 =	sand.u32 @p2 $0x1FFFFFE0, s31;
	s31 =	simm.s32 @p6 $0x0;
	s2 =	sadd.s32 @p6 s30, s2  }
0x2f: {  	[hbm4b:s2+s31] =	stream.linear.scatter @p6 [tilespmem:s22], [sflag:s19], $0x8000, $0x200038;
	[tilespmem:$0x10200] =	vst v63  }
0x30: {  	_ =	strace @p6 $0x90000056  }
0x31: {  	s18 =	sadd.s32 s26, s18;
	s28 =	smov.u32 s14;
	_ =	strace @!p4 $0x80000057  }
0x32: {  	s14 =	smov.u32 s17;
	s21 =	sadd.s32 s26, s21;
	_ =	swait.ge @!p4 [sflag:s23], $0x8000  }
0x33: {  	s17 =	sadd.s32 $0x1, s17;
	s26 =	sshll.u32 s21, $0x8;
	[sflag:s23] =	ssyncset.done @!p4 $0x0  }
0x34: {  	s30 =	sand.u32 @!p1 $0x1, s16;
	p5 =	sne.s32 s6, s17;
	[sflag:s23] =	ssyncadd.s32 @!p4 $0xFFFF8000  }
0x35: {  	s0 =	sadd.s32 @p2 s3, s15;
	s19 =	simm.s32 @p2 $0x0;
	_ =	strace @!p4 $0x90000057  }
0x36: {  	s22 =	sshll.u32 @p2 s25, $0x8;
	s23 =	sadd.s32 @p2 $0x3, s25;
	_ =	strace @p2 $0x80000053  }
0x37: {  	[tilespmem:s22], [sflag:s23] =	stream.linear.gather @p2 [hbm4b:s0+s19], $0x100, $0x200038;
	[tilespmem:$0x10200] =	vst v63  }
0x38: {  	s31 =	sand.u32 $0x1, s21;
	s15 =	smov.u32 s20;
	_ =	strace @p2 $0x90000053  }
0x39: {  	p6 =	seq.s32 s8, s28;
	s23 =	sadd.s32 $0x3, s31;
	_ =	strace $0x80000054  }
0x3a: {  	s20 =	sadd.s32 $0x1, s20;
	p6 =	por p6, p0;
	_ =	swait.ge [sflag:s23], $0x100  }
0x3b: {  	p4 =	por p1, p1;
	p1 =	seq.s32 s14, $0x0;
	[sflag:s23] =	ssyncset.done $0x0  }
0x3c: {  	s19 =	sand.u32 $0x1, s18;
	s31 =	sand.u32 $0x100, s26;
	[sflag:s23] =	ssyncadd.s32 $0xFFFFFF00  }
0x3d: {  	s26 =	simm.s32 $0x1;
	s25 =	sshll.u32 s19, $0xF;
	_ =	strace $0x90000054  }
0x3e: {  	s2 =	sor.u32 $0x80, s31;
	s22 =	sor.u32 $0x200, s25;
	_ =	strace $0x80000055  }
0x3f: {  	[tilespmem:s22], [sflag:$0x1] =	stream.indirect.gather [hbm4b:s1+s11], $0x80, s31, s11, $0x2000b8;
	[tilespmem:$0x10200] =	vst v63  }
0x40: {  	s26 =	simm.s32 @!p6 $0x0;
	s0 =	sor.u32 $0x4200, s25;
	s25 =	simm.s32 $0x1  }
0x41: {  	[tilespmem:s0], [sflag:$0x2] =	stream.indirect.gather [hbm4b:s1+s11], $0x80, s2, s11, $0x2000b8;
	[tilespmem:$0x10200] =	vst v63  }
0x42: {  	s23 =	sadd.s32 @!p4 $0x5, s30;
	s0 =	simm.s32 $0x1;
	_ =	swait.ge [sflag:s10], $0x4000  }
0x43: {  	s2 =	sadd.s32 s5, s29;
	s0 =	simm.s32 @!p2 $0x0;
	[sflag:s10] =	ssyncset.done $0x0  }
0x44: {  	p2 =	sne.s32 s28, $0x0;
	s28 =	sshll.u32 @p6 s2, $0xC;
	[sflag:s10] =	ssyncadd.s32 $0xFFFFC000  }
0x45: {  	s25 =	simm.s32 @!p2 $0x0;
	p2 =	seq.s32 s20, s6;
	_ =	swait.ge [sflag:s12], $0x4000  }
.Ltmp2:
0x46: {  	s20 =	simm.s32 @p2 $0x0;
	[sflag:s12] =	ssyncset.done $0x0;
	(pc) =	sbr.rel @p5 .LBB2_5-.Ltmp2, $4  }
0x47: {  	p2 =	slt.u32 s14, s8;
	p0 =	sne.s32 s15, s20;
	[sflag:s12] =	ssyncadd.s32 $0xFFFFC000  }
0x48: {  	s24 =	sadd.s32 s0, s24;
	p2 =	por !p2, !p0;
	_ =	strace $0x90000055  }
0x49: {  	s16 =	sadd.s32 s25, s16;
	p2 =	por !p2, !p2;
	_ =	strace @p6 $0x80000056  }
0x4a: {  	s29 =	sadd.s32 @p2 s5, s20;
	s25 =	sand.u32 @p2 $0x1, s24;
	s30 =	rddreg [dreg:$0x4]  }
.LBB2_6:
0x4b: {  	p5 =	por !p6, !p3  }
0x4c: {  	s0 =	sand.u32 @!p5 $0x1FFFF000, s28  }
0x4d: {  	s2 =	sadd.s32 @!p5 $0x5, s19;
	s17 =	simm.s32 @!p5 $0x0;
	s0 =	sadd.s32 @!p5 s30, s0  }
0x4e: {  	[hbm4b:s0+s17] =	stream.linear.scatter @!p5 [tilespmem:s22], [sflag:s2], $0x8000, $0x200038;
	[tilespmem:$0x10200] =	vst v63  }
0x4f: {  	p4 =	por p4, !p3;
	_ =	strace @!p5 $0x90000056  }
0x50: {  	_ =	strace @!p4 $0x80000057  }
0x51: {  	s20 =	sadd.s32 @p2 $0x3, s25;
	_ =	swait.ge @!p4 [sflag:s23], $0x8000  }
0x52: {  	s19 =	sshll.u32 @p2 s25, $0x8;
	s0 =	sshll.u32 @p2 s29, $0x5;
	[sflag:s23] =	ssyncset.done @!p4 $0x0  }
0x53: {  	s2 =	sadd.s32 @p3 s26, s21;
	s17 =	simm.s32 $0x0;
	[sflag:s23] =	ssyncadd.s32 @!p4 $0xFFFF8000  }
0x54: {  	s0 =	sand.u32 @p2 $0x1FFFFFE0, s0;
	s17 =	smov.u32 @p3 s2;
	_ =	strace @!p4 $0x90000057  }
0x55: {  	s2 =	simm.s32 @p2 $0x0;
	s0 =	sadd.s32 @p2 s3, s0;
	_ =	strace @p2 $0x80000053  }
0x56: {  	[tilespmem:s19], [sflag:s20] =	stream.linear.gather @p2 [hbm4b:s0+s2], $0x100, $0x200038;
	[tilespmem:$0x10200] =	vst v63  }
0x57: {  	s28 =	sand.u32 $0x1, s17;
	_ =	strace @p2 $0x90000053  }
0x58: {  	s0 =	sadd.s32 $0x3, s28;
	_ =	strace $0x80000054  }
0x59: {  	s2 =	sadd.s32 @p3 s26, s18;
	s18 =	simm.s32 $0x0;
	_ =	swait.ge [sflag:s0], $0x100  }
0x5a: {  	s18 =	smov.u32 @p3 s2;
	[sflag:s0] =	ssyncset.done $0x0  }
0x5b: {  	[sflag:s0] =	ssyncadd.s32 $0xFFFFFF00;
	s0 =	sand.u32 $0x1, s18  }
0x5c: {  	s29 =	sshll.u32 s17, $0x8;
	_ =	strace $0x90000054;
	s30 =	sshll.u32 s0, $0xF  }
0x5d: {  	s2 =	sand.u32 $0x100, s29;
	_ =	strace $0x80000055;
	s18 =	sor.u32 $0x200, s30  }
0x5e: {  	[tilespmem:s18], [sflag:$0x1] =	stream.indirect.gather [hbm4b:s1+s11], $0x80, s2, s11, $0x2000b8;
	[tilespmem:$0x10200] =	vst v63  }
0x5f: {  	s17 =	sor.u32 $0x4200, s30;
	s2 =	sor.u32 $0x80, s2  }
0x60: {  	[tilespmem:s17], [sflag:$0x2] =	stream.indirect.gather [hbm4b:s1+s11], $0x80, s2, s11, $0x2000b8;
	[tilespmem:$0x10200] =	vst v63  }
0x61: {  	_ =	swait.ge [sflag:s10], $0x4000  }
0x62: {  	[sflag:s10] =	ssyncset.done $0x0  }
0x63: {  	[sflag:s10] =	ssyncadd.s32 $0xFFFFC000  }
0x64: {  	_ =	swait.ge [sflag:s12], $0x4000  }
0x65: {  	[sflag:s12] =	ssyncset.done $0x0  }
0x66: {  	p6 =	seq.s32 s8, s14;
	[sflag:s12] =	ssyncadd.s32 $0xFFFFC000  }
0x67: {  	p0 =	por p6, p0;
	s2 =	sadd.s32 s5, s15;
	_ =	strace $0x90000055  }
0x68: {  	s2 =	sshll.u32 @p0 s2, $0xC;
	_ =	strace @p0 $0x80000056  }
0x69: {  	s2 =	sand.u32 @p0 $0x1FFFF000, s2;
	s15 =	rddreg [dreg:$0x4]  }
0x6a: {  	s0 =	sadd.s32 @p0 $0x5, s0;
	s17 =	simm.s32 @p0 $0x0;
	s2 =	sadd.s32 @p0 s15, s2  }
0x6b: {  	[hbm4b:s2+s17] =	stream.linear.scatter @p0 [tilespmem:s18], [sflag:s0], $0x8000, $0x200038;
	[tilespmem:$0x10200] =	vst v63  }
0x6c: {  	s0 =	sand.u32 @!p1 $0x1, s16;
	p1 =	por p1, p1;
	_ =	strace @p0 $0x90000056  }
0x6d: {  	s0 =	sadd.s32 @!p1 $0x5, s0;
	_ =	strace @!p1 $0x80000057  }
0x6e: {  	s2 =	simm.s32 $0x1;
	p0 =	sne.s32 s14, $0x0;
	_ =	swait.ge @!p1 [sflag:s0], $0x8000  }
0x6f: {  	s2 =	simm.s32 @!p0 $0x0;
	[sflag:s0] =	ssyncset.done @!p1 $0x0  }
0x70: {  	s13 =	sadd.s32 $0x1, s13;
	s2 =	sadd.s32 s2, s16;
	[sflag:s0] =	ssyncadd.s32 @!p1 $0xFFFF8000  }
0x71: {  	p0 =	sne.s32 s13, s9;
	s31 =	sand.u32 $0x1, s2;
	_ =	strace @!p1 $0x90000057  }
.Ltmp3:
0x72: {  	s0 =	sadd.s32 $0x5, s31;
	_ =	strace $0x80000058;
	(pc) =	sbr.rel @p0 .LBB2_1-.Ltmp3, $4  }
.Ltmp4:
0x73: {  	_ =	swait.ge [sflag:s0], $0x8000;
	(pc) =	sbr.rel @!p0 .LBB2_7-.Ltmp4, $4  }
0x74: {  	[sflag:s0] =	ssyncset.done $0x0  }
0x75: {  	[sflag:s0] =	ssyncadd.s32 $0xFFFF8000  }
0x76: {  	_ =	strace $0x90000058  }
0x77: {  	_ = 	snop  }
.LBB2_2:
.Ltmp5:
0x78: {  	(pc) =	sbr.rel .LBB2_6-.Ltmp5, $3  }
0x79: {  	_ =	sdelay $0x1  }
0x7a: {  	s18 =	simm.s32 $0x0;
	s14 =	simm.s32 $0x0  }
0x7b: {  	s15 =	simm.s32 $0x0;
	s21 =	simm.s32 $0x0;
	s16 =	simm.s32 $0x0  }
.LBB2_4:
.Ltmp6:
0x7c: {  	(pc) =	sbr.rel .LBB2_6-.Ltmp6, $2  }
0x7d: {  	_ =	sdelay $0x2  }
0x7e: {  	s18 =	simm.s32 $0x0;
	s21 =	simm.s32 $0x0  }
.LBB2_7:
0x7f: {  	_ =	sfence.sel $0x180000  }
0x80: {  	[bflag:$0x0] =	sbarrier.arrive $0xFFFF  }
0x81: {  	_ =	strace $0x90000051  }
0x82: {  	s0 =	stileid.u32;
	[bflag:$0x2] =	sbarrier.arrive $0xFFFF  }
0x83: {  	p0 =	sne.s32 s0, $0x0;
	s0 =	rddreg [dreg:$0x3]  }
0x84: {  	s0 =	sadd.s32 @!p0 $0x100000, s0  }
0x85: {  	[sflag:s0] =	ssyncadd.tile.s32 @!p0 $0x1;
	_ =	shalt  }
.Lfunc_end2:
_tile_overlayer_lowered:
.L_overlay_start_2:
0x86: {  	(tag) =	ssettag $0x2  }
0x87: {  	s0 =	rddreg [dreg:$0x0];
	s2 =	stileid.u32  }
0x88: {  	s1 =	rddreg [dreg:$0x1];
	p0 =	sne.s32 s2, $0x0  }
0x89: {  	s3 =	rddreg [dreg:$0x2];
	[bflag:$0x3] =	sbarrier.arrive $0xFFFF;
	s2 =	simm.s32 @!p0 $0x1C03  }
0x8a: {  	[timem:s3], [sflag:s2] =	dma.local @!p0 [hbm:s0], s1  }
0x8b: {  	s0 =	simm.s32 @!p0 $0x3  }
0x8c: {  	_ =	swait.ge @!p0 [sflag:s0], s1  }
0x8d: {  	s1 =	ssub.s32 @!p0 $0x0, s1;
	[sflag:s0] =	ssyncset.done @!p0 $0x0  }
0x8e: {  	[sflag:s0] =	ssyncadd.s32 @!p0 s1  }
0x8f: {  	[bflag:$0x3] =	sbarrier.arrive $0xFFFF  }
0x90: {  	_ =	shalt  }

</sc_bundles>
